<compile_context>
chip_gen: v7x
topology: tpu7x:2x2x1
jax: 0.10.2.dev20260603
libtpu: 0.0.44.dev20260713+nightly
codegen_flags: <defaults>
</compile_context>

<pallas_src>
import functools

import jax
import jax.numpy as jnp
from jax import lax
from jax.experimental import pallas as pl
from jax.experimental.pallas import tpu as pltpu
from jax.experimental.pallas import tpu_sc as plsc

N = 10000
E = 320000
DF = 128
H = 8
HD = 16
NCLS = 7
NEG = 0.2

NP = 10240
C = 128
NTILES = 32
CHUNKS = E // (NTILES * C) + 1
PER_TILE = CHUNKS * C
EPAD = PER_TILE * NTILES
ROWS_PER_TILE = NP // 16

_sc_mesh = plsc.VectorSubcoreMesh(core_axis_name="c", subcore_axis_name="s")
_sc_params = pltpu.CompilerParams(use_tc_tiling_on_sc=False)


def _js(*shape):
    return jax.ShapeDtypeStruct(shape, jnp.float32)



def _k1_body(x_ref, w1_ref, afwd_ref, arev_ref, xh_out, sfwd_out, srev_out, m_out):
    x = x_ref[...]
    xh = jnp.dot(x, w1_ref[...], preferred_element_type=jnp.float32)
    xh_out[...] = xh
    sf = jnp.dot(xh, afwd_ref[...], preferred_element_type=jnp.float32)
    sr = jnp.dot(xh, arev_ref[...], preferred_element_type=jnp.float32)
    sfwd_out[...] = sf
    srev_out[...] = sr
    msum = jnp.max(sf, axis=0) + jnp.max(sr, axis=0)
    m16 = jnp.maximum(msum, NEG * msum)
    m_out[...] = jnp.broadcast_to(m16[None, :], (8, 16))


K3_BR = 2048


def _k3_body(acca_ref, accb_ref, inva_out, dinvw_out, binvw_out):
    br = K3_BR
    pa = acca_ref[0] + acca_ref[1]
    pb = accb_ref[0] + accb_ref[1]
    degn = pa[:, 8:9]
    dege = pb[:, 0:1]
    dinv = jnp.where(degn > 0, 1.0 / degn, 0.0)
    binv = jnp.where(dege > 0, 1.0 / dege, 0.0)
    ia = 1.0 / (pa + 1e-16)
    colid = lax.broadcasted_iota(jnp.int32, (br, 16), 1)
    out = jnp.where(colid < 8, ia, 0.0)
    out = jnp.where(colid == 8, jnp.broadcast_to(dinv, (br, 16)), out)
    out = jnp.where(colid == 9, jnp.broadcast_to(binv, (br, 16)), out)
    inva_out[...] = out
    ia_rep = jnp.broadcast_to(ia[:, :8, None], (br, 8, HD)).reshape(br, DF)
    dinvw_out[...] = jnp.broadcast_to(dinv, (br, DF)) * ia_rep
    binvw_out[...] = jnp.broadcast_to(binv, (br, DF))


def _k5_body(p_ref, binvw_ref, out):
    out[...] = (p_ref[0] + p_ref[1]) * binvw_ref[...]


def _k7_body(p_ref, dinvw_ref, b1_ref, w2p_ref, out):
    o = (p_ref[0] + p_ref[1]) * dinvw_ref[...] + b1_ref[...]
    h = jnp.where(o > 0, o, jnp.exp(o) - 1.0)
    out[...] = jnp.dot(h, w2p_ref[...], preferred_element_type=jnp.float32)


def _k9_body(p_ref, inva_ref, out):
    binv = inva_ref[:, 9:10]
    out[...] = (p_ref[0] + p_ref[1]) * jnp.broadcast_to(binv, (NP, 16))


def _k11_body(p_ref, inva_ref, b2p_ref, out):
    dinv = inva_ref[:, 8:9]
    o = (p_ref[0] + p_ref[1]) * jnp.broadcast_to(dinv, (NP, 16)) + b2p_ref[...]
    colid = lax.broadcasted_iota(jnp.int32, (NP, 16), 1)
    o = jnp.where(colid < NCLS, o, -1e30)
    m = jnp.max(o, axis=1, keepdims=True)
    ex = jnp.where(colid < NCLS, jnp.exp(o - m), 0.0)
    lse = jnp.log(jnp.sum(ex, axis=1, keepdims=True))
    out[...] = o - m - lse



def _zero_rows(buf, nrows, width=16):
    z = jnp.zeros((16,), jnp.float32)

    def body(i, _):
        for k in range(width // 16):
            buf[i, pl.ds(k * 16, 16)] = z
        return 0

    lax.fori_loop(0, nrows, body, 0)


def _k2_body(row_hbm, col_hbm, sfwd_hbm, srev_hbm, mv_hbm,
             a_out, acca_out, accb_out,
             row_v, col_v, g1, g2, a_buf, ones_buf, zbuf, mv_v,
             acca, accb, gsem):
    c = lax.axis_index("c")
    s = lax.axis_index("s")
    wid = c * 16 + s
    _zero_rows(zbuf, ROWS_PER_TILE)
    pltpu.sync_copy(zbuf, acca.at[pl.ds(s * ROWS_PER_TILE, ROWS_PER_TILE), :])
    pltpu.sync_copy(zbuf, accb.at[pl.ds(s * ROWS_PER_TILE, ROWS_PER_TILE), :])
    pltpu.sync_copy(mv_hbm, mv_v)
    idx16 = lax.iota(jnp.int32, 16)
    onerow = jnp.where(idx16 == 0, 1.0, 0.0).astype(jnp.float32)

    def initones(i, _):
        ones_buf[i, :] = onerow
        return 0

    lax.fori_loop(0, C, initones, 0)
    mv = mv_v[...]
    pltpu.sync_copy(row_hbm.at[pl.ds(wid * CHUNKS, CHUNKS), :], row_v)
    pltpu.sync_copy(col_hbm.at[pl.ds(wid * CHUNKS, CHUNKS), :], col_v)
    plsc.subcore_barrier()

    base0 = wid * PER_TILE

    def chunk(j, _):
        base = base0 + j * C
        cp1 = pltpu.async_copy(sfwd_hbm.at[row_v.at[j]], g1, gsem)
        cp2 = pltpu.async_copy(srev_hbm.at[col_v.at[j]], g2, gsem)
        cp1.wait()
        cp2.wait()

        def edge(e, _):
            z = g1[e, :] + g2[e, :]
            zl = jnp.maximum(z, NEG * z)
            a_buf[e, :] = jnp.exp(zl - mv)
            return 0

        lax.fori_loop(0, C, edge, 0)
        pltpu.sync_copy(a_buf, a_out.at[pl.ds(base, C), :])
        pltpu.sync_copy(a_buf, acca.at[row_v.at[j]], add=True)
        pltpu.sync_copy(ones_buf, accb.at[col_v.at[j]], add=True)
        return 0

    lax.fori_loop(0, CHUNKS, chunk, 0)
    plsc.subcore_barrier()
    sl = pl.ds(s * ROWS_PER_TILE, ROWS_PER_TILE)
    pltpu.sync_copy(acca.at[sl, :], acca_out.at[c, sl, :])
    pltpu.sync_copy(accb.at[sl, :], accb_out.at[c, sl, :])


def _kprop_body(with_ia, gidx_hbm, sidx_hbm, a_hbm, inva_hbm, tab_hbm,
                out_p,
                gi_v, si_v, ia, a_buf, w_buf, rows,
                acc, gsem, asem):
    c = lax.axis_index("c")
    s = lax.axis_index("s")
    wid = c * 16 + s
    _zero_rows(rows, C, DF)
    for off in range(0, ROWS_PER_TILE, C):
        n = min(C, ROWS_PER_TILE - off)
        pltpu.sync_copy(rows.at[pl.ds(0, n), :],
                        acc.at[pl.ds(s * ROWS_PER_TILE + off, n), :])
    plsc.subcore_barrier()

    pltpu.sync_copy(gidx_hbm.at[pl.ds(wid * CHUNKS, CHUNKS), :], gi_v)
    pltpu.sync_copy(sidx_hbm.at[pl.ds(wid * CHUNKS, CHUNKS), :], si_v)
    base0 = wid * PER_TILE

    def chunk(j, _):
        base = base0 + j * C
        cp1 = pltpu.async_copy(tab_hbm.at[gi_v.at[j]], rows, gsem)
        cp2 = (pltpu.async_copy(inva_hbm.at[gi_v.at[j]], ia, gsem)
               if with_ia else None)
        cp3 = pltpu.async_copy(a_hbm.at[pl.ds(base, C), :], a_buf, asem)
        cp1.wait()
        cp3.wait()
        if with_ia:
            cp2.wait()

            def wcomp(e, _):
                w_buf[e, :] = a_buf[e, :] * ia[e, :]
                return 0

            lax.fori_loop(0, C, wcomp, 0)
        wsrc = w_buf if with_ia else a_buf

        def edge(e, _):
            wrow = wsrc[e, :]
            for hh in range(H):
                sl = pl.ds(hh * HD, HD)
                wv = jnp.full((HD,), wrow[hh], jnp.float32)
                rows[e, sl] = rows[e, sl] * wv
            return 0

        lax.fori_loop(0, C, edge, 0)
        pltpu.sync_copy(rows, acc.at[si_v.at[j]], add=True)
        return 0

    lax.fori_loop(0, CHUNKS, chunk, 0)
    plsc.subcore_barrier()
    sl = pl.ds(s * ROWS_PER_TILE, ROWS_PER_TILE)
    pltpu.sync_copy(acc.at[sl, :], out_p.at[c, sl, :])


def _kthin_body(gidx_hbm, sidx_hbm, tab_hbm,
                out_p,
                gi_v, si_v, g, zbuf,
                acc, gsem):
    c = lax.axis_index("c")
    s = lax.axis_index("s")
    wid = c * 16 + s
    _zero_rows(zbuf, ROWS_PER_TILE)
    pltpu.sync_copy(zbuf, acc.at[pl.ds(s * ROWS_PER_TILE, ROWS_PER_TILE), :])
    plsc.subcore_barrier()

    pltpu.sync_copy(gidx_hbm.at[pl.ds(wid * CHUNKS, CHUNKS), :], gi_v)
    pltpu.sync_copy(sidx_hbm.at[pl.ds(wid * CHUNKS, CHUNKS), :], si_v)
    base0 = wid * PER_TILE

    def chunk(j, _):
        pltpu.async_copy(tab_hbm.at[gi_v.at[j]], g, gsem).wait()
        pltpu.sync_copy(g, acc.at[si_v.at[j]], add=True)
        return 0

    lax.fori_loop(0, CHUNKS, chunk, 0)
    plsc.subcore_barrier()
    sl = pl.ds(s * ROWS_PER_TILE, ROWS_PER_TILE)
    pltpu.sync_copy(acc.at[sl, :], out_p.at[c, sl, :])



def kernel(x, edge_index, W1, att1, b1, W2, b2):
    f32 = jnp.float32
    x_p = jnp.zeros((NP, DF), f32).at[:N].set(x)
    pad = jnp.full((EPAD - E,), N, jnp.int32)
    row_p = jnp.concatenate([edge_index[0], pad]).reshape(EPAD // C, C)
    col_p = jnp.concatenate([edge_index[1], pad]).reshape(EPAD // C, C)
    af = att1[0, :, :HD]
    ar = att1[0, :, HD:]
    eye = jnp.eye(H, dtype=f32)
    afwd = (af[:, :, None] * eye[:, None, :]).reshape(DF, H)
    arev = (ar[:, :, None] * eye[:, None, :]).reshape(DF, H)
    afwd = jnp.pad(afwd, ((0, 0), (0, 8)))
    arev = jnp.pad(arev, ((0, 0), (0, 8)))
    w2p = jnp.pad(W2, ((0, 0), (0, 16 - NCLS)))
    b1r = b1.reshape(1, DF)
    b2p = jnp.pad(b2, (0, 16 - NCLS)).reshape(1, 16)

    xh_p, sfwd, srev, m8 = pl.pallas_call(
        _k1_body,
        out_shape=[_js(NP, DF), _js(NP, 16), _js(NP, 16), _js(8, 16)],
    )(x_p, W1, afwd, arev)
    mvec = m8[0]

    k2 = functools.partial(
        pl.kernel,
        mesh=_sc_mesh,
        compiler_params=_sc_params,
        out_type=[_js(EPAD, 16), _js(2, NP, 16), _js(2, NP, 16)],
        scratch_types=[
            pltpu.VMEM((CHUNKS, C), jnp.int32),
            pltpu.VMEM((CHUNKS, C), jnp.int32),
            pltpu.VMEM((C, 16), f32),
            pltpu.VMEM((C, 16), f32),
            pltpu.VMEM((C, 16), f32),
            pltpu.VMEM((C, 16), f32),
            pltpu.VMEM((ROWS_PER_TILE, 16), f32),
            pltpu.VMEM((16,), f32),
            pltpu.VMEM_SHARED((NP, 16), f32),
            pltpu.VMEM_SHARED((NP, 16), f32),
            pltpu.SemaphoreType.DMA,
        ],
    )(_k2_body)
    a_e, acca_p, accb_p = k2(row_p, col_p, sfwd, srev, mvec)

    inva, dinvw, binvw = pl.pallas_call(
        _k3_body,
        grid=(NP // K3_BR,),
        in_specs=[
            pl.BlockSpec((2, K3_BR, 16), lambda i: (0, i, 0)),
            pl.BlockSpec((2, K3_BR, 16), lambda i: (0, i, 0)),
        ],
        out_specs=[
            pl.BlockSpec((K3_BR, 16), lambda i: (i, 0)),
            pl.BlockSpec((K3_BR, DF), lambda i: (i, 0)),
            pl.BlockSpec((K3_BR, DF), lambda i: (i, 0)),
        ],
        out_shape=[_js(NP, 16), _js(NP, DF), _js(NP, DF)],
    )(acca_p, accb_p)

    def _mk_kprop(with_ia):
        return functools.partial(
            pl.kernel,
            mesh=_sc_mesh,
            compiler_params=_sc_params,
            out_type=[_js(2, NP, DF)],
            scratch_types=[
                pltpu.VMEM((CHUNKS, C), jnp.int32),
                pltpu.VMEM((CHUNKS, C), jnp.int32),
                pltpu.VMEM((C, 16), f32),
                pltpu.VMEM((C, 16), f32),
                pltpu.VMEM((C, 16), f32),
                pltpu.VMEM((C, DF), f32),
                pltpu.VMEM_SHARED((NP, DF), f32),
                pltpu.SemaphoreType.DMA,
                pltpu.SemaphoreType.DMA,
            ],
        )(functools.partial(_kprop_body, with_ia))

    (oute_p,) = _mk_kprop(True)(row_p, col_p, a_e, inva, xh_p)

    oute_b = pl.pallas_call(_k5_body, out_shape=_js(NP, DF))(oute_p, binvw)

    (out1_p,) = _mk_kprop(False)(col_p, row_p, a_e, inva, oute_b)

    x2p = pl.pallas_call(_k7_body, out_shape=_js(NP, 16))(out1_p, dinvw, b1r, w2p)

    kthin = functools.partial(
        pl.kernel,
        mesh=_sc_mesh,
        compiler_params=_sc_params,
        out_type=[_js(2, NP, 16)],
        scratch_types=[
            pltpu.VMEM((CHUNKS, C), jnp.int32),
            pltpu.VMEM((CHUNKS, C), jnp.int32),
            pltpu.VMEM((C, 16), f32),
            pltpu.VMEM((ROWS_PER_TILE, 16), f32),
            pltpu.VMEM_SHARED((NP, 16), f32),
            pltpu.SemaphoreType.DMA,
        ],
    )(_kthin_body)
    (acc3_p,) = kthin(row_p, col_p, x2p)

    oute2_b = pl.pallas_call(_k9_body, out_shape=_js(NP, 16))(acc3_p, inva)

    (acc4_p,) = kthin(col_p, row_p, oute2_b)

    logp = pl.pallas_call(_k11_body, out_shape=_js(NP, 16))(acc4_p, inva, b2p)
    return logp[:N, :NCLS]

# --- scband reference (transcript-rebuilt; emitter-appended) ---
"""Pipeline reference for scband-hyper-attention-class-48258252538094 (READ-ONLY COPY).

The authoritative reference and input builder live on the scoring server;
editing this copy changes nothing except your own understanding.
"""

import jax, jax.numpy as jnp
import numpy as np

N = 10000
E = 320000
D_FEAT = 128
HEADS = 8
HIDDEN = 16
NUM_CLASSES = 7
NEG_SLOPE = 0.2


def setup_inputs(seed: int = 0):
    key = jax.random.key(seed)
    ks = jax.random.split(key, 8)
    x = jax.random.normal(ks[0], (N, D_FEAT), dtype=jnp.float32)
    edge_index = jax.random.randint(ks[1], (2, E), 0, N, dtype=jnp.int32)
    W1 = jax.random.normal(ks[2], (D_FEAT, HEADS * HIDDEN), dtype=jnp.float32) * 0.05
    att1 = jax.random.normal(ks[3], (1, HEADS, 2 * HIDDEN), dtype=jnp.float32) * 0.05
    b1 = jnp.zeros((HEADS * HIDDEN,), dtype=jnp.float32)
    W2 = jax.random.normal(ks[4], (HEADS * HIDDEN, NUM_CLASSES), dtype=jnp.float32) * 0.05
    b2 = jnp.zeros((NUM_CLASSES,), dtype=jnp.float32)
    return {"x": x, "edge_index": edge_index, "W1": W1, "att1": att1, "b1": b1, "W2": W2, "b2": b2}


def _segment_softmax(alpha, seg, num_segments):
    amax = jax.ops.segment_max(alpha, seg, num_segments=num_segments)
    amax = jnp.where(jnp.isfinite(amax), amax, 0.0)
    a = jnp.exp(alpha - amax[seg])
    asum = jax.ops.segment_sum(a, seg, num_segments=num_segments)
    return a / (asum[seg] + 1e-16)


def _hconv_propagate(xh, row, col, alpha, Dinv, Binv, num_nodes, num_edges):
    # pass 1: node -> hyperedge (flow source_to_target), norm B gathered at target (col)
    m1 = Binv[col][:, None, None] * xh[row]
    if alpha is not None:
        m1 = m1 * alpha[:, :, None]
    out_e = jax.ops.segment_sum(m1, col, num_segments=num_edges)
    # pass 2: hyperedge -> node (flow target_to_source), norm D gathered at target (row)
    m2 = Dinv[row][:, None, None] * out_e[col]
    if alpha is not None:
        m2 = m2 * alpha[:, :, None]
    out = jax.ops.segment_sum(m2, row, num_segments=num_nodes)
    return out


def reference(x, edge_index, W1, att1, b1, W2, b2):
    # eval mode: feature/attention dropout (p=0.6) are identity
    row = edge_index[0]
    col = edge_index[1]
    num_edges = N  # static bound on number of hyperedges (M <= N)
    ones = jnp.ones((E,), dtype=x.dtype)
    deg_n = jax.ops.segment_sum(ones, row, num_segments=N)
    Dinv = jnp.where(deg_n > 0, 1.0 / deg_n, 0.0)
    deg_e = jax.ops.segment_sum(ones, col, num_segments=num_edges)
    Binv = jnp.where(deg_e > 0, 1.0 / deg_e, 0.0)

    # hconv1: attention, heads=8, concat
    x1 = x @ W1
    xh = x1.reshape(N, HEADS, HIDDEN)
    x_i = xh[row]
    x_j = xh[col]
    alpha = (jnp.concatenate([x_i, x_j], axis=-1) * att1).sum(axis=-1)
    alpha = jax.nn.leaky_relu(alpha, NEG_SLOPE)
    alpha = _segment_softmax(alpha, row, N)
    out1 = _hconv_propagate(xh, row, col, alpha, Dinv, Binv, N, num_edges)
    out1 = out1.reshape(N, HEADS * HIDDEN) + b1
    h = jax.nn.elu(out1)

    # hconv2: no attention, heads=1
    x2 = (h @ W2).reshape(N, 1, NUM_CLASSES)
    out2 = _hconv_propagate(x2, row, col, None, Dinv, Binv, N, num_edges)
    out2 = out2.mean(axis=1) + b2
    return jax.nn.log_softmax(out2, axis=1)

if __name__ == "__main__":
    import jax
    _d = setup_inputs()
    print(jax.jit(kernel)(*tuple(_d.values())))

</pallas_src>

<mosaic_0001>
#map = affine_map<(d0, d1) -> (0, 0)>
#map1 = affine_map<(d0, d1) -> (0)>
#map2 = affine_map<(d0, d1) -> (0, 0, 0)>
module attributes {stable_mosaic.version = 14 : i64} {
  func.func @_k2_body(%arg0: i32, %arg1: i32, %arg2: memref<2528x128xi32, #tpu.memory_space<hbm>>, %arg3: memref<2528x128xi32, #tpu.memory_space<hbm>>, %arg4: memref<10240x16xf32, #tpu.memory_space<hbm>>, %arg5: memref<10240x16xf32, #tpu.memory_space<hbm>>, %arg6: memref<16xf32, #tpu.memory_space<hbm>>, %arg7: memref<323584x16xf32, #tpu.memory_space<hbm>>, %arg8: memref<2x10240x16xf32, #tpu.memory_space<hbm>>, %arg9: memref<2x10240x16xf32, #tpu.memory_space<hbm>>, %arg10: memref<79x128xi32, #tpu.memory_space<vmem>>, %arg11: memref<79x128xi32, #tpu.memory_space<vmem>>, %arg12: memref<128x16xf32, #tpu.memory_space<vmem>>, %arg13: memref<128x16xf32, #tpu.memory_space<vmem>>, %arg14: memref<128x16xf32, #tpu.memory_space<vmem>>, %arg15: memref<128x16xf32, #tpu.memory_space<vmem>>, %arg16: memref<640x16xf32, #tpu.memory_space<vmem>>, %arg17: memref<16xf32, #tpu.memory_space<vmem>>, %arg18: memref<10240x16xf32, #tpu.memory_space<vmem_shared>>, %arg19: memref<10240x16xf32, #tpu.memory_space<vmem_shared>>, %arg20: memref<!tpu.dma_semaphore, #tpu.memory_space<semaphore_mem>>) attributes {dimension_semantics = [#tpu.dimension_semantics<core_parallel>, #tpu.dimension_semantics<subcore_parallel>], iteration_bounds = array<i64: 2, 16>, scalar_prefetch = 0 : i64, scratch_operands = 11 : i64, tpu.core_type = #tpu.core_type<sc_vector_subcore>, window_params = [{transform_indices = #map}, {transform_indices = #map}, {transform_indices = #map}, {transform_indices = #map}, {transform_indices = #map1}, {transform_indices = #map}, {transform_indices = #map2}, {transform_indices = #map2}]} {
    %mul3A = arith.constant 16 : i32
    %mul3A_0 = arith.muli %arg0, %mul3A : i32
    %add3A = arith.addi %mul3A_0, %arg1 : i32
    %broadcast_in_dim3A = arith.constant 0.000000e+00 : f32
    %broadcast_in_dim3A_1 = vector.broadcast %broadcast_in_dim3A : f32 to vector<16xf32>
    %scan3A = arith.constant 0 : i32
    %scan3A_2 = arith.constant 0 : i32
    %scan3A_3 = arith.constant 640 : i32
    %scan3A_4 = arith.addi %scan3A_2, %scan3A_3 : i32
    %scan3A_5 = arith.constant 1 : i32
    %scan3A_6 = scf.for %scan3A_42 = %scan3A_2 to %scan3A_4 step %scan3A_5 iter_args(%scan3A_43 = %scan3A) -> (i32)  : i32 {
      %swap3A = arith.index_cast %scan3A_42 : i32 to index
      %swap3A_44 = arith.constant 0 : index
      %swap3A_45 = tpu.vector_load %arg16[%swap3A, %swap3A_44] {strides = array<i32>} : memref<640x16xf32, #tpu.memory_space<vmem>>, vector<1x16xf32>,
      %swap3A_46 = vector.shape_cast %swap3A_45 : vector<1x16xf32> to vector<16xf32>
      %swap3A_47 = vector.shape_cast %broadcast_in_dim3A_1 : vector<16xf32> to vector<1x16xf32>
      tpu.vector_store %arg16[%swap3A, %swap3A_44], %swap3A_47 {strides = array<i32>} : memref<640x16xf32, #tpu.memory_space<vmem>>, vector<1x16xf32>,
      %scan3A_48 = arith.constant 0 : i32
      scf.yield %scan3A_48 : i32
    }
    %scan3A_7 = arith.constant 640 : i32
    %mul3A_8 = arith.constant 640 : i32
    %mul3A_9 = arith.muli %arg1, %mul3A_8 : i32
    "tpu.region"() ({
      %run_scoped3A = tpu.sem_alloc : memref<!tpu.dma_semaphore, #tpu.memory_space<semaphore_mem>>
      %dma_start3A = arith.constant 0 : i32
      %dma_start3A_42 = tpu.memref_slice %arg18[%mul3A_9, %dma_start3A] : memref<10240x16xf32, #tpu.memory_space<vmem_shared>> -> memref<640x16xf32, #tpu.memory_space<vmem_shared>>
      %dma_start3A_43 = arith.constant 0 : i32
      %dma_start3A_44 = tpu.memref_slice %arg18[%mul3A_9, %dma_start3A_43] : memref<10240x16xf32, #tpu.memory_space<vmem_shared>> -> memref<640x16xf32, #tpu.memory_space<vmem_shared>>
      tpu.enqueue_dma source(%arg16 : memref<640x16xf32, #tpu.memory_space<vmem>>) target(%dma_start3A_44 : memref<640x16xf32, #tpu.memory_space<vmem_shared>>) target_semaphore(%run_scoped3A : memref<!tpu.dma_semaphore, #tpu.memory_space<semaphore_mem>>)
      %dma_wait3A = arith.constant 0 : i32
      %dma_wait3A_45 = tpu.memref_slice %arg18[%mul3A_9, %dma_wait3A] : memref<10240x16xf32, #tpu.memory_space<vmem_shared>> -> memref<640x16xf32, #tpu.memory_space<vmem_shared>>
      %dma_wait3A_46 = arith.constant 0 : i32
      %dma_wait3A_47 = tpu.memref_slice %arg18[%mul3A_9, %dma_wait3A_46] : memref<10240x16xf32, #tpu.memory_space<vmem_shared>> -> memref<640x16xf32, #tpu.memory_space<vmem_shared>>
      tpu.wait_dma2 semaphore(%run_scoped3A : memref<!tpu.dma_semaphore, #tpu.memory_space<semaphore_mem>>) src(%arg16 : memref<640x16xf32, #tpu.memory_space<vmem>>) dst(%dma_wait3A_47 : memref<640x16xf32, #tpu.memory_space<vmem_shared>>)
      tpu.yield
    }) : () -> ()
    %mul3A_10 = arith.constant 640 : i32
    %mul3A_11 = arith.muli %arg1, %mul3A_10 : i32
    "tpu.region"() ({
      %run_scoped3A = tpu.sem_alloc : memref<!tpu.dma_semaphore, #tpu.memory_space<semaphore_mem>>
      %dma_start3A = arith.constant 0 : i32
      %dma_start3A_42 = tpu.memref_slice %arg19[%mul3A_11, %dma_start3A] : memref<10240x16xf32, #tpu.memory_space<vmem_shared>> -> memref<640x16xf32, #tpu.memory_space<vmem_shared>>
      %dma_start3A_43 = arith.constant 0 : i32
      %dma_start3A_44 = tpu.memref_slice %arg19[%mul3A_11, %dma_start3A_43] : memref<10240x16xf32, #tpu.memory_space<vmem_shared>> -> memref<640x16xf32, #tpu.memory_space<vmem_shared>>
      tpu.enqueue_dma source(%arg16 : memref<640x16xf32, #tpu.memory_space<vmem>>) target(%dma_start3A_44 : memref<640x16xf32, #tpu.memory_space<vmem_shared>>) target_semaphore(%run_scoped3A : memref<!tpu.dma_semaphore, #tpu.memory_space<semaphore_mem>>)
      %dma_wait3A = arith.constant 0 : i32
      %dma_wait3A_45 = tpu.memref_slice %arg19[%mul3A_11, %dma_wait3A] : memref<10240x16xf32, #tpu.memory_space<vmem_shared>> -> memref<640x16xf32, #tpu.memory_space<vmem_shared>>
      %dma_wait3A_46 = arith.constant 0 : i32
      %dma_wait3A_47 = tpu.memref_slice %arg19[%mul3A_11, %dma_wait3A_46] : memref<10240x16xf32, #tpu.memory_space<vmem_shared>> -> memref<640x16xf32, #tpu.memory_space<vmem_shared>>
      tpu.wait_dma2 semaphore(%run_scoped3A : memref<!tpu.dma_semaphore, #tpu.memory_space<semaphore_mem>>) src(%arg16 : memref<640x16xf32, #tpu.memory_space<vmem>>) dst(%dma_wait3A_47 : memref<640x16xf32, #tpu.memory_space<vmem_shared>>)
      tpu.yield
    }) : () -> ()
    "tpu.region"() ({
      %run_scoped3A = tpu.sem_alloc : memref<!tpu.dma_semaphore, #tpu.memory_space<semaphore_mem>>
      tpu.enqueue_dma source(%arg6 : memref<16xf32, #tpu.memory_space<hbm>>) target(%arg17 : memref<16xf32, #tpu.memory_space<vmem>>) target_semaphore(%run_scoped3A : memref<!tpu.dma_semaphore, #tpu.memory_space<semaphore_mem>>)
      tpu.wait_dma2 semaphore(%run_scoped3A : memref<!tpu.dma_semaphore, #tpu.memory_space<semaphore_mem>>) src(%arg6 : memref<16xf32, #tpu.memory_space<hbm>>) dst(%arg17 : memref<16xf32, #tpu.memory_space<vmem>>)
      tpu.yield
    }) : () -> ()
    %iota3A = tpu.iota {dimensions = array<i32: 0>} : vector<16xi32>
    %eq3A = arith.constant 0 : i32
    %eq3A_12 = vector.broadcast %eq3A : i32 to vector<16xi32>
    %eq3A_13 = arith.cmpi eq, %iota3A, %eq3A_12 : vector<16xi32>
    %jit3A = arith.constant 1.000000e+00 : f32
    %jit3A_14 = arith.constant 0.000000e+00 : f32
    %broadcast_in_dim3A_15 = vector.broadcast %jit3A : f32 to vector<16xf32>
    %broadcast_in_dim3A_16 = vector.broadcast %jit3A_14 : f32 to vector<16xf32>
    %select_n3A = arith.select %eq3A_13, %broadcast_in_dim3A_15, %broadcast_in_dim3A_16 : vector<16xi1>, vector<16xf32>
    %scan3A_17 = arith.constant 0 : i32
    %scan3A_18 = arith.constant 0 : i32
    %scan3A_19 = arith.constant 128 : i32
    %scan3A_20 = arith.addi %scan3A_18, %scan3A_19 : i32
    %scan3A_21 = arith.constant 1 : i32
    %scan3A_22 = scf.for %scan3A_42 = %scan3A_18 to %scan3A_20 step %scan3A_21 iter_args(%scan3A_43 = %scan3A_17) -> (i32)  : i32 {
      %swap3A = arith.index_cast %scan3A_42 : i32 to index
      %swap3A_44 = arith.constant 0 : index
      %swap3A_45 = tpu.vector_load %arg15[%swap3A, %swap3A_44] {strides = array<i32>} : memref<128x16xf32, #tpu.memory_space<vmem>>, vector<1x16xf32>,
      %swap3A_46 = vector.shape_cast %swap3A_45 : vector<1x16xf32> to vector<16xf32>
      %swap3A_47 = vector.shape_cast %select_n3A : vector<16xf32> to vector<1x16xf32>
      tpu.vector_store %arg15[%swap3A, %swap3A_44], %swap3A_47 {strides = array<i32>} : memref<128x16xf32, #tpu.memory_space<vmem>>, vector<1x16xf32>,
      %scan3A_48 = arith.constant 0 : i32
      scf.yield %scan3A_48 : i32
    }
    %scan3A_23 = arith.constant 128 : i32
    %get3A = arith.constant 0 : index
    %get3A_24 = tpu.vector_load %arg17[%get3A] {strides = array<i32>} : memref<16xf32, #tpu.memory_space<vmem>>, vector<16xf32>,
    %get3A_25 = vector.shape_cast %get3A_24 : vector<16xf32> to vector<16xf32>
    %mul3A_26 = arith.constant 79 : i32
    %mul3A_27 = arith.muli %add3A, %mul3A_26 : i32
    "tpu.region"() ({
      %run_scoped3A = tpu.sem_alloc : memref<!tpu.dma_semaphore, #tpu.memory_space<semaphore_mem>>
      %dma_start3A = arith.constant 0 : i32
      %dma_start3A_42 = tpu.memref_slice %arg2[%mul3A_27, %dma_start3A] : memref<2528x128xi32, #tpu.memory_space<hbm>> -> memref<79x128xi32, #tpu.memory_space<hbm>>
      %dma_start3A_43 = arith.constant 0 : i32
      %dma_start3A_44 = tpu.memref_slice %arg2[%mul3A_27, %dma_start3A_43] : memref<2528x128xi32, #tpu.memory_space<hbm>> -> memref<79x128xi32, #tpu.memory_space<hbm>>
      tpu.enqueue_dma source(%dma_start3A_44 : memref<79x128xi32, #tpu.memory_space<hbm>>) target(%arg10 : memref<79x128xi32, #tpu.memory_space<vmem>>) target_semaphore(%run_scoped3A : memref<!tpu.dma_semaphore, #tpu.memory_space<semaphore_mem>>)
      %dma_wait3A = arith.constant 0 : i32
      %dma_wait3A_45 = tpu.memref_slice %arg2[%mul3A_27, %dma_wait3A] : memref<2528x128xi32, #tpu.memory_space<hbm>> -> memref<79x128xi32, #tpu.memory_space<hbm>>
      %dma_wait3A_46 = arith.constant 0 : i32
      %dma_wait3A_47 = tpu.memref_slice %arg2[%mul3A_27, %dma_wait3A_46] : memref<2528x128xi32, #tpu.memory_space<hbm>> -> memref<79x128xi32, #tpu.memory_space<hbm>>
      tpu.wait_dma2 semaphore(%run_scoped3A : memref<!tpu.dma_semaphore, #tpu.memory_space<semaphore_mem>>) src(%dma_wait3A_47 : memref<79x128xi32, #tpu.memory_space<hbm>>) dst(%arg10 : memref<79x128xi32, #tpu.memory_space<vmem>>)
      tpu.yield
    }) : () -> ()
    %mul3A_28 = arith.constant 79 : i32
    %mul3A_29 = arith.muli %add3A, %mul3A_28 : i32
    "tpu.region"() ({
      %run_scoped3A = tpu.sem_alloc : memref<!tpu.dma_semaphore, #tpu.memory_space<semaphore_mem>>
      %dma_start3A = arith.constant 0 : i32
      %dma_start3A_42 = tpu.memref_slice %arg3[%mul3A_29, %dma_start3A] : memref<2528x128xi32, #tpu.memory_space<hbm>> -> memref<79x128xi32, #tpu.memory_space<hbm>>
      %dma_start3A_43 = arith.constant 0 : i32
      %dma_start3A_44 = tpu.memref_slice %arg3[%mul3A_29, %dma_start3A_43] : memref<2528x128xi32, #tpu.memory_space<hbm>> -> memref<79x128xi32, #tpu.memory_space<hbm>>
      tpu.enqueue_dma source(%dma_start3A_44 : memref<79x128xi32, #tpu.memory_space<hbm>>) target(%arg11 : memref<79x128xi32, #tpu.memory_space<vmem>>) target_semaphore(%run_scoped3A : memref<!tpu.dma_semaphore, #tpu.memory_space<semaphore_mem>>)
      %dma_wait3A = arith.constant 0 : i32
      %dma_wait3A_45 = tpu.memref_slice %arg3[%mul3A_29, %dma_wait3A] : memref<2528x128xi32, #tpu.memory_space<hbm>> -> memref<79x128xi32, #tpu.memory_space<hbm>>
      %dma_wait3A_46 = arith.constant 0 : i32
      %dma_wait3A_47 = tpu.memref_slice %arg3[%mul3A_29, %dma_wait3A_46] : memref<2528x128xi32, #tpu.memory_space<hbm>> -> memref<79x128xi32, #tpu.memory_space<hbm>>
      tpu.wait_dma2 semaphore(%run_scoped3A : memref<!tpu.dma_semaphore, #tpu.memory_space<semaphore_mem>>) src(%dma_wait3A_47 : memref<79x128xi32, #tpu.memory_space<hbm>>) dst(%arg11 : memref<79x128xi32, #tpu.memory_space<vmem>>)
      tpu.yield
    }) : () -> ()
    %barrier3A = arith.constant 0 : index
    tpu.barrier barrier_id(%barrier3A)
    %mul3A_30 = arith.constant 10112 : i32
    %mul3A_31 = arith.muli %add3A, %mul3A_30 : i32
    %scan3A_32 = arith.constant 0 : i32
    %scan3A_33 = arith.constant 0 : i32
    %scan3A_34 = arith.constant 79 : i32
    %scan3A_35 = arith.addi %scan3A_33, %scan3A_34 : i32
    %scan3A_36 = arith.constant 1 : i32
    %scan3A_37 = scf.for %scan3A_42 = %scan3A_33 to %scan3A_35 step %scan3A_36 iter_args(%scan3A_43 = %scan3A_32) -> (i32)  : i32 {
      %mul3A_44 = arith.constant 128 : i32
      %mul3A_45 = arith.muli %scan3A_42, %mul3A_44 : i32
      %add3A_46 = arith.addi %mul3A_31, %mul3A_45 : i32
      %dma_start3A = arith.constant 0 : i32
      %dma_start3A_47 = tpu.memref_slice %arg10[%scan3A_42, %dma_start3A] : memref<79x128xi32, #tpu.memory_space<vmem>> -> memref<1x128xi32, #tpu.memory_space<vmem>>
      %dma_start3A_48 = tpu.memref_squeeze %dma_start3A_47 : memref<1x128xi32, #tpu.memory_space<vmem>> -> memref<128xi32, #tpu.memory_space<vmem>>
      %dma_start3A_49 = arith.constant 0 : i32
      %dma_start3A_50 = arith.constant 0 : i32
      %dma_start3A_51 = tpu.memref_slice %arg4[%dma_start3A_49, %dma_start3A_50] : memref<10240x16xf32, #tpu.memory_space<hbm>> -> memref<10240x16xf32, #tpu.memory_space<hbm>>
      tpu.enqueue_indirect_dma source(%dma_start3A_51 : memref<10240x16xf32, #tpu.memory_space<hbm>>) target(%arg12 : memref<128x16xf32, #tpu.memory_space<vmem>>) offsets(%dma_start3A_48 : memref<128xi32, #tpu.memory_space<vmem>>) semaphore(%arg20 : memref<!tpu.dma_semaphore, #tpu.memory_space<semaphore_mem>>)
      %dma_start3A_52 = arith.constant 0 : i32
      %dma_start3A_53 = tpu.memref_slice %arg11[%scan3A_42, %dma_start3A_52] : memref<79x128xi32, #tpu.memory_space<vmem>> -> memref<1x128xi32, #tpu.memory_space<vmem>>
      %dma_start3A_54 = tpu.memref_squeeze %dma_start3A_53 : memref<1x128xi32, #tpu.memory_space<vmem>> -> memref<128xi32, #tpu.memory_space<vmem>>
      %dma_start3A_55 = arith.constant 0 : i32
      %dma_start3A_56 = arith.constant 0 : i32
      %dma_start3A_57 = tpu.memref_slice %arg5[%dma_start3A_55, %dma_start3A_56] : memref<10240x16xf32, #tpu.memory_space<hbm>> -> memref<10240x16xf32, #tpu.memory_space<hbm>>
      tpu.enqueue_indirect_dma source(%dma_start3A_57 : memref<10240x16xf32, #tpu.memory_space<hbm>>) target(%arg13 : memref<128x16xf32, #tpu.memory_space<vmem>>) offsets(%dma_start3A_54 : memref<128xi32, #tpu.memory_space<vmem>>) semaphore(%arg20 : memref<!tpu.dma_semaphore, #tpu.memory_space<semaphore_mem>>)
      %dma_wait3A = arith.constant 0 : i32
      %dma_wait3A_58 = tpu.memref_slice %arg10[%scan3A_42, %dma_wait3A] : memref<79x128xi32, #tpu.memory_space<vmem>> -> memref<1x128xi32, #tpu.memory_space<vmem>>
      %dma_wait3A_59 = tpu.memref_squeeze %dma_wait3A_58 : memref<1x128xi32, #tpu.memory_space<vmem>> -> memref<128xi32, #tpu.memory_space<vmem>>
      %dma_wait3A_60 = arith.constant 0 : i32
      %dma_wait3A_61 = arith.constant 0 : i32
      %dma_wait3A_62 = tpu.memref_slice %arg4[%dma_wait3A_60, %dma_wait3A_61] : memref<10240x16xf32, #tpu.memory_space<hbm>> -> memref<10240x16xf32, #tpu.memory_space<hbm>>
      tpu.wait_indirect_dma semaphore(%arg20 : memref<!tpu.dma_semaphore, #tpu.memory_space<semaphore_mem>>) src(%dma_wait3A_62 : memref<10240x16xf32, #tpu.memory_space<hbm>>) dst(%arg12 : memref<128x16xf32, #tpu.memory_space<vmem>>)
      %dma_wait3A_63 = arith.constant 0 : i32
      %dma_wait3A_64 = tpu.memref_slice %arg11[%scan3A_42, %dma_wait3A_63] : memref<79x128xi32, #tpu.memory_space<vmem>> -> memref<1x128xi32, #tpu.memory_space<vmem>>
      %dma_wait3A_65 = tpu.memref_squeeze %dma_wait3A_64 : memref<1x128xi32, #tpu.memory_space<vmem>> -> memref<128xi32, #tpu.memory_space<vmem>>
      %dma_wait3A_66 = arith.constant 0 : i32
      %dma_wait3A_67 = arith.constant 0 : i32
      %dma_wait3A_68 = tpu.memref_slice %arg5[%dma_wait3A_66, %dma_wait3A_67] : memref<10240x16xf32, #tpu.memory_space<hbm>> -> memref<10240x16xf32, #tpu.memory_space<hbm>>
      tpu.wait_indirect_dma semaphore(%arg20 : memref<!tpu.dma_semaphore, #tpu.memory_space<semaphore_mem>>) src(%dma_wait3A_68 : memref<10240x16xf32, #tpu.memory_space<hbm>>) dst(%arg13 : memref<128x16xf32, #tpu.memory_space<vmem>>)
      %scan3A_69 = arith.constant 0 : i32
      %scan3A_70 = arith.constant 0 : i32
      %scan3A_71 = arith.constant 128 : i32
      %scan3A_72 = arith.addi %scan3A_70, %scan3A_71 : i32
      %scan3A_73 = arith.constant 1 : i32
      %scan3A_74 = scf.for %scan3A_77 = %scan3A_70 to %scan3A_72 step %scan3A_73 iter_args(%scan3A_78 = %scan3A_69) -> (i32)  : i32 {
        %get3A_79 = arith.index_cast %scan3A_77 : i32 to index
        %get3A_80 = arith.constant 0 : index
        %get3A_81 = tpu.vector_load %arg12[%get3A_79, %get3A_80] {strides = array<i32>} : memref<128x16xf32, #tpu.memory_space<vmem>>, vector<1x16xf32>,
        %get3A_82 = vector.shape_cast %get3A_81 : vector<1x16xf32> to vector<16xf32>
        %get3A_83 = arith.index_cast %scan3A_77 : i32 to index
        %get3A_84 = arith.constant 0 : index
        %get3A_85 = tpu.vector_load %arg13[%get3A_83, %get3A_84] {strides = array<i32>} : memref<128x16xf32, #tpu.memory_space<vmem>>, vector<1x16xf32>,
        %get3A_86 = vector.shape_cast %get3A_85 : vector<1x16xf32> to vector<16xf32>
        %add3A_87 = arith.addf %get3A_82, %get3A_86 : vector<16xf32>
        %mul3A_88 = arith.constant 2.000000e-01 : f32
        %mul3A_89 = vector.broadcast %mul3A_88 : f32 to vector<16xf32>
        %mul3A_90 = arith.mulf %mul3A_89, %add3A_87 : vector<16xf32>
        %max3A = arith.maximumf %add3A_87, %mul3A_90 : vector<16xf32>
        %sub3A = arith.subf %max3A, %get3A_25 : vector<16xf32>
        %exp3A = math.exp %sub3A : vector<16xf32>
        %swap3A = arith.index_cast %scan3A_77 : i32 to index
        %swap3A_91 = arith.constant 0 : index
        %swap3A_92 = tpu.vector_load %arg14[%swap3A, %swap3A_91] {strides = array<i32>} : memref<128x16xf32, #tpu.memory_space<vmem>>, vector<1x16xf32>,
        %swap3A_93 = vector.shape_cast %swap3A_92 : vector<1x16xf32> to vector<16xf32>
        %swap3A_94 = vector.shape_cast %exp3A : vector<16xf32> to vector<1x16xf32>
        tpu.vector_store %arg14[%swap3A, %swap3A_91], %swap3A_94 {strides = array<i32>} : memref<128x16xf32, #tpu.memory_space<vmem>>, vector<1x16xf32>,
        %scan3A_95 = arith.constant 0 : i32
        scf.yield %scan3A_95 : i32
      }
      %scan3A_75 = arith.constant 128 : i32
      "tpu.region"() ({
        %run_scoped3A = tpu.sem_alloc : memref<!tpu.dma_semaphore, #tpu.memory_space<semaphore_mem>>
        %dma_start3A_77 = arith.constant 0 : i32
        %dma_start3A_78 = tpu.memref_slice %arg7[%add3A_46, %dma_start3A_77] : memref<323584x16xf32, #tpu.memory_space<hbm>> -> memref<128x16xf32, #tpu.memory_space<hbm>>
        %dma_start3A_79 = arith.constant 0 : i32
        %dma_start3A_80 = tpu.memref_slice %arg7[%add3A_46, %dma_start3A_79] : memref<323584x16xf32, #tpu.memory_space<hbm>> -> memref<128x16xf32, #tpu.memory_space<hbm>>
        tpu.enqueue_dma source(%arg14 : memref<128x16xf32, #tpu.memory_space<vmem>>) target(%dma_start3A_80 : memref<128x16xf32, #tpu.memory_space<hbm>>) target_semaphore(%run_scoped3A : memref<!tpu.dma_semaphore, #tpu.memory_space<semaphore_mem>>)
        %dma_wait3A_81 = arith.constant 0 : i32
        %dma_wait3A_82 = tpu.memref_slice %arg7[%add3A_46, %dma_wait3A_81] : memref<323584x16xf32, #tpu.memory_space<hbm>> -> memref<128x16xf32, #tpu.memory_space<hbm>>
        %dma_wait3A_83 = arith.constant 0 : i32
        %dma_wait3A_84 = tpu.memref_slice %arg7[%add3A_46, %dma_wait3A_83] : memref<323584x16xf32, #tpu.memory_space<hbm>> -> memref<128x16xf32, #tpu.memory_space<hbm>>
        tpu.wait_dma2 semaphore(%run_scoped3A : memref<!tpu.dma_semaphore, #tpu.memory_space<semaphore_mem>>) src(%arg14 : memref<128x16xf32, #tpu.memory_space<vmem>>) dst(%dma_wait3A_84 : memref<128x16xf32, #tpu.memory_space<hbm>>)
        tpu.yield
      }) : () -> ()
      "tpu.region"() ({
        %run_scoped3A = tpu.sem_alloc : memref<!tpu.dma_semaphore, #tpu.memory_space<semaphore_mem>>
        %dma_start3A_77 = arith.constant 0 : i32
        %dma_start3A_78 = tpu.memref_slice %arg10[%scan3A_42, %dma_start3A_77] : memref<79x128xi32, #tpu.memory_space<vmem>> -> memref<1x128xi32, #tpu.memory_space<vmem>>
        %dma_start3A_79 = tpu.memref_squeeze %dma_start3A_78 : memref<1x128xi32, #tpu.memory_space<vmem>> -> memref<128xi32, #tpu.memory_space<vmem>>
        %dma_start3A_80 = arith.constant 0 : i32
        %dma_start3A_81 = arith.constant 0 : i32
        %dma_start3A_82 = tpu.memref_slice %arg18[%dma_start3A_80, %dma_start3A_81] : memref<10240x16xf32, #tpu.memory_space<vmem_shared>> -> memref<10240x16xf32, #tpu.memory_space<vmem_shared>>
        tpu.enqueue_indirect_dma source(%arg14 : memref<128x16xf32, #tpu.memory_space<vmem>>) target(%dma_start3A_82 : memref<10240x16xf32, #tpu.memory_space<vmem_shared>>) offsets(%dma_start3A_79 : memref<128xi32, #tpu.memory_space<vmem>>) semaphore(%run_scoped3A : memref<!tpu.dma_semaphore, #tpu.memory_space<semaphore_mem>>) {add = true}
        %dma_wait3A_83 = arith.constant 0 : i32
        %dma_wait3A_84 = tpu.memref_slice %arg10[%scan3A_42, %dma_wait3A_83] : memref<79x128xi32, #tpu.memory_space<vmem>> -> memref<1x128xi32, #tpu.memory_space<vmem>>
        %dma_wait3A_85 = tpu.memref_squeeze %dma_wait3A_84 : memref<1x128xi32, #tpu.memory_space<vmem>> -> memref<128xi32, #tpu.memory_space<vmem>>
        %dma_wait3A_86 = arith.constant 0 : i32
        %dma_wait3A_87 = arith.constant 0 : i32
        %dma_wait3A_88 = tpu.memref_slice %arg18[%dma_wait3A_86, %dma_wait3A_87] : memref<10240x16xf32, #tpu.memory_space<vmem_shared>> -> memref<10240x16xf32, #tpu.memory_space<vmem_shared>>
        tpu.wait_indirect_dma semaphore(%run_scoped3A : memref<!tpu.dma_semaphore, #tpu.memory_space<semaphore_mem>>) src(%arg14 : memref<128x16xf32, #tpu.memory_space<vmem>>) dst(%dma_wait3A_88 : memref<10240x16xf32, #tpu.memory_space<vmem_shared>>)
        tpu.yield
      }) : () -> ()
      "tpu.region"() ({
        %run_scoped3A = tpu.sem_alloc : memref<!tpu.dma_semaphore, #tpu.memory_space<semaphore_mem>>
        %dma_start3A_77 = arith.constant 0 : i32
        %dma_start3A_78 = tpu.memref_slice %arg11[%scan3A_42, %dma_start3A_77] : memref<79x128xi32, #tpu.memory_space<vmem>> -> memref<1x128xi32, #tpu.memory_space<vmem>>
        %dma_start3A_79 = tpu.memref_squeeze %dma_start3A_78 : memref<1x128xi32, #tpu.memory_space<vmem>> -> memref<128xi32, #tpu.memory_space<vmem>>
        %dma_start3A_80 = arith.constant 0 : i32
        %dma_start3A_81 = arith.constant 0 : i32
        %dma_start3A_82 = tpu.memref_slice %arg19[%dma_start3A_80, %dma_start3A_81] : memref<10240x16xf32, #tpu.memory_space<vmem_shared>> -> memref<10240x16xf32, #tpu.memory_space<vmem_shared>>
        tpu.enqueue_indirect_dma source(%arg15 : memref<128x16xf32, #tpu.memory_space<vmem>>) target(%dma_start3A_82 : memref<10240x16xf32, #tpu.memory_space<vmem_shared>>) offsets(%dma_start3A_79 : memref<128xi32, #tpu.memory_space<vmem>>) semaphore(%run_scoped3A : memref<!tpu.dma_semaphore, #tpu.memory_space<semaphore_mem>>) {add = true}
        %dma_wait3A_83 = arith.constant 0 : i32
        %dma_wait3A_84 = tpu.memref_slice %arg11[%scan3A_42, %dma_wait3A_83] : memref<79x128xi32, #tpu.memory_space<vmem>> -> memref<1x128xi32, #tpu.memory_space<vmem>>
        %dma_wait3A_85 = tpu.memref_squeeze %dma_wait3A_84 : memref<1x128xi32, #tpu.memory_space<vmem>> -> memref<128xi32, #tpu.memory_space<vmem>>
        %dma_wait3A_86 = arith.constant 0 : i32
        %dma_wait3A_87 = arith.constant 0 : i32
        %dma_wait3A_88 = tpu.memref_slice %arg19[%dma_wait3A_86, %dma_wait3A_87] : memref<10240x16xf32, #tpu.memory_space<vmem_shared>> -> memref<10240x16xf32, #tpu.memory_space<vmem_shared>>
        tpu.wait_indirect_dma semaphore(%run_scoped3A : memref<!tpu.dma_semaphore, #tpu.memory_space<semaphore_mem>>) src(%arg15 : memref<128x16xf32, #tpu.memory_space<vmem>>) dst(%dma_wait3A_88 : memref<10240x16xf32, #tpu.memory_space<vmem_shared>>)
        tpu.yield
      }) : () -> ()
      %scan3A_76 = arith.constant 0 : i32
      scf.yield %scan3A_76 : i32
    }
    %scan3A_38 = arith.constant 79 : i32
    %barrier3A_39 = arith.constant 0 : index
    tpu.barrier barrier_id(%barrier3A_39)
    %mul3A_40 = arith.constant 640 : i32
    %mul3A_41 = arith.muli %arg1, %mul3A_40 : i32
    "tpu.region"() ({
      %run_scoped3A = tpu.sem_alloc : memref<!tpu.dma_semaphore, #tpu.memory_space<semaphore_mem>>
      %dma_start3A = arith.constant 0 : i32
      %dma_start3A_42 = tpu.memref_slice %arg8[%arg0, %mul3A_41, %dma_start3A] : memref<2x10240x16xf32, #tpu.memory_space<hbm>> -> memref<1x640x16xf32, #tpu.memory_space<hbm>>
      %dma_start3A_43 = tpu.memref_squeeze %dma_start3A_42 : memref<1x640x16xf32, #tpu.memory_space<hbm>> -> memref<640x16xf32, #tpu.memory_space<hbm>>
      %dma_start3A_44 = arith.constant 0 : i32
      %dma_start3A_45 = tpu.memref_slice %arg18[%mul3A_41, %dma_start3A_44] : memref<10240x16xf32, #tpu.memory_space<vmem_shared>> -> memref<640x16xf32, #tpu.memory_space<vmem_shared>>
      tpu.enqueue_dma source(%dma_start3A_45 : memref<640x16xf32, #tpu.memory_space<vmem_shared>>) target(%dma_start3A_43 : memref<640x16xf32, #tpu.memory_space<hbm>>) target_semaphore(%run_scoped3A : memref<!tpu.dma_semaphore, #tpu.memory_space<semaphore_mem>>)
      %dma_wait3A = arith.constant 0 : i32
      %dma_wait3A_46 = tpu.memref_slice %arg8[%arg0, %mul3A_41, %dma_wait3A] : memref<2x10240x16xf32, #tpu.memory_space<hbm>> -> memref<1x640x16xf32, #tpu.memory_space<hbm>>
      %dma_wait3A_47 = tpu.memref_squeeze %dma_wait3A_46 : memref<1x640x16xf32, #tpu.memory_space<hbm>> -> memref<640x16xf32, #tpu.memory_space<hbm>>
      %dma_wait3A_48 = arith.constant 0 : i32
      %dma_wait3A_49 = tpu.memref_slice %arg18[%mul3A_41, %dma_wait3A_48] : memref<10240x16xf32, #tpu.memory_space<vmem_shared>> -> memref<640x16xf32, #tpu.memory_space<vmem_shared>>
      tpu.wait_dma2 semaphore(%run_scoped3A : memref<!tpu.dma_semaphore, #tpu.memory_space<semaphore_mem>>) src(%dma_wait3A_49 : memref<640x16xf32, #tpu.memory_space<vmem_shared>>) dst(%dma_wait3A_47 : memref<640x16xf32, #tpu.memory_space<hbm>>)
      tpu.yield
    }) : () -> ()
    "tpu.region"() ({
      %run_scoped3A = tpu.sem_alloc : memref<!tpu.dma_semaphore, #tpu.memory_space<semaphore_mem>>
      %dma_start3A = arith.constant 0 : i32
      %dma_start3A_42 = tpu.memref_slice %arg9[%arg0, %mul3A_41, %dma_start3A] : memref<2x10240x16xf32, #tpu.memory_space<hbm>> -> memref<1x640x16xf32, #tpu.memory_space<hbm>>
      %dma_start3A_43 = tpu.memref_squeeze %dma_start3A_42 : memref<1x640x16xf32, #tpu.memory_space<hbm>> -> memref<640x16xf32, #tpu.memory_space<hbm>>
      %dma_start3A_44 = arith.constant 0 : i32
      %dma_start3A_45 = tpu.memref_slice %arg19[%mul3A_41, %dma_start3A_44] : memref<10240x16xf32, #tpu.memory_space<vmem_shared>> -> memref<640x16xf32, #tpu.memory_space<vmem_shared>>
      tpu.enqueue_dma source(%dma_start3A_45 : memref<640x16xf32, #tpu.memory_space<vmem_shared>>) target(%dma_start3A_43 : memref<640x16xf32, #tpu.memory_space<hbm>>) target_semaphore(%run_scoped3A : memref<!tpu.dma_semaphore, #tpu.memory_space<semaphore_mem>>)
      %dma_wait3A = arith.constant 0 : i32
      %dma_wait3A_46 = tpu.memref_slice %arg9[%arg0, %mul3A_41, %dma_wait3A] : memref<2x10240x16xf32, #tpu.memory_space<hbm>> -> memref<1x640x16xf32, #tpu.memory_space<hbm>>
      %dma_wait3A_47 = tpu.memref_squeeze %dma_wait3A_46 : memref<1x640x16xf32, #tpu.memory_space<hbm>> -> memref<640x16xf32, #tpu.memory_space<hbm>>
      %dma_wait3A_48 = arith.constant 0 : i32
      %dma_wait3A_49 = tpu.memref_slice %arg19[%mul3A_41, %dma_wait3A_48] : memref<10240x16xf32, #tpu.memory_space<vmem_shared>> -> memref<640x16xf32, #tpu.memory_space<vmem_shared>>
      tpu.wait_dma2 semaphore(%run_scoped3A : memref<!tpu.dma_semaphore, #tpu.memory_space<semaphore_mem>>) src(%dma_wait3A_49 : memref<640x16xf32, #tpu.memory_space<vmem_shared>>) dst(%dma_wait3A_47 : memref<640x16xf32, #tpu.memory_space<hbm>>)
      tpu.yield
    }) : () -> ()
    return
  }
}

#map = affine_map<(d0, d1) -> (0, 0)>
#map1 = affine_map<(d0, d1) -> (0, 0, 0)>
module attributes {stable_mosaic.version = 14 : i64} {
  func.func @_kprop_body(%arg0: i32, %arg1: i32, %arg2: memref<2528x128xi32, #tpu.memory_space<hbm>>, %arg3: memref<2528x128xi32, #tpu.memory_space<hbm>>, %arg4: memref<323584x16xf32, #tpu.memory_space<hbm>>, %arg5: memref<10240x16xf32, #tpu.memory_space<hbm>>, %arg6: memref<10240x128xf32, #tpu.memory_space<hbm>>, %arg7: memref<2x10240x128xf32, #tpu.memory_space<hbm>>, %arg8: memref<79x128xi32, #tpu.memory_space<vmem>>, %arg9: memref<79x128xi32, #tpu.memory_space<vmem>>, %arg10: memref<128x16xf32, #tpu.memory_space<vmem>>, %arg11: memref<128x16xf32, #tpu.memory_space<vmem>>, %arg12: memref<128x16xf32, #tpu.memory_space<vmem>>, %arg13: memref<128x128xf32, #tpu.memory_space<vmem>>, %arg14: memref<10240x128xf32, #tpu.memory_space<vmem_shared>>, %arg15: memref<!tpu.dma_semaphore, #tpu.memory_space<semaphore_mem>>, %arg16: memref<!tpu.dma_semaphore, #tpu.memory_space<semaphore_mem>>) attributes {dimension_semantics = [#tpu.dimension_semantics<core_parallel>, #tpu.dimension_semantics<subcore_parallel>], iteration_bounds = array<i64: 2, 16>, scalar_prefetch = 0 : i64, scratch_operands = 9 : i64, tpu.core_type = #tpu.core_type<sc_vector_subcore>, window_params = [{transform_indices = #map}, {transform_indices = #map}, {transform_indices = #map}, {transform_indices = #map}, {transform_indices = #map}, {transform_indices = #map1}]} {
    %mul3A = arith.constant 16 : i32
    %mul3A_0 = arith.muli %arg0, %mul3A : i32
    %add3A = arith.addi %mul3A_0, %arg1 : i32
    %broadcast_in_dim3A = arith.constant 0.000000e+00 : f32
    %broadcast_in_dim3A_1 = vector.broadcast %broadcast_in_dim3A : f32 to vector<16xf32>
    %scan3A = arith.constant 0 : i32
    %scan3A_2 = arith.constant 0 : i32
    %scan3A_3 = arith.constant 128 : i32
    %scan3A_4 = arith.addi %scan3A_2, %scan3A_3 : i32
    %scan3A_5 = arith.constant 1 : i32
    %scan3A_6 = scf.for %scan3A_44 = %scan3A_2 to %scan3A_4 step %scan3A_5 iter_args(%scan3A_45 = %scan3A) -> (i32)  : i32 {
      %swap3A = arith.index_cast %scan3A_44 : i32 to index
      %swap3A_46 = arith.constant 0 : index
      %swap3A_47 = tpu.vector_load %arg13[%swap3A, %swap3A_46] {strides = array<i32>} : memref<128x128xf32, #tpu.memory_space<vmem>>, vector<1x16xf32>,
      %swap3A_48 = vector.shape_cast %swap3A_47 : vector<1x16xf32> to vector<16xf32>
      %swap3A_49 = vector.shape_cast %broadcast_in_dim3A_1 : vector<16xf32> to vector<1x16xf32>
      tpu.vector_store %arg13[%swap3A, %swap3A_46], %swap3A_49 {strides = array<i32>} : memref<128x128xf32, #tpu.memory_space<vmem>>, vector<1x16xf32>,
      %swap3A_50 = arith.index_cast %scan3A_44 : i32 to index
      %swap3A_51 = arith.constant 16 : index
      %swap3A_52 = tpu.vector_load %arg13[%swap3A_50, %swap3A_51] {strides = array<i32>} : memref<128x128xf32, #tpu.memory_space<vmem>>, vector<1x16xf32>,
      %swap3A_53 = vector.shape_cast %swap3A_52 : vector<1x16xf32> to vector<16xf32>
      %swap3A_54 = vector.shape_cast %broadcast_in_dim3A_1 : vector<16xf32> to vector<1x16xf32>
      tpu.vector_store %arg13[%swap3A_50, %swap3A_51], %swap3A_54 {strides = array<i32>} : memref<128x128xf32, #tpu.memory_space<vmem>>, vector<1x16xf32>,
      %swap3A_55 = arith.index_cast %scan3A_44 : i32 to index
      %swap3A_56 = arith.constant 32 : index
      %swap3A_57 = tpu.vector_load %arg13[%swap3A_55, %swap3A_56] {strides = array<i32>} : memref<128x128xf32, #tpu.memory_space<vmem>>, vector<1x16xf32>,
      %swap3A_58 = vector.shape_cast %swap3A_57 : vector<1x16xf32> to vector<16xf32>
      %swap3A_59 = vector.shape_cast %broadcast_in_dim3A_1 : vector<16xf32> to vector<1x16xf32>
      tpu.vector_store %arg13[%swap3A_55, %swap3A_56], %swap3A_59 {strides = array<i32>} : memref<128x128xf32, #tpu.memory_space<vmem>>, vector<1x16xf32>,
      %swap3A_60 = arith.index_cast %scan3A_44 : i32 to index
      %swap3A_61 = arith.constant 48 : index
      %swap3A_62 = tpu.vector_load %arg13[%swap3A_60, %swap3A_61] {strides = array<i32>} : memref<128x128xf32, #tpu.memory_space<vmem>>, vector<1x16xf32>,
      %swap3A_63 = vector.shape_cast %swap3A_62 : vector<1x16xf32> to vector<16xf32>
      %swap3A_64 = vector.shape_cast %broadcast_in_dim3A_1 : vector<16xf32> to vector<1x16xf32>
      tpu.vector_store %arg13[%swap3A_60, %swap3A_61], %swap3A_64 {strides = array<i32>} : memref<128x128xf32, #tpu.memory_space<vmem>>, vector<1x16xf32>,
      %swap3A_65 = arith.index_cast %scan3A_44 : i32 to index
      %swap3A_66 = arith.constant 64 : index
      %swap3A_67 = tpu.vector_load %arg13[%swap3A_65, %swap3A_66] {strides = array<i32>} : memref<128x128xf32, #tpu.memory_space<vmem>>, vector<1x16xf32>,
      %swap3A_68 = vector.shape_cast %swap3A_67 : vector<1x16xf32> to vector<16xf32>
      %swap3A_69 = vector.shape_cast %broadcast_in_dim3A_1 : vector<16xf32> to vector<1x16xf32>
      tpu.vector_store %arg13[%swap3A_65, %swap3A_66], %swap3A_69 {strides = array<i32>} : memref<128x128xf32, #tpu.memory_space<vmem>>, vector<1x16xf32>,
      %swap3A_70 = arith.index_cast %scan3A_44 : i32 to index
      %swap3A_71 = arith.constant 80 : index
      %swap3A_72 = tpu.vector_load %arg13[%swap3A_70, %swap3A_71] {strides = array<i32>} : memref<128x128xf32, #tpu.memory_space<vmem>>, vector<1x16xf32>,
      %swap3A_73 = vector.shape_cast %swap3A_72 : vector<1x16xf32> to vector<16xf32>
      %swap3A_74 = vector.shape_cast %broadcast_in_dim3A_1 : vector<16xf32> to vector<1x16xf32>
      tpu.vector_store %arg13[%swap3A_70, %swap3A_71], %swap3A_74 {strides = array<i32>} : memref<128x128xf32, #tpu.memory_space<vmem>>, vector<1x16xf32>,
      %swap3A_75 = arith.index_cast %scan3A_44 : i32 to index
      %swap3A_76 = arith.constant 96 : index
      %swap3A_77 = tpu.vector_load %arg13[%swap3A_75, %swap3A_76] {strides = array<i32>} : memref<128x128xf32, #tpu.memory_space<vmem>>, vector<1x16xf32>,
      %swap3A_78 = vector.shape_cast %swap3A_77 : vector<1x16xf32> to vector<16xf32>
      %swap3A_79 = vector.shape_cast %broadcast_in_dim3A_1 : vector<16xf32> to vector<1x16xf32>
      tpu.vector_store %arg13[%swap3A_75, %swap3A_76], %swap3A_79 {strides = array<i32>} : memref<128x128xf32, #tpu.memory_space<vmem>>, vector<1x16xf32>,
      %swap3A_80 = arith.index_cast %scan3A_44 : i32 to index
      %swap3A_81 = arith.constant 112 : index
      %swap3A_82 = tpu.vector_load %arg13[%swap3A_80, %swap3A_81] {strides = array<i32>} : memref<128x128xf32, #tpu.memory_space<vmem>>, vector<1x16xf32>,
      %swap3A_83 = vector.shape_cast %swap3A_82 : vector<1x16xf32> to vector<16xf32>
      %swap3A_84 = vector.shape_cast %broadcast_in_dim3A_1 : vector<16xf32> to vector<1x16xf32>
      tpu.vector_store %arg13[%swap3A_80, %swap3A_81], %swap3A_84 {strides = array<i32>} : memref<128x128xf32, #tpu.memory_space<vmem>>, vector<1x16xf32>,
      %scan3A_85 = arith.constant 0 : i32
      scf.yield %scan3A_85 : i32
    }
    %scan3A_7 = arith.constant 128 : i32
    %mul3A_8 = arith.constant 640 : i32
    %mul3A_9 = arith.muli %arg1, %mul3A_8 : i32
    %add3A_10 = arith.constant 0 : i32
    %add3A_11 = arith.addi %mul3A_9, %add3A_10 : i32
    "tpu.region"() ({
      %run_scoped3A = tpu.sem_alloc : memref<!tpu.dma_semaphore, #tpu.memory_space<semaphore_mem>>
      %dma_start3A = arith.constant 0 : i32
      %dma_start3A_44 = arith.constant 0 : i32
      %dma_start3A_45 = tpu.memref_slice %arg13[%dma_start3A, %dma_start3A_44] : memref<128x128xf32, #tpu.memory_space<vmem>> -> memref<128x128xf32, #tpu.memory_space<vmem>>
      %dma_start3A_46 = arith.constant 0 : i32
      %dma_start3A_47 = tpu.memref_slice %arg14[%add3A_11, %dma_start3A_46] : memref<10240x128xf32, #tpu.memory_space<vmem_shared>> -> memref<128x128xf32, #tpu.memory_space<vmem_shared>>
      %dma_start3A_48 = arith.constant 0 : i32
      %dma_start3A_49 = tpu.memref_slice %arg14[%add3A_11, %dma_start3A_48] : memref<10240x128xf32, #tpu.memory_space<vmem_shared>> -> memref<128x128xf32, #tpu.memory_space<vmem_shared>>
      %dma_start3A_50 = arith.constant 0 : i32
      %dma_start3A_51 = arith.constant 0 : i32
      %dma_start3A_52 = tpu.memref_slice %arg13[%dma_start3A_50, %dma_start3A_51] : memref<128x128xf32, #tpu.memory_space<vmem>> -> memref<128x128xf32, #tpu.memory_space<vmem>>
      tpu.enqueue_dma source(%dma_start3A_52 : memref<128x128xf32, #tpu.memory_space<vmem>>) target(%dma_start3A_49 : memref<128x128xf32, #tpu.memory_space<vmem_shared>>) target_semaphore(%run_scoped3A : memref<!tpu.dma_semaphore, #tpu.memory_space<semaphore_mem>>)
      %dma_wait3A = arith.constant 0 : i32
      %dma_wait3A_53 = arith.constant 0 : i32
      %dma_wait3A_54 = tpu.memref_slice %arg13[%dma_wait3A, %dma_wait3A_53] : memref<128x128xf32, #tpu.memory_space<vmem>> -> memref<128x128xf32, #tpu.memory_space<vmem>>
      %dma_wait3A_55 = arith.constant 0 : i32
      %dma_wait3A_56 = tpu.memref_slice %arg14[%add3A_11, %dma_wait3A_55] : memref<10240x128xf32, #tpu.memory_space<vmem_shared>> -> memref<128x128xf32, #tpu.memory_space<vmem_shared>>
      %dma_wait3A_57 = arith.constant 0 : i32
      %dma_wait3A_58 = tpu.memref_slice %arg14[%add3A_11, %dma_wait3A_57] : memref<10240x128xf32, #tpu.memory_space<vmem_shared>> -> memref<128x128xf32, #tpu.memory_space<vmem_shared>>
      %dma_wait3A_59 = arith.constant 0 : i32
      %dma_wait3A_60 = arith.constant 0 : i32
      %dma_wait3A_61 = tpu.memref_slice %arg13[%dma_wait3A_59, %dma_wait3A_60] : memref<128x128xf32, #tpu.memory_space<vmem>> -> memref<128x128xf32, #tpu.memory_space<vmem>>
      tpu.wait_dma2 semaphore(%run_scoped3A : memref<!tpu.dma_semaphore, #tpu.memory_space<semaphore_mem>>) src(%dma_wait3A_61 : memref<128x128xf32, #tpu.memory_space<vmem>>) dst(%dma_wait3A_58 : memref<128x128xf32, #tpu.memory_space<vmem_shared>>)
      tpu.yield
    }) : () -> ()
    %mul3A_12 = arith.constant 640 : i32
    %mul3A_13 = arith.muli %arg1, %mul3A_12 : i32
    %add3A_14 = arith.constant 128 : i32
    %add3A_15 = arith.addi %mul3A_13, %add3A_14 : i32
    "tpu.region"() ({
      %run_scoped3A = tpu.sem_alloc : memref<!tpu.dma_semaphore, #tpu.memory_space<semaphore_mem>>
      %dma_start3A = arith.constant 0 : i32
      %dma_start3A_44 = arith.constant 0 : i32
      %dma_start3A_45 = tpu.memref_slice %arg13[%dma_start3A, %dma_start3A_44] : memref<128x128xf32, #tpu.memory_space<vmem>> -> memref<128x128xf32, #tpu.memory_space<vmem>>
      %dma_start3A_46 = arith.constant 0 : i32
      %dma_start3A_47 = tpu.memref_slice %arg14[%add3A_15, %dma_start3A_46] : memref<10240x128xf32, #tpu.memory_space<vmem_shared>> -> memref<128x128xf32, #tpu.memory_space<vmem_shared>>
      %dma_start3A_48 = arith.constant 0 : i32
      %dma_start3A_49 = tpu.memref_slice %arg14[%add3A_15, %dma_start3A_48] : memref<10240x128xf32, #tpu.memory_space<vmem_shared>> -> memref<128x128xf32, #tpu.memory_space<vmem_shared>>
      %dma_start3A_50 = arith.constant 0 : i32
      %dma_start3A_51 = arith.constant 0 : i32
      %dma_start3A_52 = tpu.memref_slice %arg13[%dma_start3A_50, %dma_start3A_51] : memref<128x128xf32, #tpu.memory_space<vmem>> -> memref<128x128xf32, #tpu.memory_space<vmem>>
      tpu.enqueue_dma source(%dma_start3A_52 : memref<128x128xf32, #tpu.memory_space<vmem>>) target(%dma_start3A_49 : memref<128x128xf32, #tpu.memory_space<vmem_shared>>) target_semaphore(%run_scoped3A : memref<!tpu.dma_semaphore, #tpu.memory_space<semaphore_mem>>)
      %dma_wait3A = arith.constant 0 : i32
      %dma_wait3A_53 = arith.constant 0 : i32
      %dma_wait3A_54 = tpu.memref_slice %arg13[%dma_wait3A, %dma_wait3A_53] : memref<128x128xf32, #tpu.memory_space<vmem>> -> memref<128x128xf32, #tpu.memory_space<vmem>>
      %dma_wait3A_55 = arith.constant 0 : i32
      %dma_wait3A_56 = tpu.memref_slice %arg14[%add3A_15, %dma_wait3A_55] : memref<10240x128xf32, #tpu.memory_space<vmem_shared>> -> memref<128x128xf32, #tpu.memory_space<vmem_shared>>
      %dma_wait3A_57 = arith.constant 0 : i32
      %dma_wait3A_58 = tpu.memref_slice %arg14[%add3A_15, %dma_wait3A_57] : memref<10240x128xf32, #tpu.memory_space<vmem_shared>> -> memref<128x128xf32, #tpu.memory_space<vmem_shared>>
      %dma_wait3A_59 = arith.constant 0 : i32
      %dma_wait3A_60 = arith.constant 0 : i32
      %dma_wait3A_61 = tpu.memref_slice %arg13[%dma_wait3A_59, %dma_wait3A_60] : memref<128x128xf32, #tpu.memory_space<vmem>> -> memref<128x128xf32, #tpu.memory_space<vmem>>
      tpu.wait_dma2 semaphore(%run_scoped3A : memref<!tpu.dma_semaphore, #tpu.memory_space<semaphore_mem>>) src(%dma_wait3A_61 : memref<128x128xf32, #tpu.memory_space<vmem>>) dst(%dma_wait3A_58 : memref<128x128xf32, #tpu.memory_space<vmem_shared>>)
      tpu.yield
    }) : () -> ()
    %mul3A_16 = arith.constant 640 : i32
    %mul3A_17 = arith.muli %arg1, %mul3A_16 : i32
    %add3A_18 = arith.constant 256 : i32
    %add3A_19 = arith.addi %mul3A_17, %add3A_18 : i32
    "tpu.region"() ({
      %run_scoped3A = tpu.sem_alloc : memref<!tpu.dma_semaphore, #tpu.memory_space<semaphore_mem>>
      %dma_start3A = arith.constant 0 : i32
      %dma_start3A_44 = arith.constant 0 : i32
      %dma_start3A_45 = tpu.memref_slice %arg13[%dma_start3A, %dma_start3A_44] : memref<128x128xf32, #tpu.memory_space<vmem>> -> memref<128x128xf32, #tpu.memory_space<vmem>>
      %dma_start3A_46 = arith.constant 0 : i32
      %dma_start3A_47 = tpu.memref_slice %arg14[%add3A_19, %dma_start3A_46] : memref<10240x128xf32, #tpu.memory_space<vmem_shared>> -> memref<128x128xf32, #tpu.memory_space<vmem_shared>>
      %dma_start3A_48 = arith.constant 0 : i32
      %dma_start3A_49 = tpu.memref_slice %arg14[%add3A_19, %dma_start3A_48] : memref<10240x128xf32, #tpu.memory_space<vmem_shared>> -> memref<128x128xf32, #tpu.memory_space<vmem_shared>>
      %dma_start3A_50 = arith.constant 0 : i32
      %dma_start3A_51 = arith.constant 0 : i32
      %dma_start3A_52 = tpu.memref_slice %arg13[%dma_start3A_50, %dma_start3A_51] : memref<128x128xf32, #tpu.memory_space<vmem>> -> memref<128x128xf32, #tpu.memory_space<vmem>>
      tpu.enqueue_dma source(%dma_start3A_52 : memref<128x128xf32, #tpu.memory_space<vmem>>) target(%dma_start3A_49 : memref<128x128xf32, #tpu.memory_space<vmem_shared>>) target_semaphore(%run_scoped3A : memref<!tpu.dma_semaphore, #tpu.memory_space<semaphore_mem>>)
      %dma_wait3A = arith.constant 0 : i32
      %dma_wait3A_53 = arith.constant 0 : i32
      %dma_wait3A_54 = tpu.memref_slice %arg13[%dma_wait3A, %dma_wait3A_53] : memref<128x128xf32, #tpu.memory_space<vmem>> -> memref<128x128xf32, #tpu.memory_space<vmem>>
      %dma_wait3A_55 = arith.constant 0 : i32
      %dma_wait3A_56 = tpu.memref_slice %arg14[%add3A_19, %dma_wait3A_55] : memref<10240x128xf32, #tpu.memory_space<vmem_shared>> -> memref<128x128xf32, #tpu.memory_space<vmem_shared>>
      %dma_wait3A_57 = arith.constant 0 : i32
      %dma_wait3A_58 = tpu.memref_slice %arg14[%add3A_19, %dma_wait3A_57] : memref<10240x128xf32, #tpu.memory_space<vmem_shared>> -> memref<128x128xf32, #tpu.memory_space<vmem_shared>>
      %dma_wait3A_59 = arith.constant 0 : i32
      %dma_wait3A_60 = arith.constant 0 : i32
      %dma_wait3A_61 = tpu.memref_slice %arg13[%dma_wait3A_59, %dma_wait3A_60] : memref<128x128xf32, #tpu.memory_space<vmem>> -> memref<128x128xf32, #tpu.memory_space<vmem>>
      tpu.wait_dma2 semaphore(%run_scoped3A : memref<!tpu.dma_semaphore, #tpu.memory_space<semaphore_mem>>) src(%dma_wait3A_61 : memref<128x128xf32, #tpu.memory_space<vmem>>) dst(%dma_wait3A_58 : memref<128x128xf32, #tpu.memory_space<vmem_shared>>)
      tpu.yield
    }) : () -> ()
    %mul3A_20 = arith.constant 640 : i32
    %mul3A_21 = arith.muli %arg1, %mul3A_20 : i32
    %add3A_22 = arith.constant 384 : i32
    %add3A_23 = arith.addi %mul3A_21, %add3A_22 : i32
    "tpu.region"() ({
      %run_scoped3A = tpu.sem_alloc : memref<!tpu.dma_semaphore, #tpu.memory_space<semaphore_mem>>
      %dma_start3A = arith.constant 0 : i32
      %dma_start3A_44 = arith.constant 0 : i32
      %dma_start3A_45 = tpu.memref_slice %arg13[%dma_start3A, %dma_start3A_44] : memref<128x128xf32, #tpu.memory_space<vmem>> -> memref<128x128xf32, #tpu.memory_space<vmem>>
      %dma_start3A_46 = arith.constant 0 : i32
      %dma_start3A_47 = tpu.memref_slice %arg14[%add3A_23, %dma_start3A_46] : memref<10240x128xf32, #tpu.memory_space<vmem_shared>> -> memref<128x128xf32, #tpu.memory_space<vmem_shared>>
      %dma_start3A_48 = arith.constant 0 : i32
      %dma_start3A_49 = tpu.memref_slice %arg14[%add3A_23, %dma_start3A_48] : memref<10240x128xf32, #tpu.memory_space<vmem_shared>> -> memref<128x128xf32, #tpu.memory_space<vmem_shared>>
      %dma_start3A_50 = arith.constant 0 : i32
      %dma_start3A_51 = arith.constant 0 : i32
      %dma_start3A_52 = tpu.memref_slice %arg13[%dma_start3A_50, %dma_start3A_51] : memref<128x128xf32, #tpu.memory_space<vmem>> -> memref<128x128xf32, #tpu.memory_space<vmem>>
      tpu.enqueue_dma source(%dma_start3A_52 : memref<128x128xf32, #tpu.memory_space<vmem>>) target(%dma_start3A_49 : memref<128x128xf32, #tpu.memory_space<vmem_shared>>) target_semaphore(%run_scoped3A : memref<!tpu.dma_semaphore, #tpu.memory_space<semaphore_mem>>)
      %dma_wait3A = arith.constant 0 : i32
      %dma_wait3A_53 = arith.constant 0 : i32
      %dma_wait3A_54 = tpu.memref_slice %arg13[%dma_wait3A, %dma_wait3A_53] : memref<128x128xf32, #tpu.memory_space<vmem>> -> memref<128x128xf32, #tpu.memory_space<vmem>>
      %dma_wait3A_55 = arith.constant 0 : i32
      %dma_wait3A_56 = tpu.memref_slice %arg14[%add3A_23, %dma_wait3A_55] : memref<10240x128xf32, #tpu.memory_space<vmem_shared>> -> memref<128x128xf32, #tpu.memory_space<vmem_shared>>
      %dma_wait3A_57 = arith.constant 0 : i32
      %dma_wait3A_58 = tpu.memref_slice %arg14[%add3A_23, %dma_wait3A_57] : memref<10240x128xf32, #tpu.memory_space<vmem_shared>> -> memref<128x128xf32, #tpu.memory_space<vmem_shared>>
      %dma_wait3A_59 = arith.constant 0 : i32
      %dma_wait3A_60 = arith.constant 0 : i32
      %dma_wait3A_61 = tpu.memref_slice %arg13[%dma_wait3A_59, %dma_wait3A_60] : memref<128x128xf32, #tpu.memory_space<vmem>> -> memref<128x128xf32, #tpu.memory_space<vmem>>
      tpu.wait_dma2 semaphore(%run_scoped3A : memref<!tpu.dma_semaphore, #tpu.memory_space<semaphore_mem>>) src(%dma_wait3A_61 : memref<128x128xf32, #tpu.memory_space<vmem>>) dst(%dma_wait3A_58 : memref<128x128xf32, #tpu.memory_space<vmem_shared>>)
      tpu.yield
    }) : () -> ()
    %mul3A_24 = arith.constant 640 : i32
    %mul3A_25 = arith.muli %arg1, %mul3A_24 : i32
    %add3A_26 = arith.constant 512 : i32
    %add3A_27 = arith.addi %mul3A_25, %add3A_26 : i32
    "tpu.region"() ({
      %run_scoped3A = tpu.sem_alloc : memref<!tpu.dma_semaphore, #tpu.memory_space<semaphore_mem>>
      %dma_start3A = arith.constant 0 : i32
      %dma_start3A_44 = arith.constant 0 : i32
      %dma_start3A_45 = tpu.memref_slice %arg13[%dma_start3A, %dma_start3A_44] : memref<128x128xf32, #tpu.memory_space<vmem>> -> memref<128x128xf32, #tpu.memory_space<vmem>>
      %dma_start3A_46 = arith.constant 0 : i32
      %dma_start3A_47 = tpu.memref_slice %arg14[%add3A_27, %dma_start3A_46] : memref<10240x128xf32, #tpu.memory_space<vmem_shared>> -> memref<128x128xf32, #tpu.memory_space<vmem_shared>>
      %dma_start3A_48 = arith.constant 0 : i32
      %dma_start3A_49 = tpu.memref_slice %arg14[%add3A_27, %dma_start3A_48] : memref<10240x128xf32, #tpu.memory_space<vmem_shared>> -> memref<128x128xf32, #tpu.memory_space<vmem_shared>>
      %dma_start3A_50 = arith.constant 0 : i32
      %dma_start3A_51 = arith.constant 0 : i32
      %dma_start3A_52 = tpu.memref_slice %arg13[%dma_start3A_50, %dma_start3A_51] : memref<128x128xf32, #tpu.memory_space<vmem>> -> memref<128x128xf32, #tpu.memory_space<vmem>>
      tpu.enqueue_dma source(%dma_start3A_52 : memref<128x128xf32, #tpu.memory_space<vmem>>) target(%dma_start3A_49 : memref<128x128xf32, #tpu.memory_space<vmem_shared>>) target_semaphore(%run_scoped3A : memref<!tpu.dma_semaphore, #tpu.memory_space<semaphore_mem>>)
      %dma_wait3A = arith.constant 0 : i32
      %dma_wait3A_53 = arith.constant 0 : i32
      %dma_wait3A_54 = tpu.memref_slice %arg13[%dma_wait3A, %dma_wait3A_53] : memref<128x128xf32, #tpu.memory_space<vmem>> -> memref<128x128xf32, #tpu.memory_space<vmem>>
      %dma_wait3A_55 = arith.constant 0 : i32
      %dma_wait3A_56 = tpu.memref_slice %arg14[%add3A_27, %dma_wait3A_55] : memref<10240x128xf32, #tpu.memory_space<vmem_shared>> -> memref<128x128xf32, #tpu.memory_space<vmem_shared>>
      %dma_wait3A_57 = arith.constant 0 : i32
      %dma_wait3A_58 = tpu.memref_slice %arg14[%add3A_27, %dma_wait3A_57] : memref<10240x128xf32, #tpu.memory_space<vmem_shared>> -> memref<128x128xf32, #tpu.memory_space<vmem_shared>>
      %dma_wait3A_59 = arith.constant 0 : i32
      %dma_wait3A_60 = arith.constant 0 : i32
      %dma_wait3A_61 = tpu.memref_slice %arg13[%dma_wait3A_59, %dma_wait3A_60] : memref<128x128xf32, #tpu.memory_space<vmem>> -> memref<128x128xf32, #tpu.memory_space<vmem>>
      tpu.wait_dma2 semaphore(%run_scoped3A : memref<!tpu.dma_semaphore, #tpu.memory_space<semaphore_mem>>) src(%dma_wait3A_61 : memref<128x128xf32, #tpu.memory_space<vmem>>) dst(%dma_wait3A_58 : memref<128x128xf32, #tpu.memory_space<vmem_shared>>)
      tpu.yield
    }) : () -> ()
    %barrier3A = arith.constant 0 : index
    tpu.barrier barrier_id(%barrier3A)
    %mul3A_28 = arith.constant 79 : i32
    %mul3A_29 = arith.muli %add3A, %mul3A_28 : i32
    "tpu.region"() ({
      %run_scoped3A = tpu.sem_alloc : memref<!tpu.dma_semaphore, #tpu.memory_space<semaphore_mem>>
      %dma_start3A = arith.constant 0 : i32
      %dma_start3A_44 = tpu.memref_slice %arg2[%mul3A_29, %dma_start3A] : memref<2528x128xi32, #tpu.memory_space<hbm>> -> memref<79x128xi32, #tpu.memory_space<hbm>>
      %dma_start3A_45 = arith.constant 0 : i32
      %dma_start3A_46 = tpu.memref_slice %arg2[%mul3A_29, %dma_start3A_45] : memref<2528x128xi32, #tpu.memory_space<hbm>> -> memref<79x128xi32, #tpu.memory_space<hbm>>
      tpu.enqueue_dma source(%dma_start3A_46 : memref<79x128xi32, #tpu.memory_space<hbm>>) target(%arg8 : memref<79x128xi32, #tpu.memory_space<vmem>>) target_semaphore(%run_scoped3A : memref<!tpu.dma_semaphore, #tpu.memory_space<semaphore_mem>>)
      %dma_wait3A = arith.constant 0 : i32
      %dma_wait3A_47 = tpu.memref_slice %arg2[%mul3A_29, %dma_wait3A] : memref<2528x128xi32, #tpu.memory_space<hbm>> -> memref<79x128xi32, #tpu.memory_space<hbm>>
      %dma_wait3A_48 = arith.constant 0 : i32
      %dma_wait3A_49 = tpu.memref_slice %arg2[%mul3A_29, %dma_wait3A_48] : memref<2528x128xi32, #tpu.memory_space<hbm>> -> memref<79x128xi32, #tpu.memory_space<hbm>>
      tpu.wait_dma2 semaphore(%run_scoped3A : memref<!tpu.dma_semaphore, #tpu.memory_space<semaphore_mem>>) src(%dma_wait3A_49 : memref<79x128xi32, #tpu.memory_space<hbm>>) dst(%arg8 : memref<79x128xi32, #tpu.memory_space<vmem>>)
      tpu.yield
    }) : () -> ()
    %mul3A_30 = arith.constant 79 : i32
    %mul3A_31 = arith.muli %add3A, %mul3A_30 : i32
    "tpu.region"() ({
      %run_scoped3A = tpu.sem_alloc : memref<!tpu.dma_semaphore, #tpu.memory_space<semaphore_mem>>
      %dma_start3A = arith.constant 0 : i32
      %dma_start3A_44 = tpu.memref_slice %arg3[%mul3A_31, %dma_start3A] : memref<2528x128xi32, #tpu.memory_space<hbm>> -> memref<79x128xi32, #tpu.memory_space<hbm>>
      %dma_start3A_45 = arith.constant 0 : i32
      %dma_start3A_46 = tpu.memref_slice %arg3[%mul3A_31, %dma_start3A_45] : memref<2528x128xi32, #tpu.memory_space<hbm>> -> memref<79x128xi32, #tpu.memory_space<hbm>>
      tpu.enqueue_dma source(%dma_start3A_46 : memref<79x128xi32, #tpu.memory_space<hbm>>) target(%arg9 : memref<79x128xi32, #tpu.memory_space<vmem>>) target_semaphore(%run_scoped3A : memref<!tpu.dma_semaphore, #tpu.memory_space<semaphore_mem>>)
      %dma_wait3A = arith.constant 0 : i32
      %dma_wait3A_47 = tpu.memref_slice %arg3[%mul3A_31, %dma_wait3A] : memref<2528x128xi32, #tpu.memory_space<hbm>> -> memref<79x128xi32, #tpu.memory_space<hbm>>
      %dma_wait3A_48 = arith.constant 0 : i32
      %dma_wait3A_49 = tpu.memref_slice %arg3[%mul3A_31, %dma_wait3A_48] : memref<2528x128xi32, #tpu.memory_space<hbm>> -> memref<79x128xi32, #tpu.memory_space<hbm>>
      tpu.wait_dma2 semaphore(%run_scoped3A : memref<!tpu.dma_semaphore, #tpu.memory_space<semaphore_mem>>) src(%dma_wait3A_49 : memref<79x128xi32, #tpu.memory_space<hbm>>) dst(%arg9 : memref<79x128xi32, #tpu.memory_space<vmem>>)
      tpu.yield
    }) : () -> ()
    %mul3A_32 = arith.constant 10112 : i32
    %mul3A_33 = arith.muli %add3A, %mul3A_32 : i32
    %scan3A_34 = arith.constant 0 : i32
    %scan3A_35 = arith.constant 0 : i32
    %scan3A_36 = arith.constant 79 : i32
    %scan3A_37 = arith.addi %scan3A_35, %scan3A_36 : i32
    %scan3A_38 = arith.constant 1 : i32
    %scan3A_39 = scf.for %scan3A_44 = %scan3A_35 to %scan3A_37 step %scan3A_38 iter_args(%scan3A_45 = %scan3A_34) -> (i32)  : i32 {
      %mul3A_46 = arith.constant 128 : i32
      %mul3A_47 = arith.muli %scan3A_44, %mul3A_46 : i32
      %add3A_48 = arith.addi %mul3A_33, %mul3A_47 : i32
      %dma_start3A = arith.constant 0 : i32
      %dma_start3A_49 = tpu.memref_slice %arg8[%scan3A_44, %dma_start3A] : memref<79x128xi32, #tpu.memory_space<vmem>> -> memref<1x128xi32, #tpu.memory_space<vmem>>
      %dma_start3A_50 = tpu.memref_squeeze %dma_start3A_49 : memref<1x128xi32, #tpu.memory_space<vmem>> -> memref<128xi32, #tpu.memory_space<vmem>>
      %dma_start3A_51 = arith.constant 0 : i32
      %dma_start3A_52 = arith.constant 0 : i32
      %dma_start3A_53 = tpu.memref_slice %arg6[%dma_start3A_51, %dma_start3A_52] : memref<10240x128xf32, #tpu.memory_space<hbm>> -> memref<10240x128xf32, #tpu.memory_space<hbm>>
      tpu.enqueue_indirect_dma source(%dma_start3A_53 : memref<10240x128xf32, #tpu.memory_space<hbm>>) target(%arg13 : memref<128x128xf32, #tpu.memory_space<vmem>>) offsets(%dma_start3A_50 : memref<128xi32, #tpu.memory_space<vmem>>) semaphore(%arg15 : memref<!tpu.dma_semaphore, #tpu.memory_space<semaphore_mem>>)
      %dma_start3A_54 = arith.constant 0 : i32
      %dma_start3A_55 = tpu.memref_slice %arg4[%add3A_48, %dma_start3A_54] : memref<323584x16xf32, #tpu.memory_space<hbm>> -> memref<128x16xf32, #tpu.memory_space<hbm>>
      %dma_start3A_56 = arith.constant 0 : i32
      %dma_start3A_57 = tpu.memref_slice %arg4[%add3A_48, %dma_start3A_56] : memref<323584x16xf32, #tpu.memory_space<hbm>> -> memref<128x16xf32, #tpu.memory_space<hbm>>
      tpu.enqueue_dma source(%dma_start3A_57 : memref<128x16xf32, #tpu.memory_space<hbm>>) target(%arg11 : memref<128x16xf32, #tpu.memory_space<vmem>>) target_semaphore(%arg16 : memref<!tpu.dma_semaphore, #tpu.memory_space<semaphore_mem>>)
      %dma_wait3A = arith.constant 0 : i32
      %dma_wait3A_58 = tpu.memref_slice %arg8[%scan3A_44, %dma_wait3A] : memref<79x128xi32, #tpu.memory_space<vmem>> -> memref<1x128xi32, #tpu.memory_space<vmem>>
      %dma_wait3A_59 = tpu.memref_squeeze %dma_wait3A_58 : memref<1x128xi32, #tpu.memory_space<vmem>> -> memref<128xi32, #tpu.memory_space<vmem>>
      %dma_wait3A_60 = arith.constant 0 : i32
      %dma_wait3A_61 = arith.constant 0 : i32
      %dma_wait3A_62 = tpu.memref_slice %arg6[%dma_wait3A_60, %dma_wait3A_61] : memref<10240x128xf32, #tpu.memory_space<hbm>> -> memref<10240x128xf32, #tpu.memory_space<hbm>>
      tpu.wait_indirect_dma semaphore(%arg15 : memref<!tpu.dma_semaphore, #tpu.memory_space<semaphore_mem>>) src(%dma_wait3A_62 : memref<10240x128xf32, #tpu.memory_space<hbm>>) dst(%arg13 : memref<128x128xf32, #tpu.memory_space<vmem>>)
      %dma_wait3A_63 = arith.constant 0 : i32
      %dma_wait3A_64 = tpu.memref_slice %arg4[%add3A_48, %dma_wait3A_63] : memref<323584x16xf32, #tpu.memory_space<hbm>> -> memref<128x16xf32, #tpu.memory_space<hbm>>
      %dma_wait3A_65 = arith.constant 0 : i32
      %dma_wait3A_66 = tpu.memref_slice %arg4[%add3A_48, %dma_wait3A_65] : memref<323584x16xf32, #tpu.memory_space<hbm>> -> memref<128x16xf32, #tpu.memory_space<hbm>>
      tpu.wait_dma2 semaphore(%arg16 : memref<!tpu.dma_semaphore, #tpu.memory_space<semaphore_mem>>) src(%dma_wait3A_66 : memref<128x16xf32, #tpu.memory_space<hbm>>) dst(%arg11 : memref<128x16xf32, #tpu.memory_space<vmem>>)
      %scan3A_67 = arith.constant 0 : i32
      %scan3A_68 = arith.constant 0 : i32
      %scan3A_69 = arith.constant 128 : i32
      %scan3A_70 = arith.addi %scan3A_68, %scan3A_69 : i32
      %scan3A_71 = arith.constant 1 : i32
      %scan3A_72 = scf.for %scan3A_75 = %scan3A_68 to %scan3A_70 step %scan3A_71 iter_args(%scan3A_76 = %scan3A_67) -> (i32)  : i32 {
        %get3A = arith.index_cast %scan3A_75 : i32 to index
        %get3A_77 = arith.constant 0 : index
        %get3A_78 = tpu.vector_load %arg11[%get3A, %get3A_77] {strides = array<i32>} : memref<128x16xf32, #tpu.memory_space<vmem>>, vector<1x16xf32>,
        %get3A_79 = vector.shape_cast %get3A_78 : vector<1x16xf32> to vector<16xf32>
        %slice3A = vector.extract_strided_slice %get3A_79 {offsets = [0], sizes = [1], strides = [1]} : vector<16xf32> to vector<1xf32>
        %squeeze3A = vector.extract %slice3A[0] : f32 from vector<1xf32>
        %broadcast_in_dim3A_80 = vector.broadcast %squeeze3A : f32 to vector<16xf32>
        %get3A_81 = arith.index_cast %scan3A_75 : i32 to index
        %get3A_82 = arith.constant 0 : index
        %get3A_83 = tpu.vector_load %arg13[%get3A_81, %get3A_82] {strides = array<i32>} : memref<128x128xf32, #tpu.memory_space<vmem>>, vector<1x16xf32>,
        %get3A_84 = vector.shape_cast %get3A_83 : vector<1x16xf32> to vector<16xf32>
        %mul3A_85 = arith.mulf %get3A_84, %broadcast_in_dim3A_80 : vector<16xf32>
        %swap3A = arith.index_cast %scan3A_75 : i32 to index
        %swap3A_86 = arith.constant 0 : index
        %swap3A_87 = tpu.vector_load %arg13[%swap3A, %swap3A_86] {strides = array<i32>} : memref<128x128xf32, #tpu.memory_space<vmem>>, vector<1x16xf32>,
        %swap3A_88 = vector.shape_cast %swap3A_87 : vector<1x16xf32> to vector<16xf32>
        %swap3A_89 = vector.shape_cast %mul3A_85 : vector<16xf32> to vector<1x16xf32>
        tpu.vector_store %arg13[%swap3A, %swap3A_86], %swap3A_89 {strides = array<i32>} : memref<128x128xf32, #tpu.memory_space<vmem>>, vector<1x16xf32>,
        %slice3A_90 = vector.extract_strided_slice %get3A_79 {offsets = [1], sizes = [1], strides = [1]} : vector<16xf32> to vector<1xf32>
        %squeeze3A_91 = vector.extract %slice3A_90[0] : f32 from vector<1xf32>
        %broadcast_in_dim3A_92 = vector.broadcast %squeeze3A_91 : f32 to vector<16xf32>
        %get3A_93 = arith.index_cast %scan3A_75 : i32 to index
        %get3A_94 = arith.constant 16 : index
        %get3A_95 = tpu.vector_load %arg13[%get3A_93, %get3A_94] {strides = array<i32>} : memref<128x128xf32, #tpu.memory_space<vmem>>, vector<1x16xf32>,
        %get3A_96 = vector.shape_cast %get3A_95 : vector<1x16xf32> to vector<16xf32>
        %mul3A_97 = arith.mulf %get3A_96, %broadcast_in_dim3A_92 : vector<16xf32>
        %swap3A_98 = arith.index_cast %scan3A_75 : i32 to index
        %swap3A_99 = arith.constant 16 : index
        %swap3A_100 = tpu.vector_load %arg13[%swap3A_98, %swap3A_99] {strides = array<i32>} : memref<128x128xf32, #tpu.memory_space<vmem>>, vector<1x16xf32>,
        %swap3A_101 = vector.shape_cast %swap3A_100 : vector<1x16xf32> to vector<16xf32>
        %swap3A_102 = vector.shape_cast %mul3A_97 : vector<16xf32> to vector<1x16xf32>
        tpu.vector_store %arg13[%swap3A_98, %swap3A_99], %swap3A_102 {strides = array<i32>} : memref<128x128xf32, #tpu.memory_space<vmem>>, vector<1x16xf32>,
        %slice3A_103 = vector.extract_strided_slice %get3A_79 {offsets = [2], sizes = [1], strides = [1]} : vector<16xf32> to vector<1xf32>
        %squeeze3A_104 = vector.extract %slice3A_103[0] : f32 from vector<1xf32>
        %broadcast_in_dim3A_105 = vector.broadcast %squeeze3A_104 : f32 to vector<16xf32>
        %get3A_106 = arith.index_cast %scan3A_75 : i32 to index
        %get3A_107 = arith.constant 32 : index
        %get3A_108 = tpu.vector_load %arg13[%get3A_106, %get3A_107] {strides = array<i32>} : memref<128x128xf32, #tpu.memory_space<vmem>>, vector<1x16xf32>,
        %get3A_109 = vector.shape_cast %get3A_108 : vector<1x16xf32> to vector<16xf32>
        %mul3A_110 = arith.mulf %get3A_109, %broadcast_in_dim3A_105 : vector<16xf32>
        %swap3A_111 = arith.index_cast %scan3A_75 : i32 to index
        %swap3A_112 = arith.constant 32 : index
        %swap3A_113 = tpu.vector_load %arg13[%swap3A_111, %swap3A_112] {strides = array<i32>} : memref<128x128xf32, #tpu.memory_space<vmem>>, vector<1x16xf32>,
        %swap3A_114 = vector.shape_cast %swap3A_113 : vector<1x16xf32> to vector<16xf32>
        %swap3A_115 = vector.shape_cast %mul3A_110 : vector<16xf32> to vector<1x16xf32>
        tpu.vector_store %arg13[%swap3A_111, %swap3A_112], %swap3A_115 {strides = array<i32>} : memref<128x128xf32, #tpu.memory_space<vmem>>, vector<1x16xf32>,
        %slice3A_116 = vector.extract_strided_slice %get3A_79 {offsets = [3], sizes = [1], strides = [1]} : vector<16xf32> to vector<1xf32>
        %squeeze3A_117 = vector.extract %slice3A_116[0] : f32 from vector<1xf32>
        %broadcast_in_dim3A_118 = vector.broadcast %squeeze3A_117 : f32 to vector<16xf32>
        %get3A_119 = arith.index_cast %scan3A_75 : i32 to index
        %get3A_120 = arith.constant 48 : index
        %get3A_121 = tpu.vector_load %arg13[%get3A_119, %get3A_120] {strides = array<i32>} : memref<128x128xf32, #tpu.memory_space<vmem>>, vector<1x16xf32>,
        %get3A_122 = vector.shape_cast %get3A_121 : vector<1x16xf32> to vector<16xf32>
        %mul3A_123 = arith.mulf %get3A_122, %broadcast_in_dim3A_118 : vector<16xf32>
        %swap3A_124 = arith.index_cast %scan3A_75 : i32 to index
        %swap3A_125 = arith.constant 48 : index
        %swap3A_126 = tpu.vector_load %arg13[%swap3A_124, %swap3A_125] {strides = array<i32>} : memref<128x128xf32, #tpu.memory_space<vmem>>, vector<1x16xf32>,
        %swap3A_127 = vector.shape_cast %swap3A_126 : vector<1x16xf32> to vector<16xf32>
        %swap3A_128 = vector.shape_cast %mul3A_123 : vector<16xf32> to vector<1x16xf32>
        tpu.vector_store %arg13[%swap3A_124, %swap3A_125], %swap3A_128 {strides = array<i32>} : memref<128x128xf32, #tpu.memory_space<vmem>>, vector<1x16xf32>,
        %slice3A_129 = vector.extract_strided_slice %get3A_79 {offsets = [4], sizes = [1], strides = [1]} : vector<16xf32> to vector<1xf32>
        %squeeze3A_130 = vector.extract %slice3A_129[0] : f32 from vector<1xf32>
        %broadcast_in_dim3A_131 = vector.broadcast %squeeze3A_130 : f32 to vector<16xf32>
        %get3A_132 = arith.index_cast %scan3A_75 : i32 to index
        %get3A_133 = arith.constant 64 : index
        %get3A_134 = tpu.vector_load %arg13[%get3A_132, %get3A_133] {strides = array<i32>} : memref<128x128xf32, #tpu.memory_space<vmem>>, vector<1x16xf32>,
        %get3A_135 = vector.shape_cast %get3A_134 : vector<1x16xf32> to vector<16xf32>
        %mul3A_136 = arith.mulf %get3A_135, %broadcast_in_dim3A_131 : vector<16xf32>
        %swap3A_137 = arith.index_cast %scan3A_75 : i32 to index
        %swap3A_138 = arith.constant 64 : index
        %swap3A_139 = tpu.vector_load %arg13[%swap3A_137, %swap3A_138] {strides = array<i32>} : memref<128x128xf32, #tpu.memory_space<vmem>>, vector<1x16xf32>,
        %swap3A_140 = vector.shape_cast %swap3A_139 : vector<1x16xf32> to vector<16xf32>
        %swap3A_141 = vector.shape_cast %mul3A_136 : vector<16xf32> to vector<1x16xf32>
        tpu.vector_store %arg13[%swap3A_137, %swap3A_138], %swap3A_141 {strides = array<i32>} : memref<128x128xf32, #tpu.memory_space<vmem>>, vector<1x16xf32>,
        %slice3A_142 = vector.extract_strided_slice %get3A_79 {offsets = [5], sizes = [1], strides = [1]} : vector<16xf32> to vector<1xf32>
        %squeeze3A_143 = vector.extract %slice3A_142[0] : f32 from vector<1xf32>
        %broadcast_in_dim3A_144 = vector.broadcast %squeeze3A_143 : f32 to vector<16xf32>
        %get3A_145 = arith.index_cast %scan3A_75 : i32 to index
        %get3A_146 = arith.constant 80 : index
        %get3A_147 = tpu.vector_load %arg13[%get3A_145, %get3A_146] {strides = array<i32>} : memref<128x128xf32, #tpu.memory_space<vmem>>, vector<1x16xf32>,
        %get3A_148 = vector.shape_cast %get3A_147 : vector<1x16xf32> to vector<16xf32>
        %mul3A_149 = arith.mulf %get3A_148, %broadcast_in_dim3A_144 : vector<16xf32>
        %swap3A_150 = arith.index_cast %scan3A_75 : i32 to index
        %swap3A_151 = arith.constant 80 : index
        %swap3A_152 = tpu.vector_load %arg13[%swap3A_150, %swap3A_151] {strides = array<i32>} : memref<128x128xf32, #tpu.memory_space<vmem>>, vector<1x16xf32>,
        %swap3A_153 = vector.shape_cast %swap3A_152 : vector<1x16xf32> to vector<16xf32>
        %swap3A_154 = vector.shape_cast %mul3A_149 : vector<16xf32> to vector<1x16xf32>
        tpu.vector_store %arg13[%swap3A_150, %swap3A_151], %swap3A_154 {strides = array<i32>} : memref<128x128xf32, #tpu.memory_space<vmem>>, vector<1x16xf32>,
        %slice3A_155 = vector.extract_strided_slice %get3A_79 {offsets = [6], sizes = [1], strides = [1]} : vector<16xf32> to vector<1xf32>
        %squeeze3A_156 = vector.extract %slice3A_155[0] : f32 from vector<1xf32>
        %broadcast_in_dim3A_157 = vector.broadcast %squeeze3A_156 : f32 to vector<16xf32>
        %get3A_158 = arith.index_cast %scan3A_75 : i32 to index
        %get3A_159 = arith.constant 96 : index
        %get3A_160 = tpu.vector_load %arg13[%get3A_158, %get3A_159] {strides = array<i32>} : memref<128x128xf32, #tpu.memory_space<vmem>>, vector<1x16xf32>,
        %get3A_161 = vector.shape_cast %get3A_160 : vector<1x16xf32> to vector<16xf32>
        %mul3A_162 = arith.mulf %get3A_161, %broadcast_in_dim3A_157 : vector<16xf32>
        %swap3A_163 = arith.index_cast %scan3A_75 : i32 to index
        %swap3A_164 = arith.constant 96 : index
        %swap3A_165 = tpu.vector_load %arg13[%swap3A_163, %swap3A_164] {strides = array<i32>} : memref<128x128xf32, #tpu.memory_space<vmem>>, vector<1x16xf32>,
        %swap3A_166 = vector.shape_cast %swap3A_165 : vector<1x16xf32> to vector<16xf32>
        %swap3A_167 = vector.shape_cast %mul3A_162 : vector<16xf32> to vector<1x16xf32>
        tpu.vector_store %arg13[%swap3A_163, %swap3A_164], %swap3A_167 {strides = array<i32>} : memref<128x128xf32, #tpu.memory_space<vmem>>, vector<1x16xf32>,
        %slice3A_168 = vector.extract_strided_slice %get3A_79 {offsets = [7], sizes = [1], strides = [1]} : vector<16xf32> to vector<1xf32>
        %squeeze3A_169 = vector.extract %slice3A_168[0] : f32 from vector<1xf32>
        %broadcast_in_dim3A_170 = vector.broadcast %squeeze3A_169 : f32 to vector<16xf32>
        %get3A_171 = arith.index_cast %scan3A_75 : i32 to index
        %get3A_172 = arith.constant 112 : index
        %get3A_173 = tpu.vector_load %arg13[%get3A_171, %get3A_172] {strides = array<i32>} : memref<128x128xf32, #tpu.memory_space<vmem>>, vector<1x16xf32>,
        %get3A_174 = vector.shape_cast %get3A_173 : vector<1x16xf32> to vector<16xf32>
        %mul3A_175 = arith.mulf %get3A_174, %broadcast_in_dim3A_170 : vector<16xf32>
        %swap3A_176 = arith.index_cast %scan3A_75 : i32 to index
        %swap3A_177 = arith.constant 112 : index
        %swap3A_178 = tpu.vector_load %arg13[%swap3A_176, %swap3A_177] {strides = array<i32>} : memref<128x128xf32, #tpu.memory_space<vmem>>, vector<1x16xf32>,
        %swap3A_179 = vector.shape_cast %swap3A_178 : vector<1x16xf32> to vector<16xf32>
        %swap3A_180 = vector.shape_cast %mul3A_175 : vector<16xf32> to vector<1x16xf32>
        tpu.vector_store %arg13[%swap3A_176, %swap3A_177], %swap3A_180 {strides = array<i32>} : memref<128x128xf32, #tpu.memory_space<vmem>>, vector<1x16xf32>,
        %scan3A_181 = arith.constant 0 : i32
        scf.yield %scan3A_181 : i32
      }
      %scan3A_73 = arith.constant 128 : i32
      "tpu.region"() ({
        %run_scoped3A = tpu.sem_alloc : memref<!tpu.dma_semaphore, #tpu.memory_space<semaphore_mem>>
        %dma_start3A_75 = arith.constant 0 : i32
        %dma_start3A_76 = tpu.memref_slice %arg9[%scan3A_44, %dma_start3A_75] : memref<79x128xi32, #tpu.memory_space<vmem>> -> memref<1x128xi32, #tpu.memory_space<vmem>>
        %dma_start3A_77 = tpu.memref_squeeze %dma_start3A_76 : memref<1x128xi32, #tpu.memory_space<vmem>> -> memref<128xi32, #tpu.memory_space<vmem>>
        %dma_start3A_78 = arith.constant 0 : i32
        %dma_start3A_79 = arith.constant 0 : i32
        %dma_start3A_80 = tpu.memref_slice %arg14[%dma_start3A_78, %dma_start3A_79] : memref<10240x128xf32, #tpu.memory_space<vmem_shared>> -> memref<10240x128xf32, #tpu.memory_space<vmem_shared>>
        tpu.enqueue_indirect_dma source(%arg13 : memref<128x128xf32, #tpu.memory_space<vmem>>) target(%dma_start3A_80 : memref<10240x128xf32, #tpu.memory_space<vmem_shared>>) offsets(%dma_start3A_77 : memref<128xi32, #tpu.memory_space<vmem>>) semaphore(%run_scoped3A : memref<!tpu.dma_semaphore, #tpu.memory_space<semaphore_mem>>) {add = true}
        %dma_wait3A_81 = arith.constant 0 : i32
        %dma_wait3A_82 = tpu.memref_slice %arg9[%scan3A_44, %dma_wait3A_81] : memref<79x128xi32, #tpu.memory_space<vmem>> -> memref<1x128xi32, #tpu.memory_space<vmem>>
        %dma_wait3A_83 = tpu.memref_squeeze %dma_wait3A_82 : memref<1x128xi32, #tpu.memory_space<vmem>> -> memref<128xi32, #tpu.memory_space<vmem>>
        %dma_wait3A_84 = arith.constant 0 : i32
        %dma_wait3A_85 = arith.constant 0 : i32
        %dma_wait3A_86 = tpu.memref_slice %arg14[%dma_wait3A_84, %dma_wait3A_85] : memref<10240x128xf32, #tpu.memory_space<vmem_shared>> -> memref<10240x128xf32, #tpu.memory_space<vmem_shared>>
        tpu.wait_indirect_dma semaphore(%run_scoped3A : memref<!tpu.dma_semaphore, #tpu.memory_space<semaphore_mem>>) src(%arg13 : memref<128x128xf32, #tpu.memory_space<vmem>>) dst(%dma_wait3A_86 : memref<10240x128xf32, #tpu.memory_space<vmem_shared>>)
        tpu.yield
      }) : () -> ()
      %scan3A_74 = arith.constant 0 : i32
      scf.yield %scan3A_74 : i32
    }
    %scan3A_40 = arith.constant 79 : i32
    %barrier3A_41 = arith.constant 0 : index
    tpu.barrier barrier_id(%barrier3A_41)
    %mul3A_42 = arith.constant 640 : i32
    %mul3A_43 = arith.muli %arg1, %mul3A_42 : i32
    "tpu.region"() ({
      %run_scoped3A = tpu.sem_alloc : memref<!tpu.dma_semaphore, #tpu.memory_space<semaphore_mem>>
      %dma_start3A = arith.constant 0 : i32
      %dma_start3A_44 = tpu.memref_slice %arg7[%arg0, %mul3A_43, %dma_start3A] : memref<2x10240x128xf32, #tpu.memory_space<hbm>> -> memref<1x640x128xf32, #tpu.memory_space<hbm>>
      %dma_start3A_45 = tpu.memref_squeeze %dma_start3A_44 : memref<1x640x128xf32, #tpu.memory_space<hbm>> -> memref<640x128xf32, #tpu.memory_space<hbm>>
      %dma_start3A_46 = arith.constant 0 : i32
      %dma_start3A_47 = tpu.memref_slice %arg14[%mul3A_43, %dma_start3A_46] : memref<10240x128xf32, #tpu.memory_space<vmem_shared>> -> memref<640x128xf32, #tpu.memory_space<vmem_shared>>
      tpu.enqueue_dma source(%dma_start3A_47 : memref<640x128xf32, #tpu.memory_space<vmem_shared>>) target(%dma_start3A_45 : memref<640x128xf32, #tpu.memory_space<hbm>>) target_semaphore(%run_scoped3A : memref<!tpu.dma_semaphore, #tpu.memory_space<semaphore_mem>>)
      %dma_wait3A = arith.constant 0 : i32
      %dma_wait3A_48 = tpu.memref_slice %arg7[%arg0, %mul3A_43, %dma_wait3A] : memref<2x10240x128xf32, #tpu.memory_space<hbm>> -> memref<1x640x128xf32, #tpu.memory_space<hbm>>
      %dma_wait3A_49 = tpu.memref_squeeze %dma_wait3A_48 : memref<1x640x128xf32, #tpu.memory_space<hbm>> -> memref<640x128xf32, #tpu.memory_space<hbm>>
      %dma_wait3A_50 = arith.constant 0 : i32
      %dma_wait3A_51 = tpu.memref_slice %arg14[%mul3A_43, %dma_wait3A_50] : memref<10240x128xf32, #tpu.memory_space<vmem_shared>> -> memref<640x128xf32, #tpu.memory_space<vmem_shared>>
      tpu.wait_dma2 semaphore(%run_scoped3A : memref<!tpu.dma_semaphore, #tpu.memory_space<semaphore_mem>>) src(%dma_wait3A_51 : memref<640x128xf32, #tpu.memory_space<vmem_shared>>) dst(%dma_wait3A_49 : memref<640x128xf32, #tpu.memory_space<hbm>>)
      tpu.yield
    }) : () -> ()
    return
  }
}

#map = affine_map<(d0, d1) -> (0, 0)>
#map1 = affine_map<(d0, d1) -> (0, 0, 0)>
module attributes {stable_mosaic.version = 14 : i64} {
  func.func @_kprop_body(%arg0: i32, %arg1: i32, %arg2: memref<2528x128xi32, #tpu.memory_space<hbm>>, %arg3: memref<2528x128xi32, #tpu.memory_space<hbm>>, %arg4: memref<323584x16xf32, #tpu.memory_space<hbm>>, %arg5: memref<10240x16xf32, #tpu.memory_space<hbm>>, %arg6: memref<10240x128xf32, #tpu.memory_space<hbm>>, %arg7: memref<2x10240x128xf32, #tpu.memory_space<hbm>>, %arg8: memref<79x128xi32, #tpu.memory_space<vmem>>, %arg9: memref<79x128xi32, #tpu.memory_space<vmem>>, %arg10: memref<128x16xf32, #tpu.memory_space<vmem>>, %arg11: memref<128x16xf32, #tpu.memory_space<vmem>>, %arg12: memref<128x16xf32, #tpu.memory_space<vmem>>, %arg13: memref<128x128xf32, #tpu.memory_space<vmem>>, %arg14: memref<10240x128xf32, #tpu.memory_space<vmem_shared>>, %arg15: memref<!tpu.dma_semaphore, #tpu.memory_space<semaphore_mem>>, %arg16: memref<!tpu.dma_semaphore, #tpu.memory_space<semaphore_mem>>) attributes {dimension_semantics = [#tpu.dimension_semantics<core_parallel>, #tpu.dimension_semantics<subcore_parallel>], iteration_bounds = array<i64: 2, 16>, scalar_prefetch = 0 : i64, scratch_operands = 9 : i64, tpu.core_type = #tpu.core_type<sc_vector_subcore>, window_params = [{transform_indices = #map}, {transform_indices = #map}, {transform_indices = #map}, {transform_indices = #map}, {transform_indices = #map}, {transform_indices = #map1}]} {
    %mul3A = arith.constant 16 : i32
    %mul3A_0 = arith.muli %arg0, %mul3A : i32
    %add3A = arith.addi %mul3A_0, %arg1 : i32
    %broadcast_in_dim3A = arith.constant 0.000000e+00 : f32
    %broadcast_in_dim3A_1 = vector.broadcast %broadcast_in_dim3A : f32 to vector<16xf32>
    %scan3A = arith.constant 0 : i32
    %scan3A_2 = arith.constant 0 : i32
    %scan3A_3 = arith.constant 128 : i32
    %scan3A_4 = arith.addi %scan3A_2, %scan3A_3 : i32
    %scan3A_5 = arith.constant 1 : i32
    %scan3A_6 = scf.for %scan3A_44 = %scan3A_2 to %scan3A_4 step %scan3A_5 iter_args(%scan3A_45 = %scan3A) -> (i32)  : i32 {
      %swap3A = arith.index_cast %scan3A_44 : i32 to index
      %swap3A_46 = arith.constant 0 : index
      %swap3A_47 = tpu.vector_load %arg13[%swap3A, %swap3A_46] {strides = array<i32>} : memref<128x128xf32, #tpu.memory_space<vmem>>, vector<1x16xf32>,
      %swap3A_48 = vector.shape_cast %swap3A_47 : vector<1x16xf32> to vector<16xf32>
      %swap3A_49 = vector.shape_cast %broadcast_in_dim3A_1 : vector<16xf32> to vector<1x16xf32>
      tpu.vector_store %arg13[%swap3A, %swap3A_46], %swap3A_49 {strides = array<i32>} : memref<128x128xf32, #tpu.memory_space<vmem>>, vector<1x16xf32>,
      %swap3A_50 = arith.index_cast %scan3A_44 : i32 to index
      %swap3A_51 = arith.constant 16 : index
      %swap3A_52 = tpu.vector_load %arg13[%swap3A_50, %swap3A_51] {strides = array<i32>} : memref<128x128xf32, #tpu.memory_space<vmem>>, vector<1x16xf32>,
      %swap3A_53 = vector.shape_cast %swap3A_52 : vector<1x16xf32> to vector<16xf32>
      %swap3A_54 = vector.shape_cast %broadcast_in_dim3A_1 : vector<16xf32> to vector<1x16xf32>
      tpu.vector_store %arg13[%swap3A_50, %swap3A_51], %swap3A_54 {strides = array<i32>} : memref<128x128xf32, #tpu.memory_space<vmem>>, vector<1x16xf32>,
      %swap3A_55 = arith.index_cast %scan3A_44 : i32 to index
      %swap3A_56 = arith.constant 32 : index
      %swap3A_57 = tpu.vector_load %arg13[%swap3A_55, %swap3A_56] {strides = array<i32>} : memref<128x128xf32, #tpu.memory_space<vmem>>, vector<1x16xf32>,
      %swap3A_58 = vector.shape_cast %swap3A_57 : vector<1x16xf32> to vector<16xf32>
      %swap3A_59 = vector.shape_cast %broadcast_in_dim3A_1 : vector<16xf32> to vector<1x16xf32>
      tpu.vector_store %arg13[%swap3A_55, %swap3A_56], %swap3A_59 {strides = array<i32>} : memref<128x128xf32, #tpu.memory_space<vmem>>, vector<1x16xf32>,
      %swap3A_60 = arith.index_cast %scan3A_44 : i32 to index
      %swap3A_61 = arith.constant 48 : index
      %swap3A_62 = tpu.vector_load %arg13[%swap3A_60, %swap3A_61] {strides = array<i32>} : memref<128x128xf32, #tpu.memory_space<vmem>>, vector<1x16xf32>,
      %swap3A_63 = vector.shape_cast %swap3A_62 : vector<1x16xf32> to vector<16xf32>
      %swap3A_64 = vector.shape_cast %broadcast_in_dim3A_1 : vector<16xf32> to vector<1x16xf32>
      tpu.vector_store %arg13[%swap3A_60, %swap3A_61], %swap3A_64 {strides = array<i32>} : memref<128x128xf32, #tpu.memory_space<vmem>>, vector<1x16xf32>,
      %swap3A_65 = arith.index_cast %scan3A_44 : i32 to index
      %swap3A_66 = arith.constant 64 : index
      %swap3A_67 = tpu.vector_load %arg13[%swap3A_65, %swap3A_66] {strides = array<i32>} : memref<128x128xf32, #tpu.memory_space<vmem>>, vector<1x16xf32>,
      %swap3A_68 = vector.shape_cast %swap3A_67 : vector<1x16xf32> to vector<16xf32>
      %swap3A_69 = vector.shape_cast %broadcast_in_dim3A_1 : vector<16xf32> to vector<1x16xf32>
      tpu.vector_store %arg13[%swap3A_65, %swap3A_66], %swap3A_69 {strides = array<i32>} : memref<128x128xf32, #tpu.memory_space<vmem>>, vector<1x16xf32>,
      %swap3A_70 = arith.index_cast %scan3A_44 : i32 to index
      %swap3A_71 = arith.constant 80 : index
      %swap3A_72 = tpu.vector_load %arg13[%swap3A_70, %swap3A_71] {strides = array<i32>} : memref<128x128xf32, #tpu.memory_space<vmem>>, vector<1x16xf32>,
      %swap3A_73 = vector.shape_cast %swap3A_72 : vector<1x16xf32> to vector<16xf32>
      %swap3A_74 = vector.shape_cast %broadcast_in_dim3A_1 : vector<16xf32> to vector<1x16xf32>
      tpu.vector_store %arg13[%swap3A_70, %swap3A_71], %swap3A_74 {strides = array<i32>} : memref<128x128xf32, #tpu.memory_space<vmem>>, vector<1x16xf32>,
      %swap3A_75 = arith.index_cast %scan3A_44 : i32 to index
      %swap3A_76 = arith.constant 96 : index
      %swap3A_77 = tpu.vector_load %arg13[%swap3A_75, %swap3A_76] {strides = array<i32>} : memref<128x128xf32, #tpu.memory_space<vmem>>, vector<1x16xf32>,
      %swap3A_78 = vector.shape_cast %swap3A_77 : vector<1x16xf32> to vector<16xf32>
      %swap3A_79 = vector.shape_cast %broadcast_in_dim3A_1 : vector<16xf32> to vector<1x16xf32>
      tpu.vector_store %arg13[%swap3A_75, %swap3A_76], %swap3A_79 {strides = array<i32>} : memref<128x128xf32, #tpu.memory_space<vmem>>, vector<1x16xf32>,
      %swap3A_80 = arith.index_cast %scan3A_44 : i32 to index
      %swap3A_81 = arith.constant 112 : index
      %swap3A_82 = tpu.vector_load %arg13[%swap3A_80, %swap3A_81] {strides = array<i32>} : memref<128x128xf32, #tpu.memory_space<vmem>>, vector<1x16xf32>,
      %swap3A_83 = vector.shape_cast %swap3A_82 : vector<1x16xf32> to vector<16xf32>
      %swap3A_84 = vector.shape_cast %broadcast_in_dim3A_1 : vector<16xf32> to vector<1x16xf32>
      tpu.vector_store %arg13[%swap3A_80, %swap3A_81], %swap3A_84 {strides = array<i32>} : memref<128x128xf32, #tpu.memory_space<vmem>>, vector<1x16xf32>,
      %scan3A_85 = arith.constant 0 : i32
      scf.yield %scan3A_85 : i32
    }
    %scan3A_7 = arith.constant 128 : i32
    %mul3A_8 = arith.constant 640 : i32
    %mul3A_9 = arith.muli %arg1, %mul3A_8 : i32
    %add3A_10 = arith.constant 0 : i32
    %add3A_11 = arith.addi %mul3A_9, %add3A_10 : i32
    "tpu.region"() ({
      %run_scoped3A = tpu.sem_alloc : memref<!tpu.dma_semaphore, #tpu.memory_space<semaphore_mem>>
      %dma_start3A = arith.constant 0 : i32
      %dma_start3A_44 = arith.constant 0 : i32
      %dma_start3A_45 = tpu.memref_slice %arg13[%dma_start3A, %dma_start3A_44] : memref<128x128xf32, #tpu.memory_space<vmem>> -> memref<128x128xf32, #tpu.memory_space<vmem>>
      %dma_start3A_46 = arith.constant 0 : i32
      %dma_start3A_47 = tpu.memref_slice %arg14[%add3A_11, %dma_start3A_46] : memref<10240x128xf32, #tpu.memory_space<vmem_shared>> -> memref<128x128xf32, #tpu.memory_space<vmem_shared>>
      %dma_start3A_48 = arith.constant 0 : i32
      %dma_start3A_49 = tpu.memref_slice %arg14[%add3A_11, %dma_start3A_48] : memref<10240x128xf32, #tpu.memory_space<vmem_shared>> -> memref<128x128xf32, #tpu.memory_space<vmem_shared>>
      %dma_start3A_50 = arith.constant 0 : i32
      %dma_start3A_51 = arith.constant 0 : i32
      %dma_start3A_52 = tpu.memref_slice %arg13[%dma_start3A_50, %dma_start3A_51] : memref<128x128xf32, #tpu.memory_space<vmem>> -> memref<128x128xf32, #tpu.memory_space<vmem>>
      tpu.enqueue_dma source(%dma_start3A_52 : memref<128x128xf32, #tpu.memory_space<vmem>>) target(%dma_start3A_49 : memref<128x128xf32, #tpu.memory_space<vmem_shared>>) target_semaphore(%run_scoped3A : memref<!tpu.dma_semaphore, #tpu.memory_space<semaphore_mem>>)
      %dma_wait3A = arith.constant 0 : i32
      %dma_wait3A_53 = arith.constant 0 : i32
      %dma_wait3A_54 = tpu.memref_slice %arg13[%dma_wait3A, %dma_wait3A_53] : memref<128x128xf32, #tpu.memory_space<vmem>> -> memref<128x128xf32, #tpu.memory_space<vmem>>
      %dma_wait3A_55 = arith.constant 0 : i32
      %dma_wait3A_56 = tpu.memref_slice %arg14[%add3A_11, %dma_wait3A_55] : memref<10240x128xf32, #tpu.memory_space<vmem_shared>> -> memref<128x128xf32, #tpu.memory_space<vmem_shared>>
      %dma_wait3A_57 = arith.constant 0 : i32
      %dma_wait3A_58 = tpu.memref_slice %arg14[%add3A_11, %dma_wait3A_57] : memref<10240x128xf32, #tpu.memory_space<vmem_shared>> -> memref<128x128xf32, #tpu.memory_space<vmem_shared>>
      %dma_wait3A_59 = arith.constant 0 : i32
      %dma_wait3A_60 = arith.constant 0 : i32
      %dma_wait3A_61 = tpu.memref_slice %arg13[%dma_wait3A_59, %dma_wait3A_60] : memref<128x128xf32, #tpu.memory_space<vmem>> -> memref<128x128xf32, #tpu.memory_space<vmem>>
      tpu.wait_dma2 semaphore(%run_scoped3A : memref<!tpu.dma_semaphore, #tpu.memory_space<semaphore_mem>>) src(%dma_wait3A_61 : memref<128x128xf32, #tpu.memory_space<vmem>>) dst(%dma_wait3A_58 : memref<128x128xf32, #tpu.memory_space<vmem_shared>>)
      tpu.yield
    }) : () -> ()
    %mul3A_12 = arith.constant 640 : i32
    %mul3A_13 = arith.muli %arg1, %mul3A_12 : i32
    %add3A_14 = arith.constant 128 : i32
    %add3A_15 = arith.addi %mul3A_13, %add3A_14 : i32
    "tpu.region"() ({
      %run_scoped3A = tpu.sem_alloc : memref<!tpu.dma_semaphore, #tpu.memory_space<semaphore_mem>>
      %dma_start3A = arith.constant 0 : i32
      %dma_start3A_44 = arith.constant 0 : i32
      %dma_start3A_45 = tpu.memref_slice %arg13[%dma_start3A, %dma_start3A_44] : memref<128x128xf32, #tpu.memory_space<vmem>> -> memref<128x128xf32, #tpu.memory_space<vmem>>
      %dma_start3A_46 = arith.constant 0 : i32
      %dma_start3A_47 = tpu.memref_slice %arg14[%add3A_15, %dma_start3A_46] : memref<10240x128xf32, #tpu.memory_space<vmem_shared>> -> memref<128x128xf32, #tpu.memory_space<vmem_shared>>
      %dma_start3A_48 = arith.constant 0 : i32
      %dma_start3A_49 = tpu.memref_slice %arg14[%add3A_15, %dma_start3A_48] : memref<10240x128xf32, #tpu.memory_space<vmem_shared>> -> memref<128x128xf32, #tpu.memory_space<vmem_shared>>
      %dma_start3A_50 = arith.constant 0 : i32
      %dma_start3A_51 = arith.constant 0 : i32
      %dma_start3A_52 = tpu.memref_slice %arg13[%dma_start3A_50, %dma_start3A_51] : memref<128x128xf32, #tpu.memory_space<vmem>> -> memref<128x128xf32, #tpu.memory_space<vmem>>
      tpu.enqueue_dma source(%dma_start3A_52 : memref<128x128xf32, #tpu.memory_space<vmem>>) target(%dma_start3A_49 : memref<128x128xf32, #tpu.memory_space<vmem_shared>>) target_semaphore(%run_scoped3A : memref<!tpu.dma_semaphore, #tpu.memory_space<semaphore_mem>>)
      %dma_wait3A = arith.constant 0 : i32
      %dma_wait3A_53 = arith.constant 0 : i32
      %dma_wait3A_54 = tpu.memref_slice %arg13[%dma_wait3A, %dma_wait3A_53] : memref<128x128xf32, #tpu.memory_space<vmem>> -> memref<128x128xf32, #tpu.memory_space<vmem>>
      %dma_wait3A_55 = arith.constant 0 : i32
      %dma_wait3A_56 = tpu.memref_slice %arg14[%add3A_15, %dma_wait3A_55] : memref<10240x128xf32, #tpu.memory_space<vmem_shared>> -> memref<128x128xf32, #tpu.memory_space<vmem_shared>>
      %dma_wait3A_57 = arith.constant 0 : i32
      %dma_wait3A_58 = tpu.memref_slice %arg14[%add3A_15, %dma_wait3A_57] : memref<10240x128xf32, #tpu.memory_space<vmem_shared>> -> memref<128x128xf32, #tpu.memory_space<vmem_shared>>
      %dma_wait3A_59 = arith.constant 0 : i32
      %dma_wait3A_60 = arith.constant 0 : i32
      %dma_wait3A_61 = tpu.memref_slice %arg13[%dma_wait3A_59, %dma_wait3A_60] : memref<128x128xf32, #tpu.memory_space<vmem>> -> memref<128x128xf32, #tpu.memory_space<vmem>>
      tpu.wait_dma2 semaphore(%run_scoped3A : memref<!tpu.dma_semaphore, #tpu.memory_space<semaphore_mem>>) src(%dma_wait3A_61 : memref<128x128xf32, #tpu.memory_space<vmem>>) dst(%dma_wait3A_58 : memref<128x128xf32, #tpu.memory_space<vmem_shared>>)
      tpu.yield
    }) : () -> ()
    %mul3A_16 = arith.constant 640 : i32
    %mul3A_17 = arith.muli %arg1, %mul3A_16 : i32
    %add3A_18 = arith.constant 256 : i32
    %add3A_19 = arith.addi %mul3A_17, %add3A_18 : i32
    "tpu.region"() ({
      %run_scoped3A = tpu.sem_alloc : memref<!tpu.dma_semaphore, #tpu.memory_space<semaphore_mem>>
      %dma_start3A = arith.constant 0 : i32
      %dma_start3A_44 = arith.constant 0 : i32
      %dma_start3A_45 = tpu.memref_slice %arg13[%dma_start3A, %dma_start3A_44] : memref<128x128xf32, #tpu.memory_space<vmem>> -> memref<128x128xf32, #tpu.memory_space<vmem>>
      %dma_start3A_46 = arith.constant 0 : i32
      %dma_start3A_47 = tpu.memref_slice %arg14[%add3A_19, %dma_start3A_46] : memref<10240x128xf32, #tpu.memory_space<vmem_shared>> -> memref<128x128xf32, #tpu.memory_space<vmem_shared>>
      %dma_start3A_48 = arith.constant 0 : i32
      %dma_start3A_49 = tpu.memref_slice %arg14[%add3A_19, %dma_start3A_48] : memref<10240x128xf32, #tpu.memory_space<vmem_shared>> -> memref<128x128xf32, #tpu.memory_space<vmem_shared>>
      %dma_start3A_50 = arith.constant 0 : i32
      %dma_start3A_51 = arith.constant 0 : i32
      %dma_start3A_52 = tpu.memref_slice %arg13[%dma_start3A_50, %dma_start3A_51] : memref<128x128xf32, #tpu.memory_space<vmem>> -> memref<128x128xf32, #tpu.memory_space<vmem>>
      tpu.enqueue_dma source(%dma_start3A_52 : memref<128x128xf32, #tpu.memory_space<vmem>>) target(%dma_start3A_49 : memref<128x128xf32, #tpu.memory_space<vmem_shared>>) target_semaphore(%run_scoped3A : memref<!tpu.dma_semaphore, #tpu.memory_space<semaphore_mem>>)
      %dma_wait3A = arith.constant 0 : i32
      %dma_wait3A_53 = arith.constant 0 : i32
      %dma_wait3A_54 = tpu.memref_slice %arg13[%dma_wait3A, %dma_wait3A_53] : memref<128x128xf32, #tpu.memory_space<vmem>> -> memref<128x128xf32, #tpu.memory_space<vmem>>
      %dma_wait3A_55 = arith.constant 0 : i32
      %dma_wait3A_56 = tpu.memref_slice %arg14[%add3A_19, %dma_wait3A_55] : memref<10240x128xf32, #tpu.memory_space<vmem_shared>> -> memref<128x128xf32, #tpu.memory_space<vmem_shared>>
      %dma_wait3A_57 = arith.constant 0 : i32
      %dma_wait3A_58 = tpu.memref_slice %arg14[%add3A_19, %dma_wait3A_57] : memref<10240x128xf32, #tpu.memory_space<vmem_shared>> -> memref<128x128xf32, #tpu.memory_space<vmem_shared>>
      %dma_wait3A_59 = arith.constant 0 : i32
      %dma_wait3A_60 = arith.constant 0 : i32
      %dma_wait3A_61 = tpu.memref_slice %arg13[%dma_wait3A_59, %dma_wait3A_60] : memref<128x128xf32, #tpu.memory_space<vmem>> -> memref<128x128xf32, #tpu.memory_space<vmem>>
      tpu.wait_dma2 semaphore(%run_scoped3A : memref<!tpu.dma_semaphore, #tpu.memory_space<semaphore_mem>>) src(%dma_wait3A_61 : memref<128x128xf32, #tpu.memory_space<vmem>>) dst(%dma_wait3A_58 : memref<128x128xf32, #tpu.memory_space<vmem_shared>>)
      tpu.yield
    }) : () -> ()
    %mul3A_20 = arith.constant 640 : i32
    %mul3A_21 = arith.muli %arg1, %mul3A_20 : i32
    %add3A_22 = arith.constant 384 : i32
    %add3A_23 = arith.addi %mul3A_21, %add3A_22 : i32
    "tpu.region"() ({
      %run_scoped3A = tpu.sem_alloc : memref<!tpu.dma_semaphore, #tpu.memory_space<semaphore_mem>>
      %dma_start3A = arith.constant 0 : i32
      %dma_start3A_44 = arith.constant 0 : i32
      %dma_start3A_45 = tpu.memref_slice %arg13[%dma_start3A, %dma_start3A_44] : memref<128x128xf32, #tpu.memory_space<vmem>> -> memref<128x128xf32, #tpu.memory_space<vmem>>
      %dma_start3A_46 = arith.constant 0 : i32
      %dma_start3A_47 = tpu.memref_slice %arg14[%add3A_23, %dma_start3A_46] : memref<10240x128xf32, #tpu.memory_space<vmem_shared>> -> memref<128x128xf32, #tpu.memory_space<vmem_shared>>
      %dma_start3A_48 = arith.constant 0 : i32
      %dma_start3A_49 = tpu.memref_slice %arg14[%add3A_23, %dma_start3A_48] : memref<10240x128xf32, #tpu.memory_space<vmem_shared>> -> memref<128x128xf32, #tpu.memory_space<vmem_shared>>
      %dma_start3A_50 = arith.constant 0 : i32
      %dma_start3A_51 = arith.constant 0 : i32
      %dma_start3A_52 = tpu.memref_slice %arg13[%dma_start3A_50, %dma_start3A_51] : memref<128x128xf32, #tpu.memory_space<vmem>> -> memref<128x128xf32, #tpu.memory_space<vmem>>
      tpu.enqueue_dma source(%dma_start3A_52 : memref<128x128xf32, #tpu.memory_space<vmem>>) target(%dma_start3A_49 : memref<128x128xf32, #tpu.memory_space<vmem_shared>>) target_semaphore(%run_scoped3A : memref<!tpu.dma_semaphore, #tpu.memory_space<semaphore_mem>>)
      %dma_wait3A = arith.constant 0 : i32
      %dma_wait3A_53 = arith.constant 0 : i32
      %dma_wait3A_54 = tpu.memref_slice %arg13[%dma_wait3A, %dma_wait3A_53] : memref<128x128xf32, #tpu.memory_space<vmem>> -> memref<128x128xf32, #tpu.memory_space<vmem>>
      %dma_wait3A_55 = arith.constant 0 : i32
      %dma_wait3A_56 = tpu.memref_slice %arg14[%add3A_23, %dma_wait3A_55] : memref<10240x128xf32, #tpu.memory_space<vmem_shared>> -> memref<128x128xf32, #tpu.memory_space<vmem_shared>>
      %dma_wait3A_57 = arith.constant 0 : i32
      %dma_wait3A_58 = tpu.memref_slice %arg14[%add3A_23, %dma_wait3A_57] : memref<10240x128xf32, #tpu.memory_space<vmem_shared>> -> memref<128x128xf32, #tpu.memory_space<vmem_shared>>
      %dma_wait3A_59 = arith.constant 0 : i32
      %dma_wait3A_60 = arith.constant 0 : i32
      %dma_wait3A_61 = tpu.memref_slice %arg13[%dma_wait3A_59, %dma_wait3A_60] : memref<128x128xf32, #tpu.memory_space<vmem>> -> memref<128x128xf32, #tpu.memory_space<vmem>>
      tpu.wait_dma2 semaphore(%run_scoped3A : memref<!tpu.dma_semaphore, #tpu.memory_space<semaphore_mem>>) src(%dma_wait3A_61 : memref<128x128xf32, #tpu.memory_space<vmem>>) dst(%dma_wait3A_58 : memref<128x128xf32, #tpu.memory_space<vmem_shared>>)
      tpu.yield
    }) : () -> ()
    %mul3A_24 = arith.constant 640 : i32
    %mul3A_25 = arith.muli %arg1, %mul3A_24 : i32
    %add3A_26 = arith.constant 512 : i32
    %add3A_27 = arith.addi %mul3A_25, %add3A_26 : i32
    "tpu.region"() ({
      %run_scoped3A = tpu.sem_alloc : memref<!tpu.dma_semaphore, #tpu.memory_space<semaphore_mem>>
      %dma_start3A = arith.constant 0 : i32
      %dma_start3A_44 = arith.constant 0 : i32
      %dma_start3A_45 = tpu.memref_slice %arg13[%dma_start3A, %dma_start3A_44] : memref<128x128xf32, #tpu.memory_space<vmem>> -> memref<128x128xf32, #tpu.memory_space<vmem>>
      %dma_start3A_46 = arith.constant 0 : i32
      %dma_start3A_47 = tpu.memref_slice %arg14[%add3A_27, %dma_start3A_46] : memref<10240x128xf32, #tpu.memory_space<vmem_shared>> -> memref<128x128xf32, #tpu.memory_space<vmem_shared>>
      %dma_start3A_48 = arith.constant 0 : i32
      %dma_start3A_49 = tpu.memref_slice %arg14[%add3A_27, %dma_start3A_48] : memref<10240x128xf32, #tpu.memory_space<vmem_shared>> -> memref<128x128xf32, #tpu.memory_space<vmem_shared>>
      %dma_start3A_50 = arith.constant 0 : i32
      %dma_start3A_51 = arith.constant 0 : i32
      %dma_start3A_52 = tpu.memref_slice %arg13[%dma_start3A_50, %dma_start3A_51] : memref<128x128xf32, #tpu.memory_space<vmem>> -> memref<128x128xf32, #tpu.memory_space<vmem>>
      tpu.enqueue_dma source(%dma_start3A_52 : memref<128x128xf32, #tpu.memory_space<vmem>>) target(%dma_start3A_49 : memref<128x128xf32, #tpu.memory_space<vmem_shared>>) target_semaphore(%run_scoped3A : memref<!tpu.dma_semaphore, #tpu.memory_space<semaphore_mem>>)
      %dma_wait3A = arith.constant 0 : i32
      %dma_wait3A_53 = arith.constant 0 : i32
      %dma_wait3A_54 = tpu.memref_slice %arg13[%dma_wait3A, %dma_wait3A_53] : memref<128x128xf32, #tpu.memory_space<vmem>> -> memref<128x128xf32, #tpu.memory_space<vmem>>
      %dma_wait3A_55 = arith.constant 0 : i32
      %dma_wait3A_56 = tpu.memref_slice %arg14[%add3A_27, %dma_wait3A_55] : memref<10240x128xf32, #tpu.memory_space<vmem_shared>> -> memref<128x128xf32, #tpu.memory_space<vmem_shared>>
      %dma_wait3A_57 = arith.constant 0 : i32
      %dma_wait3A_58 = tpu.memref_slice %arg14[%add3A_27, %dma_wait3A_57] : memref<10240x128xf32, #tpu.memory_space<vmem_shared>> -> memref<128x128xf32, #tpu.memory_space<vmem_shared>>
      %dma_wait3A_59 = arith.constant 0 : i32
      %dma_wait3A_60 = arith.constant 0 : i32
      %dma_wait3A_61 = tpu.memref_slice %arg13[%dma_wait3A_59, %dma_wait3A_60] : memref<128x128xf32, #tpu.memory_space<vmem>> -> memref<128x128xf32, #tpu.memory_space<vmem>>
      tpu.wait_dma2 semaphore(%run_scoped3A : memref<!tpu.dma_semaphore, #tpu.memory_space<semaphore_mem>>) src(%dma_wait3A_61 : memref<128x128xf32, #tpu.memory_space<vmem>>) dst(%dma_wait3A_58 : memref<128x128xf32, #tpu.memory_space<vmem_shared>>)
      tpu.yield
    }) : () -> ()
    %barrier3A = arith.constant 0 : index
    tpu.barrier barrier_id(%barrier3A)
    %mul3A_28 = arith.constant 79 : i32
    %mul3A_29 = arith.muli %add3A, %mul3A_28 : i32
    "tpu.region"() ({
      %run_scoped3A = tpu.sem_alloc : memref<!tpu.dma_semaphore, #tpu.memory_space<semaphore_mem>>
      %dma_start3A = arith.constant 0 : i32
      %dma_start3A_44 = tpu.memref_slice %arg2[%mul3A_29, %dma_start3A] : memref<2528x128xi32, #tpu.memory_space<hbm>> -> memref<79x128xi32, #tpu.memory_space<hbm>>
      %dma_start3A_45 = arith.constant 0 : i32
      %dma_start3A_46 = tpu.memref_slice %arg2[%mul3A_29, %dma_start3A_45] : memref<2528x128xi32, #tpu.memory_space<hbm>> -> memref<79x128xi32, #tpu.memory_space<hbm>>
      tpu.enqueue_dma source(%dma_start3A_46 : memref<79x128xi32, #tpu.memory_space<hbm>>) target(%arg8 : memref<79x128xi32, #tpu.memory_space<vmem>>) target_semaphore(%run_scoped3A : memref<!tpu.dma_semaphore, #tpu.memory_space<semaphore_mem>>)
      %dma_wait3A = arith.constant 0 : i32
      %dma_wait3A_47 = tpu.memref_slice %arg2[%mul3A_29, %dma_wait3A] : memref<2528x128xi32, #tpu.memory_space<hbm>> -> memref<79x128xi32, #tpu.memory_space<hbm>>
      %dma_wait3A_48 = arith.constant 0 : i32
      %dma_wait3A_49 = tpu.memref_slice %arg2[%mul3A_29, %dma_wait3A_48] : memref<2528x128xi32, #tpu.memory_space<hbm>> -> memref<79x128xi32, #tpu.memory_space<hbm>>
      tpu.wait_dma2 semaphore(%run_scoped3A : memref<!tpu.dma_semaphore, #tpu.memory_space<semaphore_mem>>) src(%dma_wait3A_49 : memref<79x128xi32, #tpu.memory_space<hbm>>) dst(%arg8 : memref<79x128xi32, #tpu.memory_space<vmem>>)
      tpu.yield
    }) : () -> ()
    %mul3A_30 = arith.constant 79 : i32
    %mul3A_31 = arith.muli %add3A, %mul3A_30 : i32
    "tpu.region"() ({
      %run_scoped3A = tpu.sem_alloc : memref<!tpu.dma_semaphore, #tpu.memory_space<semaphore_mem>>
      %dma_start3A = arith.constant 0 : i32
      %dma_start3A_44 = tpu.memref_slice %arg3[%mul3A_31, %dma_start3A] : memref<2528x128xi32, #tpu.memory_space<hbm>> -> memref<79x128xi32, #tpu.memory_space<hbm>>
      %dma_start3A_45 = arith.constant 0 : i32
      %dma_start3A_46 = tpu.memref_slice %arg3[%mul3A_31, %dma_start3A_45] : memref<2528x128xi32, #tpu.memory_space<hbm>> -> memref<79x128xi32, #tpu.memory_space<hbm>>
      tpu.enqueue_dma source(%dma_start3A_46 : memref<79x128xi32, #tpu.memory_space<hbm>>) target(%arg9 : memref<79x128xi32, #tpu.memory_space<vmem>>) target_semaphore(%run_scoped3A : memref<!tpu.dma_semaphore, #tpu.memory_space<semaphore_mem>>)
      %dma_wait3A = arith.constant 0 : i32
      %dma_wait3A_47 = tpu.memref_slice %arg3[%mul3A_31, %dma_wait3A] : memref<2528x128xi32, #tpu.memory_space<hbm>> -> memref<79x128xi32, #tpu.memory_space<hbm>>
      %dma_wait3A_48 = arith.constant 0 : i32
      %dma_wait3A_49 = tpu.memref_slice %arg3[%mul3A_31, %dma_wait3A_48] : memref<2528x128xi32, #tpu.memory_space<hbm>> -> memref<79x128xi32, #tpu.memory_space<hbm>>
      tpu.wait_dma2 semaphore(%run_scoped3A : memref<!tpu.dma_semaphore, #tpu.memory_space<semaphore_mem>>) src(%dma_wait3A_49 : memref<79x128xi32, #tpu.memory_space<hbm>>) dst(%arg9 : memref<79x128xi32, #tpu.memory_space<vmem>>)
      tpu.yield
    }) : () -> ()
    %mul3A_32 = arith.constant 10112 : i32
    %mul3A_33 = arith.muli %add3A, %mul3A_32 : i32
    %scan3A_34 = arith.constant 0 : i32
    %scan3A_35 = arith.constant 0 : i32
    %scan3A_36 = arith.constant 79 : i32
    %scan3A_37 = arith.addi %scan3A_35, %scan3A_36 : i32
    %scan3A_38 = arith.constant 1 : i32
    %scan3A_39 = scf.for %scan3A_44 = %scan3A_35 to %scan3A_37 step %scan3A_38 iter_args(%scan3A_45 = %scan3A_34) -> (i32)  : i32 {
      %mul3A_46 = arith.constant 128 : i32
      %mul3A_47 = arith.muli %scan3A_44, %mul3A_46 : i32
      %add3A_48 = arith.addi %mul3A_33, %mul3A_47 : i32
      %dma_start3A = arith.constant 0 : i32
      %dma_start3A_49 = tpu.memref_slice %arg8[%scan3A_44, %dma_start3A] : memref<79x128xi32, #tpu.memory_space<vmem>> -> memref<1x128xi32, #tpu.memory_space<vmem>>
      %dma_start3A_50 = tpu.memref_squeeze %dma_start3A_49 : memref<1x128xi32, #tpu.memory_space<vmem>> -> memref<128xi32, #tpu.memory_space<vmem>>
      %dma_start3A_51 = arith.constant 0 : i32
      %dma_start3A_52 = arith.constant 0 : i32
      %dma_start3A_53 = tpu.memref_slice %arg6[%dma_start3A_51, %dma_start3A_52] : memref<10240x128xf32, #tpu.memory_space<hbm>> -> memref<10240x128xf32, #tpu.memory_space<hbm>>
      tpu.enqueue_indirect_dma source(%dma_start3A_53 : memref<10240x128xf32, #tpu.memory_space<hbm>>) target(%arg13 : memref<128x128xf32, #tpu.memory_space<vmem>>) offsets(%dma_start3A_50 : memref<128xi32, #tpu.memory_space<vmem>>) semaphore(%arg15 : memref<!tpu.dma_semaphore, #tpu.memory_space<semaphore_mem>>)
      %dma_start3A_54 = arith.constant 0 : i32
      %dma_start3A_55 = tpu.memref_slice %arg8[%scan3A_44, %dma_start3A_54] : memref<79x128xi32, #tpu.memory_space<vmem>> -> memref<1x128xi32, #tpu.memory_space<vmem>>
      %dma_start3A_56 = tpu.memref_squeeze %dma_start3A_55 : memref<1x128xi32, #tpu.memory_space<vmem>> -> memref<128xi32, #tpu.memory_space<vmem>>
      %dma_start3A_57 = arith.constant 0 : i32
      %dma_start3A_58 = arith.constant 0 : i32
      %dma_start3A_59 = tpu.memref_slice %arg5[%dma_start3A_57, %dma_start3A_58] : memref<10240x16xf32, #tpu.memory_space<hbm>> -> memref<10240x16xf32, #tpu.memory_space<hbm>>
      tpu.enqueue_indirect_dma source(%dma_start3A_59 : memref<10240x16xf32, #tpu.memory_space<hbm>>) target(%arg10 : memref<128x16xf32, #tpu.memory_space<vmem>>) offsets(%dma_start3A_56 : memref<128xi32, #tpu.memory_space<vmem>>) semaphore(%arg15 : memref<!tpu.dma_semaphore, #tpu.memory_space<semaphore_mem>>)
      %dma_start3A_60 = arith.constant 0 : i32
      %dma_start3A_61 = tpu.memref_slice %arg4[%add3A_48, %dma_start3A_60] : memref<323584x16xf32, #tpu.memory_space<hbm>> -> memref<128x16xf32, #tpu.memory_space<hbm>>
      %dma_start3A_62 = arith.constant 0 : i32
      %dma_start3A_63 = tpu.memref_slice %arg4[%add3A_48, %dma_start3A_62] : memref<323584x16xf32, #tpu.memory_space<hbm>> -> memref<128x16xf32, #tpu.memory_space<hbm>>
      tpu.enqueue_dma source(%dma_start3A_63 : memref<128x16xf32, #tpu.memory_space<hbm>>) target(%arg11 : memref<128x16xf32, #tpu.memory_space<vmem>>) target_semaphore(%arg16 : memref<!tpu.dma_semaphore, #tpu.memory_space<semaphore_mem>>)
      %dma_wait3A = arith.constant 0 : i32
      %dma_wait3A_64 = tpu.memref_slice %arg8[%scan3A_44, %dma_wait3A] : memref<79x128xi32, #tpu.memory_space<vmem>> -> memref<1x128xi32, #tpu.memory_space<vmem>>
      %dma_wait3A_65 = tpu.memref_squeeze %dma_wait3A_64 : memref<1x128xi32, #tpu.memory_space<vmem>> -> memref<128xi32, #tpu.memory_space<vmem>>
      %dma_wait3A_66 = arith.constant 0 : i32
      %dma_wait3A_67 = arith.constant 0 : i32
      %dma_wait3A_68 = tpu.memref_slice %arg6[%dma_wait3A_66, %dma_wait3A_67] : memref<10240x128xf32, #tpu.memory_space<hbm>> -> memref<10240x128xf32, #tpu.memory_space<hbm>>
      tpu.wait_indirect_dma semaphore(%arg15 : memref<!tpu.dma_semaphore, #tpu.memory_space<semaphore_mem>>) src(%dma_wait3A_68 : memref<10240x128xf32, #tpu.memory_space<hbm>>) dst(%arg13 : memref<128x128xf32, #tpu.memory_space<vmem>>)
      %dma_wait3A_69 = arith.constant 0 : i32
      %dma_wait3A_70 = tpu.memref_slice %arg4[%add3A_48, %dma_wait3A_69] : memref<323584x16xf32, #tpu.memory_space<hbm>> -> memref<128x16xf32, #tpu.memory_space<hbm>>
      %dma_wait3A_71 = arith.constant 0 : i32
      %dma_wait3A_72 = tpu.memref_slice %arg4[%add3A_48, %dma_wait3A_71] : memref<323584x16xf32, #tpu.memory_space<hbm>> -> memref<128x16xf32, #tpu.memory_space<hbm>>
      tpu.wait_dma2 semaphore(%arg16 : memref<!tpu.dma_semaphore, #tpu.memory_space<semaphore_mem>>) src(%dma_wait3A_72 : memref<128x16xf32, #tpu.memory_space<hbm>>) dst(%arg11 : memref<128x16xf32, #tpu.memory_space<vmem>>)
      %dma_wait3A_73 = arith.constant 0 : i32
      %dma_wait3A_74 = tpu.memref_slice %arg8[%scan3A_44, %dma_wait3A_73] : memref<79x128xi32, #tpu.memory_space<vmem>> -> memref<1x128xi32, #tpu.memory_space<vmem>>
      %dma_wait3A_75 = tpu.memref_squeeze %dma_wait3A_74 : memref<1x128xi32, #tpu.memory_space<vmem>> -> memref<128xi32, #tpu.memory_space<vmem>>
      %dma_wait3A_76 = arith.constant 0 : i32
      %dma_wait3A_77 = arith.constant 0 : i32
      %dma_wait3A_78 = tpu.memref_slice %arg5[%dma_wait3A_76, %dma_wait3A_77] : memref<10240x16xf32, #tpu.memory_space<hbm>> -> memref<10240x16xf32, #tpu.memory_space<hbm>>
      tpu.wait_indirect_dma semaphore(%arg15 : memref<!tpu.dma_semaphore, #tpu.memory_space<semaphore_mem>>) src(%dma_wait3A_78 : memref<10240x16xf32, #tpu.memory_space<hbm>>) dst(%arg10 : memref<128x16xf32, #tpu.memory_space<vmem>>)
      %scan3A_79 = arith.constant 0 : i32
      %scan3A_80 = arith.constant 0 : i32
      %scan3A_81 = arith.constant 128 : i32
      %scan3A_82 = arith.addi %scan3A_80, %scan3A_81 : i32
      %scan3A_83 = arith.constant 1 : i32
      %scan3A_84 = scf.for %scan3A_94 = %scan3A_80 to %scan3A_82 step %scan3A_83 iter_args(%scan3A_95 = %scan3A_79) -> (i32)  : i32 {
        %get3A = arith.index_cast %scan3A_94 : i32 to index
        %get3A_96 = arith.constant 0 : index
        %get3A_97 = tpu.vector_load %arg11[%get3A, %get3A_96] {strides = array<i32>} : memref<128x16xf32, #tpu.memory_space<vmem>>, vector<1x16xf32>,
        %get3A_98 = vector.shape_cast %get3A_97 : vector<1x16xf32> to vector<16xf32>
        %get3A_99 = arith.index_cast %scan3A_94 : i32 to index
        %get3A_100 = arith.constant 0 : index
        %get3A_101 = tpu.vector_load %arg10[%get3A_99, %get3A_100] {strides = array<i32>} : memref<128x16xf32, #tpu.memory_space<vmem>>, vector<1x16xf32>,
        %get3A_102 = vector.shape_cast %get3A_101 : vector<1x16xf32> to vector<16xf32>
        %mul3A_103 = arith.mulf %get3A_98, %get3A_102 : vector<16xf32>
        %swap3A = arith.index_cast %scan3A_94 : i32 to index
        %swap3A_104 = arith.constant 0 : index
        %swap3A_105 = tpu.vector_load %arg12[%swap3A, %swap3A_104] {strides = array<i32>} : memref<128x16xf32, #tpu.memory_space<vmem>>, vector<1x16xf32>,
        %swap3A_106 = vector.shape_cast %swap3A_105 : vector<1x16xf32> to vector<16xf32>
        %swap3A_107 = vector.shape_cast %mul3A_103 : vector<16xf32> to vector<1x16xf32>
        tpu.vector_store %arg12[%swap3A, %swap3A_104], %swap3A_107 {strides = array<i32>} : memref<128x16xf32, #tpu.memory_space<vmem>>, vector<1x16xf32>,
        %scan3A_108 = arith.constant 0 : i32
        scf.yield %scan3A_108 : i32
      }
      %scan3A_85 = arith.constant 128 : i32
      %scan3A_86 = arith.constant 0 : i32
      %scan3A_87 = arith.constant 0 : i32
      %scan3A_88 = arith.constant 128 : i32
      %scan3A_89 = arith.addi %scan3A_87, %scan3A_88 : i32
      %scan3A_90 = arith.constant 1 : i32
      %scan3A_91 = scf.for %scan3A_94 = %scan3A_87 to %scan3A_89 step %scan3A_90 iter_args(%scan3A_95 = %scan3A_86) -> (i32)  : i32 {
        %get3A = arith.index_cast %scan3A_94 : i32 to index
        %get3A_96 = arith.constant 0 : index
        %get3A_97 = tpu.vector_load %arg12[%get3A, %get3A_96] {strides = array<i32>} : memref<128x16xf32, #tpu.memory_space<vmem>>, vector<1x16xf32>,
        %get3A_98 = vector.shape_cast %get3A_97 : vector<1x16xf32> to vector<16xf32>
        %slice3A = vector.extract_strided_slice %get3A_98 {offsets = [0], sizes = [1], strides = [1]} : vector<16xf32> to vector<1xf32>
        %squeeze3A = vector.extract %slice3A[0] : f32 from vector<1xf32>
        %broadcast_in_dim3A_99 = vector.broadcast %squeeze3A : f32 to vector<16xf32>
        %get3A_100 = arith.index_cast %scan3A_94 : i32 to index
        %get3A_101 = arith.constant 0 : index
        %get3A_102 = tpu.vector_load %arg13[%get3A_100, %get3A_101] {strides = array<i32>} : memref<128x128xf32, #tpu.memory_space<vmem>>, vector<1x16xf32>,
        %get3A_103 = vector.shape_cast %get3A_102 : vector<1x16xf32> to vector<16xf32>
        %mul3A_104 = arith.mulf %get3A_103, %broadcast_in_dim3A_99 : vector<16xf32>
        %swap3A = arith.index_cast %scan3A_94 : i32 to index
        %swap3A_105 = arith.constant 0 : index
        %swap3A_106 = tpu.vector_load %arg13[%swap3A, %swap3A_105] {strides = array<i32>} : memref<128x128xf32, #tpu.memory_space<vmem>>, vector<1x16xf32>,
        %swap3A_107 = vector.shape_cast %swap3A_106 : vector<1x16xf32> to vector<16xf32>
        %swap3A_108 = vector.shape_cast %mul3A_104 : vector<16xf32> to vector<1x16xf32>
        tpu.vector_store %arg13[%swap3A, %swap3A_105], %swap3A_108 {strides = array<i32>} : memref<128x128xf32, #tpu.memory_space<vmem>>, vector<1x16xf32>,
        %slice3A_109 = vector.extract_strided_slice %get3A_98 {offsets = [1], sizes = [1], strides = [1]} : vector<16xf32> to vector<1xf32>
        %squeeze3A_110 = vector.extract %slice3A_109[0] : f32 from vector<1xf32>
        %broadcast_in_dim3A_111 = vector.broadcast %squeeze3A_110 : f32 to vector<16xf32>
        %get3A_112 = arith.index_cast %scan3A_94 : i32 to index
        %get3A_113 = arith.constant 16 : index
        %get3A_114 = tpu.vector_load %arg13[%get3A_112, %get3A_113] {strides = array<i32>} : memref<128x128xf32, #tpu.memory_space<vmem>>, vector<1x16xf32>,
        %get3A_115 = vector.shape_cast %get3A_114 : vector<1x16xf32> to vector<16xf32>
        %mul3A_116 = arith.mulf %get3A_115, %broadcast_in_dim3A_111 : vector<16xf32>
        %swap3A_117 = arith.index_cast %scan3A_94 : i32 to index
        %swap3A_118 = arith.constant 16 : index
        %swap3A_119 = tpu.vector_load %arg13[%swap3A_117, %swap3A_118] {strides = array<i32>} : memref<128x128xf32, #tpu.memory_space<vmem>>, vector<1x16xf32>,
        %swap3A_120 = vector.shape_cast %swap3A_119 : vector<1x16xf32> to vector<16xf32>
        %swap3A_121 = vector.shape_cast %mul3A_116 : vector<16xf32> to vector<1x16xf32>
        tpu.vector_store %arg13[%swap3A_117, %swap3A_118], %swap3A_121 {strides = array<i32>} : memref<128x128xf32, #tpu.memory_space<vmem>>, vector<1x16xf32>,
        %slice3A_122 = vector.extract_strided_slice %get3A_98 {offsets = [2], sizes = [1], strides = [1]} : vector<16xf32> to vector<1xf32>
        %squeeze3A_123 = vector.extract %slice3A_122[0] : f32 from vector<1xf32>
        %broadcast_in_dim3A_124 = vector.broadcast %squeeze3A_123 : f32 to vector<16xf32>
        %get3A_125 = arith.index_cast %scan3A_94 : i32 to index
        %get3A_126 = arith.constant 32 : index
        %get3A_127 = tpu.vector_load %arg13[%get3A_125, %get3A_126] {strides = array<i32>} : memref<128x128xf32, #tpu.memory_space<vmem>>, vector<1x16xf32>,
        %get3A_128 = vector.shape_cast %get3A_127 : vector<1x16xf32> to vector<16xf32>
        %mul3A_129 = arith.mulf %get3A_128, %broadcast_in_dim3A_124 : vector<16xf32>
        %swap3A_130 = arith.index_cast %scan3A_94 : i32 to index
        %swap3A_131 = arith.constant 32 : index
        %swap3A_132 = tpu.vector_load %arg13[%swap3A_130, %swap3A_131] {strides = array<i32>} : memref<128x128xf32, #tpu.memory_space<vmem>>, vector<1x16xf32>,
        %swap3A_133 = vector.shape_cast %swap3A_132 : vector<1x16xf32> to vector<16xf32>
        %swap3A_134 = vector.shape_cast %mul3A_129 : vector<16xf32> to vector<1x16xf32>
        tpu.vector_store %arg13[%swap3A_130, %swap3A_131], %swap3A_134 {strides = array<i32>} : memref<128x128xf32, #tpu.memory_space<vmem>>, vector<1x16xf32>,
        %slice3A_135 = vector.extract_strided_slice %get3A_98 {offsets = [3], sizes = [1], strides = [1]} : vector<16xf32> to vector<1xf32>
        %squeeze3A_136 = vector.extract %slice3A_135[0] : f32 from vector<1xf32>
        %broadcast_in_dim3A_137 = vector.broadcast %squeeze3A_136 : f32 to vector<16xf32>
        %get3A_138 = arith.index_cast %scan3A_94 : i32 to index
        %get3A_139 = arith.constant 48 : index
        %get3A_140 = tpu.vector_load %arg13[%get3A_138, %get3A_139] {strides = array<i32>} : memref<128x128xf32, #tpu.memory_space<vmem>>, vector<1x16xf32>,
        %get3A_141 = vector.shape_cast %get3A_140 : vector<1x16xf32> to vector<16xf32>
        %mul3A_142 = arith.mulf %get3A_141, %broadcast_in_dim3A_137 : vector<16xf32>
        %swap3A_143 = arith.index_cast %scan3A_94 : i32 to index
        %swap3A_144 = arith.constant 48 : index
        %swap3A_145 = tpu.vector_load %arg13[%swap3A_143, %swap3A_144] {strides = array<i32>} : memref<128x128xf32, #tpu.memory_space<vmem>>, vector<1x16xf32>,
        %swap3A_146 = vector.shape_cast %swap3A_145 : vector<1x16xf32> to vector<16xf32>
        %swap3A_147 = vector.shape_cast %mul3A_142 : vector<16xf32> to vector<1x16xf32>
        tpu.vector_store %arg13[%swap3A_143, %swap3A_144], %swap3A_147 {strides = array<i32>} : memref<128x128xf32, #tpu.memory_space<vmem>>, vector<1x16xf32>,
        %slice3A_148 = vector.extract_strided_slice %get3A_98 {offsets = [4], sizes = [1], strides = [1]} : vector<16xf32> to vector<1xf32>
        %squeeze3A_149 = vector.extract %slice3A_148[0] : f32 from vector<1xf32>
        %broadcast_in_dim3A_150 = vector.broadcast %squeeze3A_149 : f32 to vector<16xf32>
        %get3A_151 = arith.index_cast %scan3A_94 : i32 to index
        %get3A_152 = arith.constant 64 : index
        %get3A_153 = tpu.vector_load %arg13[%get3A_151, %get3A_152] {strides = array<i32>} : memref<128x128xf32, #tpu.memory_space<vmem>>, vector<1x16xf32>,
        %get3A_154 = vector.shape_cast %get3A_153 : vector<1x16xf32> to vector<16xf32>
        %mul3A_155 = arith.mulf %get3A_154, %broadcast_in_dim3A_150 : vector<16xf32>
        %swap3A_156 = arith.index_cast %scan3A_94 : i32 to index
        %swap3A_157 = arith.constant 64 : index
        %swap3A_158 = tpu.vector_load %arg13[%swap3A_156, %swap3A_157] {strides = array<i32>} : memref<128x128xf32, #tpu.memory_space<vmem>>, vector<1x16xf32>,
        %swap3A_159 = vector.shape_cast %swap3A_158 : vector<1x16xf32> to vector<16xf32>
        %swap3A_160 = vector.shape_cast %mul3A_155 : vector<16xf32> to vector<1x16xf32>
        tpu.vector_store %arg13[%swap3A_156, %swap3A_157], %swap3A_160 {strides = array<i32>} : memref<128x128xf32, #tpu.memory_space<vmem>>, vector<1x16xf32>,
        %slice3A_161 = vector.extract_strided_slice %get3A_98 {offsets = [5], sizes = [1], strides = [1]} : vector<16xf32> to vector<1xf32>
        %squeeze3A_162 = vector.extract %slice3A_161[0] : f32 from vector<1xf32>
        %broadcast_in_dim3A_163 = vector.broadcast %squeeze3A_162 : f32 to vector<16xf32>
        %get3A_164 = arith.index_cast %scan3A_94 : i32 to index
        %get3A_165 = arith.constant 80 : index
        %get3A_166 = tpu.vector_load %arg13[%get3A_164, %get3A_165] {strides = array<i32>} : memref<128x128xf32, #tpu.memory_space<vmem>>, vector<1x16xf32>,
        %get3A_167 = vector.shape_cast %get3A_166 : vector<1x16xf32> to vector<16xf32>
        %mul3A_168 = arith.mulf %get3A_167, %broadcast_in_dim3A_163 : vector<16xf32>
        %swap3A_169 = arith.index_cast %scan3A_94 : i32 to index
        %swap3A_170 = arith.constant 80 : index
        %swap3A_171 = tpu.vector_load %arg13[%swap3A_169, %swap3A_170] {strides = array<i32>} : memref<128x128xf32, #tpu.memory_space<vmem>>, vector<1x16xf32>,
        %swap3A_172 = vector.shape_cast %swap3A_171 : vector<1x16xf32> to vector<16xf32>
        %swap3A_173 = vector.shape_cast %mul3A_168 : vector<16xf32> to vector<1x16xf32>
        tpu.vector_store %arg13[%swap3A_169, %swap3A_170], %swap3A_173 {strides = array<i32>} : memref<128x128xf32, #tpu.memory_space<vmem>>, vector<1x16xf32>,
        %slice3A_174 = vector.extract_strided_slice %get3A_98 {offsets = [6], sizes = [1], strides = [1]} : vector<16xf32> to vector<1xf32>
        %squeeze3A_175 = vector.extract %slice3A_174[0] : f32 from vector<1xf32>
        %broadcast_in_dim3A_176 = vector.broadcast %squeeze3A_175 : f32 to vector<16xf32>
        %get3A_177 = arith.index_cast %scan3A_94 : i32 to index
        %get3A_178 = arith.constant 96 : index
        %get3A_179 = tpu.vector_load %arg13[%get3A_177, %get3A_178] {strides = array<i32>} : memref<128x128xf32, #tpu.memory_space<vmem>>, vector<1x16xf32>,
        %get3A_180 = vector.shape_cast %get3A_179 : vector<1x16xf32> to vector<16xf32>
        %mul3A_181 = arith.mulf %get3A_180, %broadcast_in_dim3A_176 : vector<16xf32>
        %swap3A_182 = arith.index_cast %scan3A_94 : i32 to index
        %swap3A_183 = arith.constant 96 : index
        %swap3A_184 = tpu.vector_load %arg13[%swap3A_182, %swap3A_183] {strides = array<i32>} : memref<128x128xf32, #tpu.memory_space<vmem>>, vector<1x16xf32>,
        %swap3A_185 = vector.shape_cast %swap3A_184 : vector<1x16xf32> to vector<16xf32>
        %swap3A_186 = vector.shape_cast %mul3A_181 : vector<16xf32> to vector<1x16xf32>
        tpu.vector_store %arg13[%swap3A_182, %swap3A_183], %swap3A_186 {strides = array<i32>} : memref<128x128xf32, #tpu.memory_space<vmem>>, vector<1x16xf32>,
        %slice3A_187 = vector.extract_strided_slice %get3A_98 {offsets = [7], sizes = [1], strides = [1]} : vector<16xf32> to vector<1xf32>
        %squeeze3A_188 = vector.extract %slice3A_187[0] : f32 from vector<1xf32>
        %broadcast_in_dim3A_189 = vector.broadcast %squeeze3A_188 : f32 to vector<16xf32>
        %get3A_190 = arith.index_cast %scan3A_94 : i32 to index
        %get3A_191 = arith.constant 112 : index
        %get3A_192 = tpu.vector_load %arg13[%get3A_190, %get3A_191] {strides = array<i32>} : memref<128x128xf32, #tpu.memory_space<vmem>>, vector<1x16xf32>,
        %get3A_193 = vector.shape_cast %get3A_192 : vector<1x16xf32> to vector<16xf32>
        %mul3A_194 = arith.mulf %get3A_193, %broadcast_in_dim3A_189 : vector<16xf32>
        %swap3A_195 = arith.index_cast %scan3A_94 : i32 to index
        %swap3A_196 = arith.constant 112 : index
        %swap3A_197 = tpu.vector_load %arg13[%swap3A_195, %swap3A_196] {strides = array<i32>} : memref<128x128xf32, #tpu.memory_space<vmem>>, vector<1x16xf32>,
        %swap3A_198 = vector.shape_cast %swap3A_197 : vector<1x16xf32> to vector<16xf32>
        %swap3A_199 = vector.shape_cast %mul3A_194 : vector<16xf32> to vector<1x16xf32>
        tpu.vector_store %arg13[%swap3A_195, %swap3A_196], %swap3A_199 {strides = array<i32>} : memref<128x128xf32, #tpu.memory_space<vmem>>, vector<1x16xf32>,
        %scan3A_200 = arith.constant 0 : i32
        scf.yield %scan3A_200 : i32
      }
      %scan3A_92 = arith.constant 128 : i32
      "tpu.region"() ({
        %run_scoped3A = tpu.sem_alloc : memref<!tpu.dma_semaphore, #tpu.memory_space<semaphore_mem>>
        %dma_start3A_94 = arith.constant 0 : i32
        %dma_start3A_95 = tpu.memref_slice %arg9[%scan3A_44, %dma_start3A_94] : memref<79x128xi32, #tpu.memory_space<vmem>> -> memref<1x128xi32, #tpu.memory_space<vmem>>
        %dma_start3A_96 = tpu.memref_squeeze %dma_start3A_95 : memref<1x128xi32, #tpu.memory_space<vmem>> -> memref<128xi32, #tpu.memory_space<vmem>>
        %dma_start3A_97 = arith.constant 0 : i32
        %dma_start3A_98 = arith.constant 0 : i32
        %dma_start3A_99 = tpu.memref_slice %arg14[%dma_start3A_97, %dma_start3A_98] : memref<10240x128xf32, #tpu.memory_space<vmem_shared>> -> memref<10240x128xf32, #tpu.memory_space<vmem_shared>>
        tpu.enqueue_indirect_dma source(%arg13 : memref<128x128xf32, #tpu.memory_space<vmem>>) target(%dma_start3A_99 : memref<10240x128xf32, #tpu.memory_space<vmem_shared>>) offsets(%dma_start3A_96 : memref<128xi32, #tpu.memory_space<vmem>>) semaphore(%run_scoped3A : memref<!tpu.dma_semaphore, #tpu.memory_space<semaphore_mem>>) {add = true}
        %dma_wait3A_100 = arith.constant 0 : i32
        %dma_wait3A_101 = tpu.memref_slice %arg9[%scan3A_44, %dma_wait3A_100] : memref<79x128xi32, #tpu.memory_space<vmem>> -> memref<1x128xi32, #tpu.memory_space<vmem>>
        %dma_wait3A_102 = tpu.memref_squeeze %dma_wait3A_101 : memref<1x128xi32, #tpu.memory_space<vmem>> -> memref<128xi32, #tpu.memory_space<vmem>>
        %dma_wait3A_103 = arith.constant 0 : i32
        %dma_wait3A_104 = arith.constant 0 : i32
        %dma_wait3A_105 = tpu.memref_slice %arg14[%dma_wait3A_103, %dma_wait3A_104] : memref<10240x128xf32, #tpu.memory_space<vmem_shared>> -> memref<10240x128xf32, #tpu.memory_space<vmem_shared>>
        tpu.wait_indirect_dma semaphore(%run_scoped3A : memref<!tpu.dma_semaphore, #tpu.memory_space<semaphore_mem>>) src(%arg13 : memref<128x128xf32, #tpu.memory_space<vmem>>) dst(%dma_wait3A_105 : memref<10240x128xf32, #tpu.memory_space<vmem_shared>>)
        tpu.yield
      }) : () -> ()
      %scan3A_93 = arith.constant 0 : i32
      scf.yield %scan3A_93 : i32
    }
    %scan3A_40 = arith.constant 79 : i32
    %barrier3A_41 = arith.constant 0 : index
    tpu.barrier barrier_id(%barrier3A_41)
    %mul3A_42 = arith.constant 640 : i32
    %mul3A_43 = arith.muli %arg1, %mul3A_42 : i32
    "tpu.region"() ({
      %run_scoped3A = tpu.sem_alloc : memref<!tpu.dma_semaphore, #tpu.memory_space<semaphore_mem>>
      %dma_start3A = arith.constant 0 : i32
      %dma_start3A_44 = tpu.memref_slice %arg7[%arg0, %mul3A_43, %dma_start3A] : memref<2x10240x128xf32, #tpu.memory_space<hbm>> -> memref<1x640x128xf32, #tpu.memory_space<hbm>>
      %dma_start3A_45 = tpu.memref_squeeze %dma_start3A_44 : memref<1x640x128xf32, #tpu.memory_space<hbm>> -> memref<640x128xf32, #tpu.memory_space<hbm>>
      %dma_start3A_46 = arith.constant 0 : i32
      %dma_start3A_47 = tpu.memref_slice %arg14[%mul3A_43, %dma_start3A_46] : memref<10240x128xf32, #tpu.memory_space<vmem_shared>> -> memref<640x128xf32, #tpu.memory_space<vmem_shared>>
      tpu.enqueue_dma source(%dma_start3A_47 : memref<640x128xf32, #tpu.memory_space<vmem_shared>>) target(%dma_start3A_45 : memref<640x128xf32, #tpu.memory_space<hbm>>) target_semaphore(%run_scoped3A : memref<!tpu.dma_semaphore, #tpu.memory_space<semaphore_mem>>)
      %dma_wait3A = arith.constant 0 : i32
      %dma_wait3A_48 = tpu.memref_slice %arg7[%arg0, %mul3A_43, %dma_wait3A] : memref<2x10240x128xf32, #tpu.memory_space<hbm>> -> memref<1x640x128xf32, #tpu.memory_space<hbm>>
      %dma_wait3A_49 = tpu.memref_squeeze %dma_wait3A_48 : memref<1x640x128xf32, #tpu.memory_space<hbm>> -> memref<640x128xf32, #tpu.memory_space<hbm>>
      %dma_wait3A_50 = arith.constant 0 : i32
      %dma_wait3A_51 = tpu.memref_slice %arg14[%mul3A_43, %dma_wait3A_50] : memref<10240x128xf32, #tpu.memory_space<vmem_shared>> -> memref<640x128xf32, #tpu.memory_space<vmem_shared>>
      tpu.wait_dma2 semaphore(%run_scoped3A : memref<!tpu.dma_semaphore, #tpu.memory_space<semaphore_mem>>) src(%dma_wait3A_51 : memref<640x128xf32, #tpu.memory_space<vmem_shared>>) dst(%dma_wait3A_49 : memref<640x128xf32, #tpu.memory_space<hbm>>)
      tpu.yield
    }) : () -> ()
    return
  }
}

#map = affine_map<(d0, d1) -> (0, 0)>
#map1 = affine_map<(d0, d1) -> (0, 0, 0)>
module attributes {stable_mosaic.version = 14 : i64} {
  func.func @_kthin_body(%arg0: i32, %arg1: i32, %arg2: memref<2528x128xi32, #tpu.memory_space<hbm>>, %arg3: memref<2528x128xi32, #tpu.memory_space<hbm>>, %arg4: memref<10240x16xf32, #tpu.memory_space<hbm>>, %arg5: memref<2x10240x16xf32, #tpu.memory_space<hbm>>, %arg6: memref<79x128xi32, #tpu.memory_space<vmem>>, %arg7: memref<79x128xi32, #tpu.memory_space<vmem>>, %arg8: memref<128x16xf32, #tpu.memory_space<vmem>>, %arg9: memref<640x16xf32, #tpu.memory_space<vmem>>, %arg10: memref<10240x16xf32, #tpu.memory_space<vmem_shared>>, %arg11: memref<!tpu.dma_semaphore, #tpu.memory_space<semaphore_mem>>) attributes {dimension_semantics = [#tpu.dimension_semantics<core_parallel>, #tpu.dimension_semantics<subcore_parallel>], iteration_bounds = array<i64: 2, 16>, scalar_prefetch = 0 : i64, scratch_operands = 6 : i64, tpu.core_type = #tpu.core_type<sc_vector_subcore>, window_params = [{transform_indices = #map}, {transform_indices = #map}, {transform_indices = #map}, {transform_indices = #map1}]} {
    %mul3A = arith.constant 16 : i32
    %mul3A_0 = arith.muli %arg0, %mul3A : i32
    %add3A = arith.addi %mul3A_0, %arg1 : i32
    %broadcast_in_dim3A = arith.constant 0.000000e+00 : f32
    %broadcast_in_dim3A_1 = vector.broadcast %broadcast_in_dim3A : f32 to vector<16xf32>
    %scan3A = arith.constant 0 : i32
    %scan3A_2 = arith.constant 0 : i32
    %scan3A_3 = arith.constant 640 : i32
    %scan3A_4 = arith.addi %scan3A_2, %scan3A_3 : i32
    %scan3A_5 = arith.constant 1 : i32
    %scan3A_6 = scf.for %scan3A_26 = %scan3A_2 to %scan3A_4 step %scan3A_5 iter_args(%scan3A_27 = %scan3A) -> (i32)  : i32 {
      %swap3A = arith.index_cast %scan3A_26 : i32 to index
      %swap3A_28 = arith.constant 0 : index
      %swap3A_29 = tpu.vector_load %arg9[%swap3A, %swap3A_28] {strides = array<i32>} : memref<640x16xf32, #tpu.memory_space<vmem>>, vector<1x16xf32>,
      %swap3A_30 = vector.shape_cast %swap3A_29 : vector<1x16xf32> to vector<16xf32>
      %swap3A_31 = vector.shape_cast %broadcast_in_dim3A_1 : vector<16xf32> to vector<1x16xf32>
      tpu.vector_store %arg9[%swap3A, %swap3A_28], %swap3A_31 {strides = array<i32>} : memref<640x16xf32, #tpu.memory_space<vmem>>, vector<1x16xf32>,
      %scan3A_32 = arith.constant 0 : i32
      scf.yield %scan3A_32 : i32
    }
    %scan3A_7 = arith.constant 640 : i32
    %mul3A_8 = arith.constant 640 : i32
    %mul3A_9 = arith.muli %arg1, %mul3A_8 : i32
    "tpu.region"() ({
      %run_scoped3A = tpu.sem_alloc : memref<!tpu.dma_semaphore, #tpu.memory_space<semaphore_mem>>
      %dma_start3A = arith.constant 0 : i32
      %dma_start3A_26 = tpu.memref_slice %arg10[%mul3A_9, %dma_start3A] : memref<10240x16xf32, #tpu.memory_space<vmem_shared>> -> memref<640x16xf32, #tpu.memory_space<vmem_shared>>
      %dma_start3A_27 = arith.constant 0 : i32
      %dma_start3A_28 = tpu.memref_slice %arg10[%mul3A_9, %dma_start3A_27] : memref<10240x16xf32, #tpu.memory_space<vmem_shared>> -> memref<640x16xf32, #tpu.memory_space<vmem_shared>>
      tpu.enqueue_dma source(%arg9 : memref<640x16xf32, #tpu.memory_space<vmem>>) target(%dma_start3A_28 : memref<640x16xf32, #tpu.memory_space<vmem_shared>>) target_semaphore(%run_scoped3A : memref<!tpu.dma_semaphore, #tpu.memory_space<semaphore_mem>>)
      %dma_wait3A = arith.constant 0 : i32
      %dma_wait3A_29 = tpu.memref_slice %arg10[%mul3A_9, %dma_wait3A] : memref<10240x16xf32, #tpu.memory_space<vmem_shared>> -> memref<640x16xf32, #tpu.memory_space<vmem_shared>>
      %dma_wait3A_30 = arith.constant 0 : i32
      %dma_wait3A_31 = tpu.memref_slice %arg10[%mul3A_9, %dma_wait3A_30] : memref<10240x16xf32, #tpu.memory_space<vmem_shared>> -> memref<640x16xf32, #tpu.memory_space<vmem_shared>>
      tpu.wait_dma2 semaphore(%run_scoped3A : memref<!tpu.dma_semaphore, #tpu.memory_space<semaphore_mem>>) src(%arg9 : memref<640x16xf32, #tpu.memory_space<vmem>>) dst(%dma_wait3A_31 : memref<640x16xf32, #tpu.memory_space<vmem_shared>>)
      tpu.yield
    }) : () -> ()
    %barrier3A = arith.constant 0 : index
    tpu.barrier barrier_id(%barrier3A)
    %mul3A_10 = arith.constant 79 : i32
    %mul3A_11 = arith.muli %add3A, %mul3A_10 : i32
    "tpu.region"() ({
      %run_scoped3A = tpu.sem_alloc : memref<!tpu.dma_semaphore, #tpu.memory_space<semaphore_mem>>
      %dma_start3A = arith.constant 0 : i32
      %dma_start3A_26 = tpu.memref_slice %arg2[%mul3A_11, %dma_start3A] : memref<2528x128xi32, #tpu.memory_space<hbm>> -> memref<79x128xi32, #tpu.memory_space<hbm>>
      %dma_start3A_27 = arith.constant 0 : i32
      %dma_start3A_28 = tpu.memref_slice %arg2[%mul3A_11, %dma_start3A_27] : memref<2528x128xi32, #tpu.memory_space<hbm>> -> memref<79x128xi32, #tpu.memory_space<hbm>>
      tpu.enqueue_dma source(%dma_start3A_28 : memref<79x128xi32, #tpu.memory_space<hbm>>) target(%arg6 : memref<79x128xi32, #tpu.memory_space<vmem>>) target_semaphore(%run_scoped3A : memref<!tpu.dma_semaphore, #tpu.memory_space<semaphore_mem>>)
      %dma_wait3A = arith.constant 0 : i32
      %dma_wait3A_29 = tpu.memref_slice %arg2[%mul3A_11, %dma_wait3A] : memref<2528x128xi32, #tpu.memory_space<hbm>> -> memref<79x128xi32, #tpu.memory_space<hbm>>
      %dma_wait3A_30 = arith.constant 0 : i32
      %dma_wait3A_31 = tpu.memref_slice %arg2[%mul3A_11, %dma_wait3A_30] : memref<2528x128xi32, #tpu.memory_space<hbm>> -> memref<79x128xi32, #tpu.memory_space<hbm>>
      tpu.wait_dma2 semaphore(%run_scoped3A : memref<!tpu.dma_semaphore, #tpu.memory_space<semaphore_mem>>) src(%dma_wait3A_31 : memref<79x128xi32, #tpu.memory_space<hbm>>) dst(%arg6 : memref<79x128xi32, #tpu.memory_space<vmem>>)
      tpu.yield
    }) : () -> ()
    %mul3A_12 = arith.constant 79 : i32
    %mul3A_13 = arith.muli %add3A, %mul3A_12 : i32
    "tpu.region"() ({
      %run_scoped3A = tpu.sem_alloc : memref<!tpu.dma_semaphore, #tpu.memory_space<semaphore_mem>>
      %dma_start3A = arith.constant 0 : i32
      %dma_start3A_26 = tpu.memref_slice %arg3[%mul3A_13, %dma_start3A] : memref<2528x128xi32, #tpu.memory_space<hbm>> -> memref<79x128xi32, #tpu.memory_space<hbm>>
      %dma_start3A_27 = arith.constant 0 : i32
      %dma_start3A_28 = tpu.memref_slice %arg3[%mul3A_13, %dma_start3A_27] : memref<2528x128xi32, #tpu.memory_space<hbm>> -> memref<79x128xi32, #tpu.memory_space<hbm>>
      tpu.enqueue_dma source(%dma_start3A_28 : memref<79x128xi32, #tpu.memory_space<hbm>>) target(%arg7 : memref<79x128xi32, #tpu.memory_space<vmem>>) target_semaphore(%run_scoped3A : memref<!tpu.dma_semaphore, #tpu.memory_space<semaphore_mem>>)
      %dma_wait3A = arith.constant 0 : i32
      %dma_wait3A_29 = tpu.memref_slice %arg3[%mul3A_13, %dma_wait3A] : memref<2528x128xi32, #tpu.memory_space<hbm>> -> memref<79x128xi32, #tpu.memory_space<hbm>>
      %dma_wait3A_30 = arith.constant 0 : i32
      %dma_wait3A_31 = tpu.memref_slice %arg3[%mul3A_13, %dma_wait3A_30] : memref<2528x128xi32, #tpu.memory_space<hbm>> -> memref<79x128xi32, #tpu.memory_space<hbm>>
      tpu.wait_dma2 semaphore(%run_scoped3A : memref<!tpu.dma_semaphore, #tpu.memory_space<semaphore_mem>>) src(%dma_wait3A_31 : memref<79x128xi32, #tpu.memory_space<hbm>>) dst(%arg7 : memref<79x128xi32, #tpu.memory_space<vmem>>)
      tpu.yield
    }) : () -> ()
    %mul3A_14 = arith.constant 10112 : i32
    %mul3A_15 = arith.muli %add3A, %mul3A_14 : i32
    %scan3A_16 = arith.constant 0 : i32
    %scan3A_17 = arith.constant 0 : i32
    %scan3A_18 = arith.constant 79 : i32
    %scan3A_19 = arith.addi %scan3A_17, %scan3A_18 : i32
    %scan3A_20 = arith.constant 1 : i32
    %scan3A_21 = scf.for %scan3A_26 = %scan3A_17 to %scan3A_19 step %scan3A_20 iter_args(%scan3A_27 = %scan3A_16) -> (i32)  : i32 {
      %dma_start3A = arith.constant 0 : i32
      %dma_start3A_28 = tpu.memref_slice %arg6[%scan3A_26, %dma_start3A] : memref<79x128xi32, #tpu.memory_space<vmem>> -> memref<1x128xi32, #tpu.memory_space<vmem>>
      %dma_start3A_29 = tpu.memref_squeeze %dma_start3A_28 : memref<1x128xi32, #tpu.memory_space<vmem>> -> memref<128xi32, #tpu.memory_space<vmem>>
      %dma_start3A_30 = arith.constant 0 : i32
      %dma_start3A_31 = arith.constant 0 : i32
      %dma_start3A_32 = tpu.memref_slice %arg4[%dma_start3A_30, %dma_start3A_31] : memref<10240x16xf32, #tpu.memory_space<hbm>> -> memref<10240x16xf32, #tpu.memory_space<hbm>>
      tpu.enqueue_indirect_dma source(%dma_start3A_32 : memref<10240x16xf32, #tpu.memory_space<hbm>>) target(%arg8 : memref<128x16xf32, #tpu.memory_space<vmem>>) offsets(%dma_start3A_29 : memref<128xi32, #tpu.memory_space<vmem>>) semaphore(%arg11 : memref<!tpu.dma_semaphore, #tpu.memory_space<semaphore_mem>>)
      %dma_wait3A = arith.constant 0 : i32
      %dma_wait3A_33 = tpu.memref_slice %arg6[%scan3A_26, %dma_wait3A] : memref<79x128xi32, #tpu.memory_space<vmem>> -> memref<1x128xi32, #tpu.memory_space<vmem>>
      %dma_wait3A_34 = tpu.memref_squeeze %dma_wait3A_33 : memref<1x128xi32, #tpu.memory_space<vmem>> -> memref<128xi32, #tpu.memory_space<vmem>>
      %dma_wait3A_35 = arith.constant 0 : i32
      %dma_wait3A_36 = arith.constant 0 : i32
      %dma_wait3A_37 = tpu.memref_slice %arg4[%dma_wait3A_35, %dma_wait3A_36] : memref<10240x16xf32, #tpu.memory_space<hbm>> -> memref<10240x16xf32, #tpu.memory_space<hbm>>
      tpu.wait_indirect_dma semaphore(%arg11 : memref<!tpu.dma_semaphore, #tpu.memory_space<semaphore_mem>>) src(%dma_wait3A_37 : memref<10240x16xf32, #tpu.memory_space<hbm>>) dst(%arg8 : memref<128x16xf32, #tpu.memory_space<vmem>>)
      "tpu.region"() ({
        %run_scoped3A = tpu.sem_alloc : memref<!tpu.dma_semaphore, #tpu.memory_space<semaphore_mem>>
        %dma_start3A_39 = arith.constant 0 : i32
        %dma_start3A_40 = tpu.memref_slice %arg7[%scan3A_26, %dma_start3A_39] : memref<79x128xi32, #tpu.memory_space<vmem>> -> memref<1x128xi32, #tpu.memory_space<vmem>>
        %dma_start3A_41 = tpu.memref_squeeze %dma_start3A_40 : memref<1x128xi32, #tpu.memory_space<vmem>> -> memref<128xi32, #tpu.memory_space<vmem>>
        %dma_start3A_42 = arith.constant 0 : i32
        %dma_start3A_43 = arith.constant 0 : i32
        %dma_start3A_44 = tpu.memref_slice %arg10[%dma_start3A_42, %dma_start3A_43] : memref<10240x16xf32, #tpu.memory_space<vmem_shared>> -> memref<10240x16xf32, #tpu.memory_space<vmem_shared>>
        tpu.enqueue_indirect_dma source(%arg8 : memref<128x16xf32, #tpu.memory_space<vmem>>) target(%dma_start3A_44 : memref<10240x16xf32, #tpu.memory_space<vmem_shared>>) offsets(%dma_start3A_41 : memref<128xi32, #tpu.memory_space<vmem>>) semaphore(%run_scoped3A : memref<!tpu.dma_semaphore, #tpu.memory_space<semaphore_mem>>) {add = true}
        %dma_wait3A_45 = arith.constant 0 : i32
        %dma_wait3A_46 = tpu.memref_slice %arg7[%scan3A_26, %dma_wait3A_45] : memref<79x128xi32, #tpu.memory_space<vmem>> -> memref<1x128xi32, #tpu.memory_space<vmem>>
        %dma_wait3A_47 = tpu.memref_squeeze %dma_wait3A_46 : memref<1x128xi32, #tpu.memory_space<vmem>> -> memref<128xi32, #tpu.memory_space<vmem>>
        %dma_wait3A_48 = arith.constant 0 : i32
        %dma_wait3A_49 = arith.constant 0 : i32
        %dma_wait3A_50 = tpu.memref_slice %arg10[%dma_wait3A_48, %dma_wait3A_49] : memref<10240x16xf32, #tpu.memory_space<vmem_shared>> -> memref<10240x16xf32, #tpu.memory_space<vmem_shared>>
        tpu.wait_indirect_dma semaphore(%run_scoped3A : memref<!tpu.dma_semaphore, #tpu.memory_space<semaphore_mem>>) src(%arg8 : memref<128x16xf32, #tpu.memory_space<vmem>>) dst(%dma_wait3A_50 : memref<10240x16xf32, #tpu.memory_space<vmem_shared>>)
        tpu.yield
      }) : () -> ()
      %scan3A_38 = arith.constant 0 : i32
      scf.yield %scan3A_38 : i32
    }
    %scan3A_22 = arith.constant 79 : i32
    %barrier3A_23 = arith.constant 0 : index
    tpu.barrier barrier_id(%barrier3A_23)
    %mul3A_24 = arith.constant 640 : i32
    %mul3A_25 = arith.muli %arg1, %mul3A_24 : i32
    "tpu.region"() ({
      %run_scoped3A = tpu.sem_alloc : memref<!tpu.dma_semaphore, #tpu.memory_space<semaphore_mem>>
      %dma_start3A = arith.constant 0 : i32
      %dma_start3A_26 = tpu.memref_slice %arg5[%arg0, %mul3A_25, %dma_start3A] : memref<2x10240x16xf32, #tpu.memory_space<hbm>> -> memref<1x640x16xf32, #tpu.memory_space<hbm>>
      %dma_start3A_27 = tpu.memref_squeeze %dma_start3A_26 : memref<1x640x16xf32, #tpu.memory_space<hbm>> -> memref<640x16xf32, #tpu.memory_space<hbm>>
      %dma_start3A_28 = arith.constant 0 : i32
      %dma_start3A_29 = tpu.memref_slice %arg10[%mul3A_25, %dma_start3A_28] : memref<10240x16xf32, #tpu.memory_space<vmem_shared>> -> memref<640x16xf32, #tpu.memory_space<vmem_shared>>
      tpu.enqueue_dma source(%dma_start3A_29 : memref<640x16xf32, #tpu.memory_space<vmem_shared>>) target(%dma_start3A_27 : memref<640x16xf32, #tpu.memory_space<hbm>>) target_semaphore(%run_scoped3A : memref<!tpu.dma_semaphore, #tpu.memory_space<semaphore_mem>>)
      %dma_wait3A = arith.constant 0 : i32
      %dma_wait3A_30 = tpu.memref_slice %arg5[%arg0, %mul3A_25, %dma_wait3A] : memref<2x10240x16xf32, #tpu.memory_space<hbm>> -> memref<1x640x16xf32, #tpu.memory_space<hbm>>
      %dma_wait3A_31 = tpu.memref_squeeze %dma_wait3A_30 : memref<1x640x16xf32, #tpu.memory_space<hbm>> -> memref<640x16xf32, #tpu.memory_space<hbm>>
      %dma_wait3A_32 = arith.constant 0 : i32
      %dma_wait3A_33 = tpu.memref_slice %arg10[%mul3A_25, %dma_wait3A_32] : memref<10240x16xf32, #tpu.memory_space<vmem_shared>> -> memref<640x16xf32, #tpu.memory_space<vmem_shared>>
      tpu.wait_dma2 semaphore(%run_scoped3A : memref<!tpu.dma_semaphore, #tpu.memory_space<semaphore_mem>>) src(%dma_wait3A_33 : memref<640x16xf32, #tpu.memory_space<vmem_shared>>) dst(%dma_wait3A_31 : memref<640x16xf32, #tpu.memory_space<hbm>>)
      tpu.yield
    }) : () -> ()
    return
  }
}

#map = affine_map<(d0, d1) -> (0, 0)>
#map1 = affine_map<(d0, d1) -> (0, 0, 0)>
module attributes {stable_mosaic.version = 14 : i64} {
  func.func @_kthin_body(%arg0: i32, %arg1: i32, %arg2: memref<2528x128xi32, #tpu.memory_space<hbm>>, %arg3: memref<2528x128xi32, #tpu.memory_space<hbm>>, %arg4: memref<10240x16xf32, #tpu.memory_space<hbm>>, %arg5: memref<2x10240x16xf32, #tpu.memory_space<hbm>>, %arg6: memref<79x128xi32, #tpu.memory_space<vmem>>, %arg7: memref<79x128xi32, #tpu.memory_space<vmem>>, %arg8: memref<128x16xf32, #tpu.memory_space<vmem>>, %arg9: memref<640x16xf32, #tpu.memory_space<vmem>>, %arg10: memref<10240x16xf32, #tpu.memory_space<vmem_shared>>, %arg11: memref<!tpu.dma_semaphore, #tpu.memory_space<semaphore_mem>>) attributes {dimension_semantics = [#tpu.dimension_semantics<core_parallel>, #tpu.dimension_semantics<subcore_parallel>], iteration_bounds = array<i64: 2, 16>, scalar_prefetch = 0 : i64, scratch_operands = 6 : i64, tpu.core_type = #tpu.core_type<sc_vector_subcore>, window_params = [{transform_indices = #map}, {transform_indices = #map}, {transform_indices = #map}, {transform_indices = #map1}]} {
    %mul3A = arith.constant 16 : i32
    %mul3A_0 = arith.muli %arg0, %mul3A : i32
    %add3A = arith.addi %mul3A_0, %arg1 : i32
    %broadcast_in_dim3A = arith.constant 0.000000e+00 : f32
    %broadcast_in_dim3A_1 = vector.broadcast %broadcast_in_dim3A : f32 to vector<16xf32>
    %scan3A = arith.constant 0 : i32
    %scan3A_2 = arith.constant 0 : i32
    %scan3A_3 = arith.constant 640 : i32
    %scan3A_4 = arith.addi %scan3A_2, %scan3A_3 : i32
    %scan3A_5 = arith.constant 1 : i32
    %scan3A_6 = scf.for %scan3A_26 = %scan3A_2 to %scan3A_4 step %scan3A_5 iter_args(%scan3A_27 = %scan3A) -> (i32)  : i32 {
      %swap3A = arith.index_cast %scan3A_26 : i32 to index
      %swap3A_28 = arith.constant 0 : index
      %swap3A_29 = tpu.vector_load %arg9[%swap3A, %swap3A_28] {strides = array<i32>} : memref<640x16xf32, #tpu.memory_space<vmem>>, vector<1x16xf32>,
      %swap3A_30 = vector.shape_cast %swap3A_29 : vector<1x16xf32> to vector<16xf32>
      %swap3A_31 = vector.shape_cast %broadcast_in_dim3A_1 : vector<16xf32> to vector<1x16xf32>
      tpu.vector_store %arg9[%swap3A, %swap3A_28], %swap3A_31 {strides = array<i32>} : memref<640x16xf32, #tpu.memory_space<vmem>>, vector<1x16xf32>,
      %scan3A_32 = arith.constant 0 : i32
      scf.yield %scan3A_32 : i32
    }
    %scan3A_7 = arith.constant 640 : i32
    %mul3A_8 = arith.constant 640 : i32
    %mul3A_9 = arith.muli %arg1, %mul3A_8 : i32
    "tpu.region"() ({
      %run_scoped3A = tpu.sem_alloc : memref<!tpu.dma_semaphore, #tpu.memory_space<semaphore_mem>>
      %dma_start3A = arith.constant 0 : i32
      %dma_start3A_26 = tpu.memref_slice %arg10[%mul3A_9, %dma_start3A] : memref<10240x16xf32, #tpu.memory_space<vmem_shared>> -> memref<640x16xf32, #tpu.memory_space<vmem_shared>>
      %dma_start3A_27 = arith.constant 0 : i32
      %dma_start3A_28 = tpu.memref_slice %arg10[%mul3A_9, %dma_start3A_27] : memref<10240x16xf32, #tpu.memory_space<vmem_shared>> -> memref<640x16xf32, #tpu.memory_space<vmem_shared>>
      tpu.enqueue_dma source(%arg9 : memref<640x16xf32, #tpu.memory_space<vmem>>) target(%dma_start3A_28 : memref<640x16xf32, #tpu.memory_space<vmem_shared>>) target_semaphore(%run_scoped3A : memref<!tpu.dma_semaphore, #tpu.memory_space<semaphore_mem>>)
      %dma_wait3A = arith.constant 0 : i32
      %dma_wait3A_29 = tpu.memref_slice %arg10[%mul3A_9, %dma_wait3A] : memref<10240x16xf32, #tpu.memory_space<vmem_shared>> -> memref<640x16xf32, #tpu.memory_space<vmem_shared>>
      %dma_wait3A_30 = arith.constant 0 : i32
      %dma_wait3A_31 = tpu.memref_slice %arg10[%mul3A_9, %dma_wait3A_30] : memref<10240x16xf32, #tpu.memory_space<vmem_shared>> -> memref<640x16xf32, #tpu.memory_space<vmem_shared>>
      tpu.wait_dma2 semaphore(%run_scoped3A : memref<!tpu.dma_semaphore, #tpu.memory_space<semaphore_mem>>) src(%arg9 : memref<640x16xf32, #tpu.memory_space<vmem>>) dst(%dma_wait3A_31 : memref<640x16xf32, #tpu.memory_space<vmem_shared>>)
      tpu.yield
    }) : () -> ()
    %barrier3A = arith.constant 0 : index
    tpu.barrier barrier_id(%barrier3A)
    %mul3A_10 = arith.constant 79 : i32
    %mul3A_11 = arith.muli %add3A, %mul3A_10 : i32
    "tpu.region"() ({
      %run_scoped3A = tpu.sem_alloc : memref<!tpu.dma_semaphore, #tpu.memory_space<semaphore_mem>>
      %dma_start3A = arith.constant 0 : i32
      %dma_start3A_26 = tpu.memref_slice %arg2[%mul3A_11, %dma_start3A] : memref<2528x128xi32, #tpu.memory_space<hbm>> -> memref<79x128xi32, #tpu.memory_space<hbm>>
      %dma_start3A_27 = arith.constant 0 : i32
      %dma_start3A_28 = tpu.memref_slice %arg2[%mul3A_11, %dma_start3A_27] : memref<2528x128xi32, #tpu.memory_space<hbm>> -> memref<79x128xi32, #tpu.memory_space<hbm>>
      tpu.enqueue_dma source(%dma_start3A_28 : memref<79x128xi32, #tpu.memory_space<hbm>>) target(%arg6 : memref<79x128xi32, #tpu.memory_space<vmem>>) target_semaphore(%run_scoped3A : memref<!tpu.dma_semaphore, #tpu.memory_space<semaphore_mem>>)
      %dma_wait3A = arith.constant 0 : i32
      %dma_wait3A_29 = tpu.memref_slice %arg2[%mul3A_11, %dma_wait3A] : memref<2528x128xi32, #tpu.memory_space<hbm>> -> memref<79x128xi32, #tpu.memory_space<hbm>>
      %dma_wait3A_30 = arith.constant 0 : i32
      %dma_wait3A_31 = tpu.memref_slice %arg2[%mul3A_11, %dma_wait3A_30] : memref<2528x128xi32, #tpu.memory_space<hbm>> -> memref<79x128xi32, #tpu.memory_space<hbm>>
      tpu.wait_dma2 semaphore(%run_scoped3A : memref<!tpu.dma_semaphore, #tpu.memory_space<semaphore_mem>>) src(%dma_wait3A_31 : memref<79x128xi32, #tpu.memory_space<hbm>>) dst(%arg6 : memref<79x128xi32, #tpu.memory_space<vmem>>)
      tpu.yield
    }) : () -> ()
    %mul3A_12 = arith.constant 79 : i32
    %mul3A_13 = arith.muli %add3A, %mul3A_12 : i32
    "tpu.region"() ({
      %run_scoped3A = tpu.sem_alloc : memref<!tpu.dma_semaphore, #tpu.memory_space<semaphore_mem>>
      %dma_start3A = arith.constant 0 : i32
      %dma_start3A_26 = tpu.memref_slice %arg3[%mul3A_13, %dma_start3A] : memref<2528x128xi32, #tpu.memory_space<hbm>> -> memref<79x128xi32, #tpu.memory_space<hbm>>
      %dma_start3A_27 = arith.constant 0 : i32
      %dma_start3A_28 = tpu.memref_slice %arg3[%mul3A_13, %dma_start3A_27] : memref<2528x128xi32, #tpu.memory_space<hbm>> -> memref<79x128xi32, #tpu.memory_space<hbm>>
      tpu.enqueue_dma source(%dma_start3A_28 : memref<79x128xi32, #tpu.memory_space<hbm>>) target(%arg7 : memref<79x128xi32, #tpu.memory_space<vmem>>) target_semaphore(%run_scoped3A : memref<!tpu.dma_semaphore, #tpu.memory_space<semaphore_mem>>)
      %dma_wait3A = arith.constant 0 : i32
      %dma_wait3A_29 = tpu.memref_slice %arg3[%mul3A_13, %dma_wait3A] : memref<2528x128xi32, #tpu.memory_space<hbm>> -> memref<79x128xi32, #tpu.memory_space<hbm>>
      %dma_wait3A_30 = arith.constant 0 : i32
      %dma_wait3A_31 = tpu.memref_slice %arg3[%mul3A_13, %dma_wait3A_30] : memref<2528x128xi32, #tpu.memory_space<hbm>> -> memref<79x128xi32, #tpu.memory_space<hbm>>
      tpu.wait_dma2 semaphore(%run_scoped3A : memref<!tpu.dma_semaphore, #tpu.memory_space<semaphore_mem>>) src(%dma_wait3A_31 : memref<79x128xi32, #tpu.memory_space<hbm>>) dst(%arg7 : memref<79x128xi32, #tpu.memory_space<vmem>>)
      tpu.yield
    }) : () -> ()
    %mul3A_14 = arith.constant 10112 : i32
    %mul3A_15 = arith.muli %add3A, %mul3A_14 : i32
    %scan3A_16 = arith.constant 0 : i32
    %scan3A_17 = arith.constant 0 : i32
    %scan3A_18 = arith.constant 79 : i32
    %scan3A_19 = arith.addi %scan3A_17, %scan3A_18 : i32
    %scan3A_20 = arith.constant 1 : i32
    %scan3A_21 = scf.for %scan3A_26 = %scan3A_17 to %scan3A_19 step %scan3A_20 iter_args(%scan3A_27 = %scan3A_16) -> (i32)  : i32 {
      %dma_start3A = arith.constant 0 : i32
      %dma_start3A_28 = tpu.memref_slice %arg6[%scan3A_26, %dma_start3A] : memref<79x128xi32, #tpu.memory_space<vmem>> -> memref<1x128xi32, #tpu.memory_space<vmem>>
      %dma_start3A_29 = tpu.memref_squeeze %dma_start3A_28 : memref<1x128xi32, #tpu.memory_space<vmem>> -> memref<128xi32, #tpu.memory_space<vmem>>
      %dma_start3A_30 = arith.constant 0 : i32
      %dma_start3A_31 = arith.constant 0 : i32
      %dma_start3A_32 = tpu.memref_slice %arg4[%dma_start3A_30, %dma_start3A_31] : memref<10240x16xf32, #tpu.memory_space<hbm>> -> memref<10240x16xf32, #tpu.memory_space<hbm>>
      tpu.enqueue_indirect_dma source(%dma_start3A_32 : memref<10240x16xf32, #tpu.memory_space<hbm>>) target(%arg8 : memref<128x16xf32, #tpu.memory_space<vmem>>) offsets(%dma_start3A_29 : memref<128xi32, #tpu.memory_space<vmem>>) semaphore(%arg11 : memref<!tpu.dma_semaphore, #tpu.memory_space<semaphore_mem>>)
      %dma_wait3A = arith.constant 0 : i32
      %dma_wait3A_33 = tpu.memref_slice %arg6[%scan3A_26, %dma_wait3A] : memref<79x128xi32, #tpu.memory_space<vmem>> -> memref<1x128xi32, #tpu.memory_space<vmem>>
      %dma_wait3A_34 = tpu.memref_squeeze %dma_wait3A_33 : memref<1x128xi32, #tpu.memory_space<vmem>> -> memref<128xi32, #tpu.memory_space<vmem>>
      %dma_wait3A_35 = arith.constant 0 : i32
      %dma_wait3A_36 = arith.constant 0 : i32
      %dma_wait3A_37 = tpu.memref_slice %arg4[%dma_wait3A_35, %dma_wait3A_36] : memref<10240x16xf32, #tpu.memory_space<hbm>> -> memref<10240x16xf32, #tpu.memory_space<hbm>>
      tpu.wait_indirect_dma semaphore(%arg11 : memref<!tpu.dma_semaphore, #tpu.memory_space<semaphore_mem>>) src(%dma_wait3A_37 : memref<10240x16xf32, #tpu.memory_space<hbm>>) dst(%arg8 : memref<128x16xf32, #tpu.memory_space<vmem>>)
      "tpu.region"() ({
        %run_scoped3A = tpu.sem_alloc : memref<!tpu.dma_semaphore, #tpu.memory_space<semaphore_mem>>
        %dma_start3A_39 = arith.constant 0 : i32
        %dma_start3A_40 = tpu.memref_slice %arg7[%scan3A_26, %dma_start3A_39] : memref<79x128xi32, #tpu.memory_space<vmem>> -> memref<1x128xi32, #tpu.memory_space<vmem>>
        %dma_start3A_41 = tpu.memref_squeeze %dma_start3A_40 : memref<1x128xi32, #tpu.memory_space<vmem>> -> memref<128xi32, #tpu.memory_space<vmem>>
        %dma_start3A_42 = arith.constant 0 : i32
        %dma_start3A_43 = arith.constant 0 : i32
        %dma_start3A_44 = tpu.memref_slice %arg10[%dma_start3A_42, %dma_start3A_43] : memref<10240x16xf32, #tpu.memory_space<vmem_shared>> -> memref<10240x16xf32, #tpu.memory_space<vmem_shared>>
        tpu.enqueue_indirect_dma source(%arg8 : memref<128x16xf32, #tpu.memory_space<vmem>>) target(%dma_start3A_44 : memref<10240x16xf32, #tpu.memory_space<vmem_shared>>) offsets(%dma_start3A_41 : memref<128xi32, #tpu.memory_space<vmem>>) semaphore(%run_scoped3A : memref<!tpu.dma_semaphore, #tpu.memory_space<semaphore_mem>>) {add = true}
        %dma_wait3A_45 = arith.constant 0 : i32
        %dma_wait3A_46 = tpu.memref_slice %arg7[%scan3A_26, %dma_wait3A_45] : memref<79x128xi32, #tpu.memory_space<vmem>> -> memref<1x128xi32, #tpu.memory_space<vmem>>
        %dma_wait3A_47 = tpu.memref_squeeze %dma_wait3A_46 : memref<1x128xi32, #tpu.memory_space<vmem>> -> memref<128xi32, #tpu.memory_space<vmem>>
        %dma_wait3A_48 = arith.constant 0 : i32
        %dma_wait3A_49 = arith.constant 0 : i32
        %dma_wait3A_50 = tpu.memref_slice %arg10[%dma_wait3A_48, %dma_wait3A_49] : memref<10240x16xf32, #tpu.memory_space<vmem_shared>> -> memref<10240x16xf32, #tpu.memory_space<vmem_shared>>
        tpu.wait_indirect_dma semaphore(%run_scoped3A : memref<!tpu.dma_semaphore, #tpu.memory_space<semaphore_mem>>) src(%arg8 : memref<128x16xf32, #tpu.memory_space<vmem>>) dst(%dma_wait3A_50 : memref<10240x16xf32, #tpu.memory_space<vmem_shared>>)
        tpu.yield
      }) : () -> ()
      %scan3A_38 = arith.constant 0 : i32
      scf.yield %scan3A_38 : i32
    }
    %scan3A_22 = arith.constant 79 : i32
    %barrier3A_23 = arith.constant 0 : index
    tpu.barrier barrier_id(%barrier3A_23)
    %mul3A_24 = arith.constant 640 : i32
    %mul3A_25 = arith.muli %arg1, %mul3A_24 : i32
    "tpu.region"() ({
      %run_scoped3A = tpu.sem_alloc : memref<!tpu.dma_semaphore, #tpu.memory_space<semaphore_mem>>
      %dma_start3A = arith.constant 0 : i32
      %dma_start3A_26 = tpu.memref_slice %arg5[%arg0, %mul3A_25, %dma_start3A] : memref<2x10240x16xf32, #tpu.memory_space<hbm>> -> memref<1x640x16xf32, #tpu.memory_space<hbm>>
      %dma_start3A_27 = tpu.memref_squeeze %dma_start3A_26 : memref<1x640x16xf32, #tpu.memory_space<hbm>> -> memref<640x16xf32, #tpu.memory_space<hbm>>
      %dma_start3A_28 = arith.constant 0 : i32
      %dma_start3A_29 = tpu.memref_slice %arg10[%mul3A_25, %dma_start3A_28] : memref<10240x16xf32, #tpu.memory_space<vmem_shared>> -> memref<640x16xf32, #tpu.memory_space<vmem_shared>>
      tpu.enqueue_dma source(%dma_start3A_29 : memref<640x16xf32, #tpu.memory_space<vmem_shared>>) target(%dma_start3A_27 : memref<640x16xf32, #tpu.memory_space<hbm>>) target_semaphore(%run_scoped3A : memref<!tpu.dma_semaphore, #tpu.memory_space<semaphore_mem>>)
      %dma_wait3A = arith.constant 0 : i32
      %dma_wait3A_30 = tpu.memref_slice %arg5[%arg0, %mul3A_25, %dma_wait3A] : memref<2x10240x16xf32, #tpu.memory_space<hbm>> -> memref<1x640x16xf32, #tpu.memory_space<hbm>>
      %dma_wait3A_31 = tpu.memref_squeeze %dma_wait3A_30 : memref<1x640x16xf32, #tpu.memory_space<hbm>> -> memref<640x16xf32, #tpu.memory_space<hbm>>
      %dma_wait3A_32 = arith.constant 0 : i32
      %dma_wait3A_33 = tpu.memref_slice %arg10[%mul3A_25, %dma_wait3A_32] : memref<10240x16xf32, #tpu.memory_space<vmem_shared>> -> memref<640x16xf32, #tpu.memory_space<vmem_shared>>
      tpu.wait_dma2 semaphore(%run_scoped3A : memref<!tpu.dma_semaphore, #tpu.memory_space<semaphore_mem>>) src(%dma_wait3A_33 : memref<640x16xf32, #tpu.memory_space<vmem_shared>>) dst(%dma_wait3A_31 : memref<640x16xf32, #tpu.memory_space<hbm>>)
      tpu.yield
    }) : () -> ()
    return
  }
}

module attributes {stable_mosaic.version = 14 : i64} {
  func.func @_k1_body(%arg0: memref<10240x128xf32, #tpu.memory_space<vmem>>, %arg1: memref<128x128xf32, #tpu.memory_space<vmem>>, %arg2: memref<128x16xf32, #tpu.memory_space<vmem>>, %arg3: memref<128x16xf32, #tpu.memory_space<vmem>>, %arg4: memref<10240x128xf32, #tpu.memory_space<vmem>>, %arg5: memref<10240x16xf32, #tpu.memory_space<vmem>>, %arg6: memref<10240x16xf32, #tpu.memory_space<vmem>>, %arg7: memref<8x16xf32, #tpu.memory_space<vmem>>) attributes {dimension_semantics = [], scalar_prefetch = 0 : i64, scratch_operands = 0 : i64, tpu.core_type = #tpu.core_type<tc>} {
    %get3A = arith.constant 0 : index
    %get3A_0 = arith.constant 0 : index
    %get3A_1 = vector.load %arg0[%get3A, %get3A_0] : memref<10240x128xf32, #tpu.memory_space<vmem>>, vector<10240x128xf32>
    %get3A_2 = arith.constant 0 : index
    %get3A_3 = arith.constant 0 : index
    %get3A_4 = vector.load %arg1[%get3A_2, %get3A_3] : memref<128x128xf32, #tpu.memory_space<vmem>>, vector<128x128xf32>
    %dot_general3A = arith.constant dense<0.000000e+00> : vector<10240x128xf32>
    %dot_general3A_5 = tpu.matmul %get3A_1, %get3A_4, %dot_general3A {dimension_numbers = #tpu.dot_dimension_numbers<[1], [0], [0], [1], [0, 0, 1, 1], [], []>, transpose_lhs_hint = false} : vector<10240x128xf32>, vector<128x128xf32>, vector<10240x128xf32> -> vector<10240x128xf32>
    %swap3A = arith.constant 0 : index
    %swap3A_6 = arith.constant 0 : index
    %swap3A_7 = vector.load %arg4[%swap3A, %swap3A_6] : memref<10240x128xf32, #tpu.memory_space<vmem>>, vector<10240x128xf32>
    tpu.vector_store %arg4[%swap3A, %swap3A_6], %dot_general3A_5 {strides = array<i32>} : memref<10240x128xf32, #tpu.memory_space<vmem>>, vector<10240x128xf32>,
    %get3A_8 = arith.constant 0 : index
    %get3A_9 = arith.constant 0 : index
    %get3A_10 = vector.load %arg2[%get3A_8, %get3A_9] : memref<128x16xf32, #tpu.memory_space<vmem>>, vector<128x16xf32>
    %dot_general3A_11 = arith.constant dense<0.000000e+00> : vector<10240x16xf32>
    %dot_general3A_12 = tpu.matmul %dot_general3A_5, %get3A_10, %dot_general3A_11 {dimension_numbers = #tpu.dot_dimension_numbers<[1], [0], [0], [1], [0, 0, 1, 1], [], []>, transpose_lhs_hint = false} : vector<10240x128xf32>, vector<128x16xf32>, vector<10240x16xf32> -> vector<10240x16xf32>
    %get3A_13 = arith.constant 0 : index
    %get3A_14 = arith.constant 0 : index
    %get3A_15 = vector.load %arg3[%get3A_13, %get3A_14] : memref<128x16xf32, #tpu.memory_space<vmem>>, vector<128x16xf32>
    %dot_general3A_16 = arith.constant dense<0.000000e+00> : vector<10240x16xf32>
    %dot_general3A_17 = tpu.matmul %dot_general3A_5, %get3A_15, %dot_general3A_16 {dimension_numbers = #tpu.dot_dimension_numbers<[1], [0], [0], [1], [0, 0, 1, 1], [], []>, transpose_lhs_hint = false} : vector<10240x128xf32>, vector<128x16xf32>, vector<10240x16xf32> -> vector<10240x16xf32>
    %swap3A_18 = arith.constant 0 : index
    %swap3A_19 = arith.constant 0 : index
    %swap3A_20 = vector.load %arg5[%swap3A_18, %swap3A_19] : memref<10240x16xf32, #tpu.memory_space<vmem>>, vector<10240x16xf32>
    tpu.vector_store %arg5[%swap3A_18, %swap3A_19], %dot_general3A_12 {strides = array<i32>} : memref<10240x16xf32, #tpu.memory_space<vmem>>, vector<10240x16xf32>,
    %swap3A_21 = arith.constant 0 : index
    %swap3A_22 = arith.constant 0 : index
    %swap3A_23 = vector.load %arg6[%swap3A_21, %swap3A_22] : memref<10240x16xf32, #tpu.memory_space<vmem>>, vector<10240x16xf32>
    tpu.vector_store %arg6[%swap3A_21, %swap3A_22], %dot_general3A_17 {strides = array<i32>} : memref<10240x16xf32, #tpu.memory_space<vmem>>, vector<10240x16xf32>,
    %reduce_max3A = arith.constant dense<0xFF800000> : vector<16xf32>
    %reduce_max3A_24 = vector.multi_reduction <maximumf>, %dot_general3A_12, %reduce_max3A [0] : vector<10240x16xf32> to vector<16xf32>
    %reduce_max3A_25 = arith.constant dense<0xFF800000> : vector<16xf32>
    %reduce_max3A_26 = vector.multi_reduction <maximumf>, %dot_general3A_17, %reduce_max3A_25 [0] : vector<10240x16xf32> to vector<16xf32>
    %add3A = arith.addf %reduce_max3A_24, %reduce_max3A_26 : vector<16xf32>
    %mul3A = arith.constant 2.000000e-01 : f32
    %mul3A_27 = vector.broadcast %mul3A : f32 to vector<16xf32>
    %mul3A_28 = arith.mulf %mul3A_27, %add3A : vector<16xf32>
    %max3A = arith.maximumf %add3A, %mul3A_28 : vector<16xf32>
    %broadcast_in_dim3A = vector.shape_cast %max3A : vector<16xf32> to vector<1x16xf32>
    %broadcast_in_dim3A_29 = vector.shape_cast %broadcast_in_dim3A : vector<1x16xf32> to vector<1x16xf32>
    %broadcast_in_dim3A_30 = vector.broadcast %broadcast_in_dim3A_29 : vector<1x16xf32> to vector<8x16xf32>
    %swap3A_31 = arith.constant 0 : index
    %swap3A_32 = arith.constant 0 : index
    %swap3A_33 = vector.load %arg7[%swap3A_31, %swap3A_32] : memref<8x16xf32, #tpu.memory_space<vmem>>, vector<8x16xf32>
    tpu.vector_store %arg7[%swap3A_31, %swap3A_32], %broadcast_in_dim3A_30 {strides = array<i32>} : memref<8x16xf32, #tpu.memory_space<vmem>>, vector<8x16xf32>,
    return
  }
}

module attributes {stable_mosaic.version = 14 : i64} {
  func.func @_k3_body(%arg0: i32, %arg1: memref<2x2048x16xf32, #tpu.memory_space<vmem>>, %arg2: memref<2x2048x16xf32, #tpu.memory_space<vmem>>, %arg3: memref<2048x16xf32, #tpu.memory_space<vmem>>, %arg4: memref<2048x128xf32, #tpu.memory_space<vmem>>, %arg5: memref<2048x128xf32, #tpu.memory_space<vmem>>) attributes {dimension_semantics = [#tpu.dimension_semantics<arbitrary>], iteration_bounds = array<i64: 5>, scalar_prefetch = 0 : i64, scratch_operands = 0 : i64, tpu.core_type = #tpu.core_type<tc>, window_params = [{transform_indices = @transform_0, window_bounds = array<i64: 2, 2048, 16>}, {transform_indices = @transform_1, window_bounds = array<i64: 2, 2048, 16>}, {transform_indices = @transform_2, window_bounds = array<i64: 2048, 16>}, {transform_indices = @transform_3, window_bounds = array<i64: 2048, 128>}, {transform_indices = @transform_4, window_bounds = array<i64: 2048, 128>}]} {
    %get3A = arith.constant 0 : index
    %get3A_0 = arith.constant 0 : index
    %get3A_1 = arith.constant 0 : index
    %get3A_2 = vector.load %arg1[%get3A, %get3A_0, %get3A_1] : memref<2x2048x16xf32, #tpu.memory_space<vmem>>, vector<1x2048x16xf32>
    %get3A_3 = vector.shape_cast %get3A_2 : vector<1x2048x16xf32> to vector<2048x16xf32>
    %get3A_4 = arith.constant 1 : index
    %get3A_5 = arith.constant 0 : index
    %get3A_6 = arith.constant 0 : index
    %get3A_7 = vector.load %arg1[%get3A_4, %get3A_5, %get3A_6] : memref<2x2048x16xf32, #tpu.memory_space<vmem>>, vector<1x2048x16xf32>
    %get3A_8 = vector.shape_cast %get3A_7 : vector<1x2048x16xf32> to vector<2048x16xf32>
    %add3A = arith.addf %get3A_3, %get3A_8 : vector<2048x16xf32>
    %get3A_9 = arith.constant 0 : index
    %get3A_10 = arith.constant 0 : index
    %get3A_11 = arith.constant 0 : index
    %get3A_12 = vector.load %arg2[%get3A_9, %get3A_10, %get3A_11] : memref<2x2048x16xf32, #tpu.memory_space<vmem>>, vector<1x2048x16xf32>
    %get3A_13 = vector.shape_cast %get3A_12 : vector<1x2048x16xf32> to vector<2048x16xf32>
    %get3A_14 = arith.constant 1 : index
    %get3A_15 = arith.constant 0 : index
    %get3A_16 = arith.constant 0 : index
    %get3A_17 = vector.load %arg2[%get3A_14, %get3A_15, %get3A_16] : memref<2x2048x16xf32, #tpu.memory_space<vmem>>, vector<1x2048x16xf32>
    %get3A_18 = vector.shape_cast %get3A_17 : vector<1x2048x16xf32> to vector<2048x16xf32>
    %add3A_19 = arith.addf %get3A_13, %get3A_18 : vector<2048x16xf32>
    %slice3A = vector.extract_strided_slice %add3A {offsets = [0, 8], sizes = [2048, 1], strides = [1, 1]} : vector<2048x16xf32> to vector<2048x1xf32>
    %slice3A_20 = vector.extract_strided_slice %add3A_19 {offsets = [0, 0], sizes = [2048, 1], strides = [1, 1]} : vector<2048x16xf32> to vector<2048x1xf32>
    %gt3A = arith.constant 0.000000e+00 : f32
    %gt3A_21 = vector.broadcast %gt3A : f32 to vector<2048x1xf32>
    %gt3A_22 = arith.cmpf ogt, %slice3A, %gt3A_21 : vector<2048x1xf32>
    %div3A = arith.constant 1.000000e+00 : f32
    %div3A_23 = vector.broadcast %div3A : f32 to vector<2048x1xf32>
    %div3A_24 = arith.divf %div3A_23, %slice3A : vector<2048x1xf32>
    %jit3A = arith.constant 0.000000e+00 : f32
    %broadcast_in_dim3A = vector.broadcast %jit3A : f32 to vector<2048x1xf32>
    %select_n3A = arith.select %gt3A_22, %div3A_24, %broadcast_in_dim3A : vector<2048x1xi1>, vector<2048x1xf32>
    %gt3A_25 = arith.constant 0.000000e+00 : f32
    %gt3A_26 = vector.broadcast %gt3A_25 : f32 to vector<2048x1xf32>
    %gt3A_27 = arith.cmpf ogt, %slice3A_20, %gt3A_26 : vector<2048x1xf32>
    %div3A_28 = arith.constant 1.000000e+00 : f32
    %div3A_29 = vector.broadcast %div3A_28 : f32 to vector<2048x1xf32>
    %div3A_30 = arith.divf %div3A_29, %slice3A_20 : vector<2048x1xf32>
    %jit3A_31 = arith.constant 0.000000e+00 : f32
    %broadcast_in_dim3A_32 = vector.broadcast %jit3A_31 : f32 to vector<2048x1xf32>
    %select_n3A_33 = arith.select %gt3A_27, %div3A_30, %broadcast_in_dim3A_32 : vector<2048x1xi1>, vector<2048x1xf32>
    %add3A_34 = arith.constant 1.000000e-16 : f32
    %add3A_35 = vector.broadcast %add3A_34 : f32 to vector<2048x16xf32>
    %add3A_36 = arith.addf %add3A, %add3A_35 : vector<2048x16xf32>
    %div3A_37 = arith.constant 1.000000e+00 : f32
    %div3A_38 = vector.broadcast %div3A_37 : f32 to vector<2048x16xf32>
    %div3A_39 = arith.divf %div3A_38, %add3A_36 : vector<2048x16xf32>
    %iota3A = tpu.iota {dimensions = array<i32: 1>} : vector<2048x16xi32>
    %lt3A = arith.constant 8 : i32
    %lt3A_40 = vector.broadcast %lt3A : i32 to vector<2048x16xi32>
    %lt3A_41 = arith.cmpi slt, %iota3A, %lt3A_40 : vector<2048x16xi32>
    %jit3A_42 = arith.constant 0.000000e+00 : f32
    %broadcast_in_dim3A_43 = vector.broadcast %jit3A_42 : f32 to vector<2048x16xf32>
    %select_n3A_44 = arith.select %lt3A_41, %div3A_39, %broadcast_in_dim3A_43 : vector<2048x16xi1>, vector<2048x16xf32>
    %eq3A = arith.constant 8 : i32
    %eq3A_45 = vector.broadcast %eq3A : i32 to vector<2048x16xi32>
    %eq3A_46 = arith.cmpi eq, %iota3A, %eq3A_45 : vector<2048x16xi32>
    %broadcast_in_dim3A_47 = vector.shape_cast %select_n3A : vector<2048x1xf32> to vector<2048x1xf32>
    %broadcast_in_dim3A_48 = vector.broadcast %broadcast_in_dim3A_47 : vector<2048x1xf32> to vector<2048x16xf32>
    %select_n3A_49 = arith.select %eq3A_46, %broadcast_in_dim3A_48, %select_n3A_44 : vector<2048x16xi1>, vector<2048x16xf32>
    %eq3A_50 = arith.constant 9 : i32
    %eq3A_51 = vector.broadcast %eq3A_50 : i32 to vector<2048x16xi32>
    %eq3A_52 = arith.cmpi eq, %iota3A, %eq3A_51 : vector<2048x16xi32>
    %broadcast_in_dim3A_53 = vector.shape_cast %select_n3A_33 : vector<2048x1xf32> to vector<2048x1xf32>
    %broadcast_in_dim3A_54 = vector.broadcast %broadcast_in_dim3A_53 : vector<2048x1xf32> to vector<2048x16xf32>
    %select_n3A_55 = arith.select %eq3A_52, %broadcast_in_dim3A_54, %select_n3A_49 : vector<2048x16xi1>, vector<2048x16xf32>
    %swap3A = arith.constant 0 : index
    %swap3A_56 = arith.constant 0 : index
    %swap3A_57 = vector.load %arg3[%swap3A, %swap3A_56] : memref<2048x16xf32, #tpu.memory_space<vmem>>, vector<2048x16xf32>
    tpu.vector_store %arg3[%swap3A, %swap3A_56], %select_n3A_55 {strides = array<i32>} : memref<2048x16xf32, #tpu.memory_space<vmem>>, vector<2048x16xf32>,
    %slice3A_58 = vector.extract_strided_slice %div3A_39 {offsets = [0, 0], sizes = [2048, 8], strides = [1, 1]} : vector<2048x16xf32> to vector<2048x8xf32>
    %broadcast_in_dim3A_59 = vector.shape_cast %slice3A_58 : vector<2048x8xf32> to vector<2048x8x1xf32>
    %broadcast_in_dim3A_60 = vector.shape_cast %broadcast_in_dim3A_59 : vector<2048x8x1xf32> to vector<2048x8x1xf32>
    %broadcast_in_dim3A_61 = vector.broadcast %broadcast_in_dim3A_60 : vector<2048x8x1xf32> to vector<2048x8x16xf32>
    %reshape3A = vector.shape_cast %broadcast_in_dim3A_61 : vector<2048x8x16xf32> to vector<2048x128xf32>
    %broadcast_in_dim3A_62 = vector.shape_cast %select_n3A : vector<2048x1xf32> to vector<2048x1xf32>
    %broadcast_in_dim3A_63 = vector.broadcast %broadcast_in_dim3A_62 : vector<2048x1xf32> to vector<2048x128xf32>
    %mul3A = arith.mulf %broadcast_in_dim3A_63, %reshape3A : vector<2048x128xf32>
    %swap3A_64 = arith.constant 0 : index
    %swap3A_65 = arith.constant 0 : index
    %swap3A_66 = vector.load %arg4[%swap3A_64, %swap3A_65] : memref<2048x128xf32, #tpu.memory_space<vmem>>, vector<2048x128xf32>
    tpu.vector_store %arg4[%swap3A_64, %swap3A_65], %mul3A {strides = array<i32>} : memref<2048x128xf32, #tpu.memory_space<vmem>>, vector<2048x128xf32>,
    %broadcast_in_dim3A_67 = vector.shape_cast %select_n3A_33 : vector<2048x1xf32> to vector<2048x1xf32>
    %broadcast_in_dim3A_68 = vector.broadcast %broadcast_in_dim3A_67 : vector<2048x1xf32> to vector<2048x128xf32>
    %swap3A_69 = arith.constant 0 : index
    %swap3A_70 = arith.constant 0 : index
    %swap3A_71 = vector.load %arg5[%swap3A_69, %swap3A_70] : memref<2048x128xf32, #tpu.memory_space<vmem>>, vector<2048x128xf32>
    tpu.vector_store %arg5[%swap3A_69, %swap3A_70], %broadcast_in_dim3A_68 {strides = array<i32>} : memref<2048x128xf32, #tpu.memory_space<vmem>>, vector<2048x128xf32>,
    return
  }
  func.func @transform_0(%arg0: i32) -> (i32, i32, i32) {
    %c0_i32 = arith.constant 0 : i32
    %c0_i32_0 = arith.constant 0 : i32
    %c0_i32_1 = arith.constant 0 : i32
    return %c0_i32, %arg0, %c0_i32_0 : i32, i32, i32
  }
  func.func @transform_1(%arg0: i32) -> (i32, i32, i32) {
    %c0_i32 = arith.constant 0 : i32
    %c0_i32_0 = arith.constant 0 : i32
    %c0_i32_1 = arith.constant 0 : i32
    return %c0_i32, %arg0, %c0_i32_0 : i32, i32, i32
  }
  func.func @transform_2(%arg0: i32) -> (i32, i32) {
    %c0_i32 = arith.constant 0 : i32
    %c0_i32_0 = arith.constant 0 : i32
    return %arg0, %c0_i32 : i32, i32
  }
  func.func @transform_3(%arg0: i32) -> (i32, i32) {
    %c0_i32 = arith.constant 0 : i32
    %c0_i32_0 = arith.constant 0 : i32
    return %arg0, %c0_i32 : i32, i32
  }
  func.func @transform_4(%arg0: i32) -> (i32, i32) {
    %c0_i32 = arith.constant 0 : i32
    %c0_i32_0 = arith.constant 0 : i32
    return %arg0, %c0_i32 : i32, i32
  }
}

module attributes {stable_mosaic.version = 14 : i64} {
  func.func @_k5_body(%arg0: memref<2x10240x128xf32, #tpu.memory_space<vmem>>, %arg1: memref<10240x128xf32, #tpu.memory_space<vmem>>, %arg2: memref<10240x128xf32, #tpu.memory_space<vmem>>) attributes {dimension_semantics = [], scalar_prefetch = 0 : i64, scratch_operands = 0 : i64, tpu.core_type = #tpu.core_type<tc>} {
    %get3A = arith.constant 0 : index
    %get3A_0 = arith.constant 0 : index
    %get3A_1 = arith.constant 0 : index
    %get3A_2 = vector.load %arg0[%get3A, %get3A_0, %get3A_1] : memref<2x10240x128xf32, #tpu.memory_space<vmem>>, vector<1x10240x128xf32>
    %get3A_3 = vector.shape_cast %get3A_2 : vector<1x10240x128xf32> to vector<10240x128xf32>
    %get3A_4 = arith.constant 1 : index
    %get3A_5 = arith.constant 0 : index
    %get3A_6 = arith.constant 0 : index
    %get3A_7 = vector.load %arg0[%get3A_4, %get3A_5, %get3A_6] : memref<2x10240x128xf32, #tpu.memory_space<vmem>>, vector<1x10240x128xf32>
    %get3A_8 = vector.shape_cast %get3A_7 : vector<1x10240x128xf32> to vector<10240x128xf32>
    %add3A = arith.addf %get3A_3, %get3A_8 : vector<10240x128xf32>
    %get3A_9 = arith.constant 0 : index
    %get3A_10 = arith.constant 0 : index
    %get3A_11 = vector.load %arg1[%get3A_9, %get3A_10] : memref<10240x128xf32, #tpu.memory_space<vmem>>, vector<10240x128xf32>
    %mul3A = arith.mulf %add3A, %get3A_11 : vector<10240x128xf32>
    %swap3A = arith.constant 0 : index
    %swap3A_12 = arith.constant 0 : index
    %swap3A_13 = vector.load %arg2[%swap3A, %swap3A_12] : memref<10240x128xf32, #tpu.memory_space<vmem>>, vector<10240x128xf32>
    tpu.vector_store %arg2[%swap3A, %swap3A_12], %mul3A {strides = array<i32>} : memref<10240x128xf32, #tpu.memory_space<vmem>>, vector<10240x128xf32>,
    return
  }
}

module attributes {stable_mosaic.version = 14 : i64} {
  func.func @_k7_body(%arg0: memref<2x10240x128xf32, #tpu.memory_space<vmem>>, %arg1: memref<10240x128xf32, #tpu.memory_space<vmem>>, %arg2: memref<1x128xf32, #tpu.memory_space<vmem>>, %arg3: memref<128x16xf32, #tpu.memory_space<vmem>>, %arg4: memref<10240x16xf32, #tpu.memory_space<vmem>>) attributes {dimension_semantics = [], scalar_prefetch = 0 : i64, scratch_operands = 0 : i64, tpu.core_type = #tpu.core_type<tc>} {
    %get3A = arith.constant 0 : index
    %get3A_0 = arith.constant 0 : index
    %get3A_1 = arith.constant 0 : index
    %get3A_2 = vector.load %arg0[%get3A, %get3A_0, %get3A_1] : memref<2x10240x128xf32, #tpu.memory_space<vmem>>, vector<1x10240x128xf32>
    %get3A_3 = vector.shape_cast %get3A_2 : vector<1x10240x128xf32> to vector<10240x128xf32>
    %get3A_4 = arith.constant 1 : index
    %get3A_5 = arith.constant 0 : index
    %get3A_6 = arith.constant 0 : index
    %get3A_7 = vector.load %arg0[%get3A_4, %get3A_5, %get3A_6] : memref<2x10240x128xf32, #tpu.memory_space<vmem>>, vector<1x10240x128xf32>
    %get3A_8 = vector.shape_cast %get3A_7 : vector<1x10240x128xf32> to vector<10240x128xf32>
    %add3A = arith.addf %get3A_3, %get3A_8 : vector<10240x128xf32>
    %get3A_9 = arith.constant 0 : index
    %get3A_10 = arith.constant 0 : index
    %get3A_11 = vector.load %arg1[%get3A_9, %get3A_10] : memref<10240x128xf32, #tpu.memory_space<vmem>>, vector<10240x128xf32>
    %mul3A = arith.mulf %add3A, %get3A_11 : vector<10240x128xf32>
    %get3A_12 = arith.constant 0 : index
    %get3A_13 = arith.constant 0 : index
    %get3A_14 = vector.load %arg2[%get3A_12, %get3A_13] : memref<1x128xf32, #tpu.memory_space<vmem>>, vector<1x128xf32>
    %add3A_15 = vector.broadcast %get3A_14 : vector<1x128xf32> to vector<10240x128xf32>
    %add3A_16 = arith.addf %mul3A, %add3A_15 : vector<10240x128xf32>
    %gt3A = arith.constant 0.000000e+00 : f32
    %gt3A_17 = vector.broadcast %gt3A : f32 to vector<10240x128xf32>
    %gt3A_18 = arith.cmpf ogt, %add3A_16, %gt3A_17 : vector<10240x128xf32>
    %exp3A = math.exp %add3A_16 : vector<10240x128xf32>
    %sub3A = arith.constant 1.000000e+00 : f32
    %sub3A_19 = vector.broadcast %sub3A : f32 to vector<10240x128xf32>
    %sub3A_20 = arith.subf %exp3A, %sub3A_19 : vector<10240x128xf32>
    %select_n3A = arith.select %gt3A_18, %add3A_16, %sub3A_20 : vector<10240x128xi1>, vector<10240x128xf32>
    %get3A_21 = arith.constant 0 : index
    %get3A_22 = arith.constant 0 : index
    %get3A_23 = vector.load %arg3[%get3A_21, %get3A_22] : memref<128x16xf32, #tpu.memory_space<vmem>>, vector<128x16xf32>
    %dot_general3A = arith.constant dense<0.000000e+00> : vector<10240x16xf32>
    %dot_general3A_24 = tpu.matmul %select_n3A, %get3A_23, %dot_general3A {dimension_numbers = #tpu.dot_dimension_numbers<[1], [0], [0], [1], [0, 0, 1, 1], [], []>, transpose_lhs_hint = false} : vector<10240x128xf32>, vector<128x16xf32>, vector<10240x16xf32> -> vector<10240x16xf32>
    %swap3A = arith.constant 0 : index
    %swap3A_25 = arith.constant 0 : index
    %swap3A_26 = vector.load %arg4[%swap3A, %swap3A_25] : memref<10240x16xf32, #tpu.memory_space<vmem>>, vector<10240x16xf32>
    tpu.vector_store %arg4[%swap3A, %swap3A_25], %dot_general3A_24 {strides = array<i32>} : memref<10240x16xf32, #tpu.memory_space<vmem>>, vector<10240x16xf32>,
    return
  }
}

module attributes {stable_mosaic.version = 14 : i64} {
  func.func @_k9_body(%arg0: memref<2x10240x16xf32, #tpu.memory_space<vmem>>, %arg1: memref<10240x16xf32, #tpu.memory_space<vmem>>, %arg2: memref<10240x16xf32, #tpu.memory_space<vmem>>) attributes {dimension_semantics = [], scalar_prefetch = 0 : i64, scratch_operands = 0 : i64, tpu.core_type = #tpu.core_type<tc>} {
    %get3A = arith.constant 0 : index
    %get3A_0 = arith.constant 9 : index
    %get3A_1 = vector.load %arg1[%get3A, %get3A_0] : memref<10240x16xf32, #tpu.memory_space<vmem>>, vector<10240x1xf32>
    %get3A_2 = arith.constant 0 : index
    %get3A_3 = arith.constant 0 : index
    %get3A_4 = arith.constant 0 : index
    %get3A_5 = vector.load %arg0[%get3A_2, %get3A_3, %get3A_4] : memref<2x10240x16xf32, #tpu.memory_space<vmem>>, vector<1x10240x16xf32>
    %get3A_6 = vector.shape_cast %get3A_5 : vector<1x10240x16xf32> to vector<10240x16xf32>
    %get3A_7 = arith.constant 1 : index
    %get3A_8 = arith.constant 0 : index
    %get3A_9 = arith.constant 0 : index
    %get3A_10 = vector.load %arg0[%get3A_7, %get3A_8, %get3A_9] : memref<2x10240x16xf32, #tpu.memory_space<vmem>>, vector<1x10240x16xf32>
    %get3A_11 = vector.shape_cast %get3A_10 : vector<1x10240x16xf32> to vector<10240x16xf32>
    %add3A = arith.addf %get3A_6, %get3A_11 : vector<10240x16xf32>
    %broadcast_in_dim3A = vector.shape_cast %get3A_1 : vector<10240x1xf32> to vector<10240x1xf32>
    %broadcast_in_dim3A_12 = vector.broadcast %broadcast_in_dim3A : vector<10240x1xf32> to vector<10240x16xf32>
    %mul3A = arith.mulf %add3A, %broadcast_in_dim3A_12 : vector<10240x16xf32>
    %swap3A = arith.constant 0 : index
    %swap3A_13 = arith.constant 0 : index
    %swap3A_14 = vector.load %arg2[%swap3A, %swap3A_13] : memref<10240x16xf32, #tpu.memory_space<vmem>>, vector<10240x16xf32>
    tpu.vector_store %arg2[%swap3A, %swap3A_13], %mul3A {strides = array<i32>} : memref<10240x16xf32, #tpu.memory_space<vmem>>, vector<10240x16xf32>,
    return
  }
}

module attributes {stable_mosaic.version = 14 : i64} {
  func.func @_k11_body(%arg0: memref<2x10240x16xf32, #tpu.memory_space<vmem>>, %arg1: memref<10240x16xf32, #tpu.memory_space<vmem>>, %arg2: memref<1x16xf32, #tpu.memory_space<vmem>>, %arg3: memref<10240x16xf32, #tpu.memory_space<vmem>>) attributes {dimension_semantics = [], scalar_prefetch = 0 : i64, scratch_operands = 0 : i64, tpu.core_type = #tpu.core_type<tc>} {
    %get3A = arith.constant 0 : index
    %get3A_0 = arith.constant 8 : index
    %get3A_1 = vector.load %arg1[%get3A, %get3A_0] : memref<10240x16xf32, #tpu.memory_space<vmem>>, vector<10240x1xf32>
    %get3A_2 = arith.constant 0 : index
    %get3A_3 = arith.constant 0 : index
    %get3A_4 = arith.constant 0 : index
    %get3A_5 = vector.load %arg0[%get3A_2, %get3A_3, %get3A_4] : memref<2x10240x16xf32, #tpu.memory_space<vmem>>, vector<1x10240x16xf32>
    %get3A_6 = vector.shape_cast %get3A_5 : vector<1x10240x16xf32> to vector<10240x16xf32>
    %get3A_7 = arith.constant 1 : index
    %get3A_8 = arith.constant 0 : index
    %get3A_9 = arith.constant 0 : index
    %get3A_10 = vector.load %arg0[%get3A_7, %get3A_8, %get3A_9] : memref<2x10240x16xf32, #tpu.memory_space<vmem>>, vector<1x10240x16xf32>
    %get3A_11 = vector.shape_cast %get3A_10 : vector<1x10240x16xf32> to vector<10240x16xf32>
    %add3A = arith.addf %get3A_6, %get3A_11 : vector<10240x16xf32>
    %broadcast_in_dim3A = vector.shape_cast %get3A_1 : vector<10240x1xf32> to vector<10240x1xf32>
    %broadcast_in_dim3A_12 = vector.broadcast %broadcast_in_dim3A : vector<10240x1xf32> to vector<10240x16xf32>
    %mul3A = arith.mulf %add3A, %broadcast_in_dim3A_12 : vector<10240x16xf32>
    %get3A_13 = arith.constant 0 : index
    %get3A_14 = arith.constant 0 : index
    %get3A_15 = vector.load %arg2[%get3A_13, %get3A_14] : memref<1x16xf32, #tpu.memory_space<vmem>>, vector<1x16xf32>
    %add3A_16 = vector.broadcast %get3A_15 : vector<1x16xf32> to vector<10240x16xf32>
    %add3A_17 = arith.addf %mul3A, %add3A_16 : vector<10240x16xf32>
    %iota3A = tpu.iota {dimensions = array<i32: 1>} : vector<10240x16xi32>
    %lt3A = arith.constant 7 : i32
    %lt3A_18 = vector.broadcast %lt3A : i32 to vector<10240x16xi32>
    %lt3A_19 = arith.cmpi slt, %iota3A, %lt3A_18 : vector<10240x16xi32>
    %jit3A = arith.constant -1.000000e+30 : f32
    %broadcast_in_dim3A_20 = vector.broadcast %jit3A : f32 to vector<10240x16xf32>
    %select_n3A = arith.select %lt3A_19, %add3A_17, %broadcast_in_dim3A_20 : vector<10240x16xi1>, vector<10240x16xf32>
    %reduce_max3A = arith.constant dense<0xFF800000> : vector<10240xf32>
    %reduce_max3A_21 = vector.multi_reduction <maximumf>, %select_n3A, %reduce_max3A [1] : vector<10240x16xf32> to vector<10240xf32>
    %broadcast_in_dim3A_22 = vector.shape_cast %reduce_max3A_21 : vector<10240xf32> to vector<10240x1xf32>
    %lt3A_23 = arith.constant 7 : i32
    %lt3A_24 = vector.broadcast %lt3A_23 : i32 to vector<10240x16xi32>
    %lt3A_25 = arith.cmpi slt, %iota3A, %lt3A_24 : vector<10240x16xi32>
    %sub3A = vector.broadcast %broadcast_in_dim3A_22 : vector<10240x1xf32> to vector<10240x16xf32>
    %sub3A_26 = arith.subf %select_n3A, %sub3A : vector<10240x16xf32>
    %exp3A = math.exp %sub3A_26 : vector<10240x16xf32>
    %jit3A_27 = arith.constant 0.000000e+00 : f32
    %broadcast_in_dim3A_28 = vector.broadcast %jit3A_27 : f32 to vector<10240x16xf32>
    %select_n3A_29 = arith.select %lt3A_25, %exp3A, %broadcast_in_dim3A_28 : vector<10240x16xi1>, vector<10240x16xf32>
    %reduce_sum3A = arith.constant dense<0.000000e+00> : vector<10240xf32>
    %reduce_sum3A_30 = vector.multi_reduction <add>, %select_n3A_29, %reduce_sum3A [1] : vector<10240x16xf32> to vector<10240xf32>
    %broadcast_in_dim3A_31 = vector.shape_cast %reduce_sum3A_30 : vector<10240xf32> to vector<10240x1xf32>
    %log3A = math.log %broadcast_in_dim3A_31 : vector<10240x1xf32>
    %sub3A_32 = vector.broadcast %broadcast_in_dim3A_22 : vector<10240x1xf32> to vector<10240x16xf32>
    %sub3A_33 = arith.subf %select_n3A, %sub3A_32 : vector<10240x16xf32>
    %sub3A_34 = vector.broadcast %log3A : vector<10240x1xf32> to vector<10240x16xf32>
    %sub3A_35 = arith.subf %sub3A_33, %sub3A_34 : vector<10240x16xf32>
    %swap3A = arith.constant 0 : index
    %swap3A_36 = arith.constant 0 : index
    %swap3A_37 = vector.load %arg3[%swap3A, %swap3A_36] : memref<10240x16xf32, #tpu.memory_space<vmem>>, vector<10240x16xf32>
    tpu.vector_store %arg3[%swap3A, %swap3A_36], %sub3A_35 {strides = array<i32>} : memref<10240x16xf32, #tpu.memory_space<vmem>>, vector<10240x16xf32>,
    return
  }
}

</mosaic_0001>

<sc_bundles>
// kernel: kernel.13.cloned.1.call-start
scs
__scs_entry_jumppad:
0x0: {  	(pc) =	sbr.rel $0x88, $3  }
0x1: {  	(tag) =	ssettag $0x0;
	lr =	simm.s32 $0x1  }
0x2: {  	[smem:$0x3F9A] =	sst lr;
	_ =	strace $0xD0000000  }
0x3: {  	_ = 	snop  }
0x4: {  	_ = 	snop  }
0x5: {  	_ = 	snop  }
0x6: {  	_ = 	snop  }
0x7: {  	_ = 	snop  }
__scs_overlays_trampoline_lowered:
0x8: {  	[smem:$0x3FA9] =	sst s0  }
0x9: {  	[smem:$0x3FAA] =	sst s1  }
0xa: {  	[smem:$0x3FAB] =	sst s2  }
0xb: {  	[smem:$0x3FAC] =	sst s3  }
0xc: {  	[smem:$0x3FAD] =	sst s4  }
0xd: {  	[smem:$0x3FAE] =	sst s5  }
0xe: {  	[smem:$0x3FAF] =	sst s6  }
0xf: {  	[smem:$0x3FB0] =	sst s7  }
0x10: {  	[smem:$0x3FB1] =	sst s8  }
0x11: {  	[smem:$0x3FB2] =	sst s9;
	s0 =	simm.s32 @!p0 $0x0  }
0x12: {  	s1 =	sld [smem:$0x3F98];
	s0 =	simm.s32 @p0 $0x1  }
0x13: {  	[smem:$0x3FB3] =	sst s0;
	s0 =	simm.s32 @!p1 $0x0  }
0x14: {  	s2 =	sld [smem:$0x3F97];
	s0 =	simm.s32 @p1 $0x1  }
0x15: {  	[smem:$0x3FB4] =	sst s0;
	s0 =	simm.s32 @!p2 $0x0  }
0x16: {  	s3 =	sld [smem:$0x3FDB];
	s0 =	simm.s32 @p2 $0x1  }
0x17: {  	s4 =	simm.s32 $0x1BF5;
	[smem:$0x3FB6] =	sst s0  }
0x18: {  	s0 =	sld [smem:$0x3F99];
	_ =	swait.ge [sflag:s4], $0x0  }
0x19: {  	s7 =	sld [smem:$0x3F9A]  }
0x1a: {  	s8 =	sadd.s32 $0xFFFFE003, lr  }
0x1b: {  	s9 =	sadd.s32 $0xFFFFFEF7, lr;
	s5 =	simm.s32 $0xFFFFFFFF;
	p2 =	slt.u32 s8, $0xFFFFF086  }
0x1c: {  	p1 =	slt.u32 s9, $0xF7A;
	s5 =	simm.s32 @!p2 $0x0  }
0x1d: {  	s5 =	simm.s32 @p1 $0x1;
	p0 =	seq.s32 s7, s2  }
0x1e: {  	s7 =	smul.u32 @!p0 $0xF7A, s2;
	p2 =	seq.s32 @!p0 s5, $0x0  }
0x1f: {  	s9 =	smul.u32 $0xF7A, s1;
	s8 =	simm.s32 @!p0 $0x1BF5;
	p2 =	por !p2, p0  }
0x20: {  	[sflag:s8] =	ssyncset.s32 @!p0 $0xFFFFF086;
	s6 =	sadd.s32 @!p0 s3, s7;
	s7 =	simm.s32 @!p0 $0x108  }
0x21: {  	s3 =	sadd.s32 s3, s9;
	s6 =	sadd.s32 @!p0 $0x88, s6;
	s7 =	simm.s32 @p2 $0x1082  }
0x22: {  	[simem:s7], [sflag:s8] =	dma.local @!p0 [hbm:s6], $0xF7A  }
0x23: {  	s9 =	sor.u32 $0xD0000000, s2;
	s6 =	simm.s32 $0x108;
	_ =	swait.ge @!p0 [sflag:s8], $0x0  }
0x24: {  	s3 =	sadd.s32 $0x88, s3;
	s6 =	simm.s32 @!p1 $0x1082;
	[sflag:s4] =	ssyncset.s32 $0xFFFFF086  }
0x25: {  	[simem:s6], [sflag:s4] =	dma.local [hbm:s3], $0xF7A  }
0x26: {  	[smem:$0x3F9A] =	sst s1;
	(tag) =	ssettag s2;
	_ =	strace s9  }
0x27: {  	s1 =	sld [smem:$0x3FAA]  }
0x28: {  	s2 =	sld [smem:$0x3FAB]  }
0x29: {  	s4 =	sld [smem:$0x3FAD]  }
0x2a: {  	p0 =	seq.s32 s5, $0x0;
	s5 =	sld [smem:$0x3FAE]  }
0x2b: {  	s6 =	sld [smem:$0x3FAF]  }
0x2c: {  	s7 =	sld [smem:$0x3FB0]  }
0x2d: {  	s3 =	simm.s32 $0x108;
	s8 =	sld [smem:$0x3FB1]  }
0x2e: {  	s3 =	simm.s32 @!p0 $0x1082;
	s9 =	sld [smem:$0x3FB2]  }
0x2f: {  	lr =	sadd.s32 s0, s3;
	s0 =	sld [smem:$0x3FA9]  }
0x30: {  	s3 =	sld [smem:$0x3FAC]  }
0x31: {  	[smem:$0x3FB5] =	sst s10  }
0x32: {  	s10 =	sld [smem:$0x3FB3];
	_ =	sdelay $0x3  }
0x33: {  	p0 =	seq.s32 s10, $0x1;
	s10 =	sld [smem:$0x3FB5];
	_ =	sdelay $0x3  }
0x34: {  	[smem:$0x3FB5] =	sst s10  }
0x35: {  	s10 =	sld [smem:$0x3FB4];
	_ =	sdelay $0x3  }
0x36: {  	p1 =	seq.s32 s10, $0x1;
	s10 =	sld [smem:$0x3FB5];
	_ =	sdelay $0x3  }
0x37: {  	[smem:$0x3FB5] =	sst s10  }
0x38: {  	s10 =	sld [smem:$0x3FB6]  }
0x39: {  	_ = 	snop;
	(pc) =	sbr.ind lr, $3  }
0x3a: {  	_ = 	snop  }
0x3b: {  	_ = 	snop  }
0x3c: {  	p2 =	seq.s32 s10, $0x1;
	s10 =	sld [smem:$0x3FB5]  }
0x3d: {  	_ =	shalt  }
0x3e: {  	_ =	shalt  }
0x3f: {  	_ =	shalt  }
0x40: {  	_ =	shalt  }
0x41: {  	_ =	shalt  }
0x42: {  	_ =	shalt  }
0x43: {  	_ =	shalt  }
0x44: {  	_ =	shalt  }
0x45: {  	_ =	shalt  }
0x46: {  	_ =	shalt  }
0x47: {  	_ =	shalt  }
0x48: {  	_ =	shalt  }
0x49: {  	_ =	shalt  }
0x4a: {  	_ =	shalt  }
0x4b: {  	_ =	shalt  }
0x4c: {  	_ =	shalt  }
0x4d: {  	_ =	shalt  }
0x4e: {  	_ =	shalt  }
0x4f: {  	_ =	shalt  }
0x50: {  	_ =	shalt  }
0x51: {  	_ =	shalt  }
0x52: {  	_ =	shalt  }
0x53: {  	_ =	shalt  }
0x54: {  	_ =	shalt  }
0x55: {  	_ =	shalt  }
0x56: {  	_ =	shalt  }
0x57: {  	_ =	shalt  }
0x58: {  	_ =	shalt  }
0x59: {  	_ =	shalt  }
0x5a: {  	_ =	shalt  }
0x5b: {  	_ =	shalt  }
0x5c: {  	_ =	shalt  }
0x5d: {  	_ =	shalt  }
0x5e: {  	_ =	shalt  }
0x5f: {  	_ =	shalt  }
0x60: {  	_ =	shalt  }
0x61: {  	_ =	shalt  }
0x62: {  	_ =	shalt  }
0x63: {  	_ =	shalt  }
0x64: {  	_ =	shalt  }
0x65: {  	_ =	shalt  }
0x66: {  	_ =	shalt  }
0x67: {  	_ =	shalt  }
0x68: {  	_ =	shalt  }
0x69: {  	_ =	shalt  }
0x6a: {  	_ =	shalt  }
0x6b: {  	_ =	shalt  }
0x6c: {  	_ =	shalt  }
0x6d: {  	_ =	shalt  }
0x6e: {  	_ =	shalt  }
0x6f: {  	_ =	shalt  }
0x70: {  	_ =	shalt  }
0x71: {  	_ =	shalt  }
0x72: {  	_ =	shalt  }
0x73: {  	_ =	shalt  }
0x74: {  	_ =	shalt  }
0x75: {  	_ =	shalt  }
0x76: {  	_ =	shalt  }
0x77: {  	_ =	shalt  }
0x78: {  	_ =	shalt  }
0x79: {  	_ =	shalt  }
0x7a: {  	_ =	shalt  }
0x7b: {  	_ =	shalt  }
0x7c: {  	_ =	shalt  }
0x7d: {  	_ =	shalt  }
0x7e: {  	_ =	shalt  }
0x7f: {  	_ =	shalt  }
0x80: {  	_ =	shalt  }
0x81: {  	_ =	shalt  }
0x82: {  	_ =	shalt  }
0x83: {  	_ =	shalt  }
0x84: {  	_ =	shalt  }
0x85: {  	_ =	shalt  }
0x86: {  	_ =	shalt  }
0x87: {  	_ =	shalt  }
.Lfunc_end0:
.L_simem_size_0:
called_computation_lowered:
.L_overlay_start_0:
0x88: {  	s2 =	sld [smem:$0x3FD9]  }
0x89: {  	s3 =	sld [smem:$0x3FFE];
	_ =	sdelay $0x1  }
0x8a: {  	s1 =	srdreg.scid  }
0x8b: {  	s0 =	sand.u32 $0x1, s1  }
0x8c: {  	s17 =	sshll.u32 s0, $0xA;
	s2 =	sadd.s32 s3, s2  }
0x8d: {  	s2 =	sadd.s32 s2, s17  }
0x8e: {  	[smem:$0x3FC1] =	sst s2  }
0x8f: {  	_ = 	snop  }
0x90: {  	s2 =	sld [smem:$0x3FD0];
	(tm) =	ssettm $0x1  }
0x91: {  	s18 =	sld [smem:$0x3FFB];
	_ =	sdelay $0x3  }
0x92: {  	_ =	strace s18  }
0x93: {  	s3 =	sld [smem:$0x3FFC];
	_ =	sdelay $0x3  }
0x94: {  	_ =	strace s3  }
0x95: {  	s3 =	sld [smem:$0x3FFD];
	_ =	sdelay $0x3  }
0x96: {  	_ =	strace s3  }
0x97: {  	_ =	strace $0x8FFFFFFF  }
0x98: {  	s19 =	sld [smem:$0x3FDB];
	_ =	sdelay $0x1  }
0x99: {  	s4 =	simm.s32 $_scs_section_size  }
0x9a: {  	s5 =	simm.s32 $_size__tile_overlayer_lowered;
	s6 =	simm.s32 $_tile_overlayer_lowered  }
0x9b: {  	s22 =	simm.s32 $0x1BFF;
	s21 =	sshll.u32 s6, $0x1;
	s3 =	sadd.s32 s4, s19  }
0x9c: {  	s7 =	simm.s32 $0x0;
	s20 =	sshll.u32 s5, $0x1;
	s5 =	sadd.s32 s21, s3  }
0x9d: {  	[timem:s7], [sflag:s22] =	dma.local [hbm:s5], s20  }
0x9e: {  	_ =	swait.ge [sflag:s22], s20  }
0x9f: {  	s4 =	ssub.s32 $0x0, s20;
	[sflag:s22] =	ssyncset.done $0x0  }
0xa0: {  	[sflag:s22] =	ssyncadd.s32 s4;
	_ =	sdelay $0x1  }
0xa1: {  	s23 =	simm.s32 $0x1B8B  }
0xa2: {  	_ =	swait.ge [sflag:s23], $0x1  }
0xa3: {  	[sflag:s23] =	ssyncset.done $0x0  }
0xa4: {  	s25 =	simm.s32 $0x1B8E;
	s24 =	sld [smem:$0x3FFE];
	[sflag:s23] =	ssyncadd.s32 $0xFFFFFFFF  }
0xa5: {  	s26 =	simm.s32 $execute0_lowered;
	[smem:$0x3FD2] =	sst s25  }
0xa6: {  	s5 =	sshll.u32 s26, $0x1;
	_ =	strace $0x80000046;
	[dreg:$0x1] =	wrdreg $0xFFFFFFFF  }
0xa7: {  	s28 =	simm.s32 $_size_execute0_lowered;
	s3 =	sadd.s32 s3, s5;
	[dreg:$0x0] =	wrdreg $0x0  }
0xa8: {  	s5 =	sshll.u32 s28, $0x1;
	[dreg:$0x2] =	wrdreg s3  }
0xa9: {  	[dreg:$0x3] =	wrdreg s5  }
0xaa: {  	[dreg:$0x4] =	wrdreg $0xC0  }
0xab: {  	_ =	task [dreg:s7], $0x5FFFF  }
0xac: {  	[dreg:$0x1] =	wrdreg $0xFFFFFFFF  }
0xad: {  	[dreg:$0x0] =	wrdreg $0x60  }
0xae: {  	[dreg:$0x2] =	wrdreg s24  }
0xaf: {  	[dreg:$0x3] =	wrdreg s2  }
0xb0: {  	[dreg:$0x4] =	wrdreg $0x97100  }
0xb1: {  	[dreg:$0x5] =	wrdreg $0xBF100  }
0xb2: {  	[dreg:$0x6] =	wrdreg $0x9  }
0xb3: {  	_ =	task.clear_ibuf [dreg:s7], $0x7FFFF;
	_ =	strace $0x90000046  }
0xb4: {  	s29 =	simm.s32 $0x9;
	_ =	strace $0x80000048  }
0xb5: {  	_ =	swait.ge [sflag:s29], $0x1  }
0xb6: {  	[sflag:s29] =	ssyncadd.s32 $0xFFFFFFFF  }
0xb7: {  	_ =	strace $0x90000048  }
0xb8: {  	_ =	sfence  }
0xb9: {  	s30 =	sld [smem:$0x0];
	_ =	sdelay $0x2  }
0xba: {  	s31 =	sshll.u32 s1, $0xD;
	s1 =	sshrl.u32 s1, $0x2  }
0xbb: {  	s3 =	sand.u32 $0x4000, s31;
	s1 =	sadd.s32 s1, s30  }
0xbc: {  	s0 =	sor.u32 s3, s0;
	s1 =	sshll.u32 s1, $0x11  }
0xbd: {  	s0 =	sor.u32 s1, s0  }
0xbe: {  	s0 =	sadd.s32 $0x8F2B, s0  }
0xbf: {  	[sflag:s0] =	ssyncadd.remote.s32 $0x1  }
0xc0: {  	_ =	sfence.sel $0xFFFF  }
0xc1: {  	[dreg:$0x0] =	wrdreg $0xFFFFFFFF;
	(pc) =	sbr.abs _section_cstart, $3  }
0xc2: {  	[dreg:$0x1] =	wrdreg $0xFFFFFFFF  }
0xc3: {  	_ =	task.clear_ibuf [dreg:s7], $0x2FFFF;
	_ =	strace $0x9FFFFFFF  }
0xc4: {  	(tm) =	ssettm $0x7FFFFFFF  }
0xc5: {  	_ =	shalt  }
tec
execute0_lowered:
.L_overlay_start_1:
0x0: {  	(tag) =	ssettag $0x1  }
0x1: {  	s1 =	rddreg [dreg:$0x0]  }
0x2: {  	s0 =	srdreg.scid;
	s3 =	rddreg [dreg:$0x2]  }
0x3: {  	s7 =	stileid.u32;
	s4 =	rddreg [dreg:$0x3];
	s5 =	simm.s32 $0x0  }
0x4: {  	s17 =	simm.s32 $0x6F00;
	s18 =	simm.s32 $0x2;
	s21 =	simm.s32 $0x80  }
0x5: {  	s22 =	simm.s32 $0x4F00;
	s23 =	simm.s32 $0x5700;
	s24 =	simm.s32 $0x1  }
0x6: {  	s25 =	simm.s32 $0x5F00;
	s26 =	simm.s32 $0x6700;
	s28 =	simm.s32 $0x0  }
0x7: {  	s0 =	sand.u32 $0x1, s0;
	s10 =	smul.u32 $0x2800, s7;
	[smem:$0x7FF] =	sst s5  }
0x8: {  	s2 =	sshll.u32 s0, $0x4;
	s8 =	smul.u32 $0x28000, s0;
	_ =	strace $0x80000047  }
0x9: {  	s0 =	ssub.s32 $0x2, s0;
	s2 =	sor.u32 s7, s2;
	s7 =	sadd.s32 $0x43A00, s1  }
0xa: {  	s11 =	sshrl.u32 s0, $0x1;
	s6 =	smul.u32 $0x4F0, s2;
	s9 =	sadd.s32 s10, s8  }
0xb: {  	s8 =	sadd.s32 $0x5CA00, s1;
	s0 =	ssub.s32 s0, s11;
	s13 =	smul.u32 $0x2780, s2  }
0xc: {  	s9 =	sshrl.u32 s9, $0x3;
	s16 =	smax.u32 s0, $0x1;
	s12 =	sadd.s32 s6, s1  }
0xd: {  	s6 =	sadd.s32 $0x3EA00, s1;
	s1 =	sadd.s32 s9, s1;
	s9 =	sadd.s32 s10, s3  }
0xe: {  	v0 =	vimm.f32 $0.0e+00;
	vm0 =	vcmask $0x300;
	s10 =	sadd.s32 s10, s4;
	s31 =	sadd.s32 $0xCC00, s12;
	s12 =	sadd.s32 $0x2E00, s12  }
0xf: {  	v1 =	vsel vm0, $0x3F800000, v0;
	s14 =	sadd.s32 $0x48A00, s1;
	s15 =	sadd.s32 $0x52A00, s1;
	[dreg:$0x5] =	wrdreg s31  }
.LBB2_1:
0x10: {  	s0 =	simm.s32 $0x40;
	s1 =	simm.s32 $0x0  }
.LBB2_2:
0x11: {  	p0 =	sne.s32 s0, $0x9FC0;
	[tilespmem:s1+$0x6F00] =	vst v0;
	s1 =	smov.u32 s0;
	s0 =	sadd.s32 $0x40, s0  }
.Ltmp0:
0x12: {  	(pc) =	sbr.rel @p0 .LBB2_2-.Ltmp0, $2  }
0x13: {  	_ =	sdelay $0x2  }
0x14: {  	s1 =	sshra.s32 s1, $0x2  }
0x15: {  	[tilespmem:s1+$0x6F00] =	vst v0  }
0x16: {  	[spmem:s9] =	stream.linear.scatter [tilespmem:s17], [sflag:$0x2], $0x2800, $0x38;
	[tilespmem:$0xE710] =	vst v63  }
0x17: {  	_ =	swait.ge [sflag:s18], $0x2800  }
0x18: {  	[sflag:s18] =	ssyncset.done $0x0  }
0x19: {  	[sflag:s18] =	ssyncadd.s32 $0xFFFFD800  }
0x1a: {  	[spmem:s10] =	stream.linear.scatter [tilespmem:s17], [sflag:$0x2], $0x2800, $0x38;
	[tilespmem:$0xE710] =	vst v63  }
0x1b: {  	_ =	swait.ge [sflag:s18], $0x2800  }
0x1c: {  	[sflag:s18] =	ssyncset.done $0x0  }
0x1d: {  	[sflag:s18] =	ssyncadd.s32 $0xFFFFD800  }
0x1e: {  	s0 =	simm.s32 $0x0;
	s2 =	simm.s32 $0x9700;
	s31 =	rddreg [dreg:$0x1]  }
0x1f: {  	[tilespmem:s2], [sflag:$0x2] =	stream.linear.gather [hbm4b:s31+s0], $0x10, $0x38;
	[tilespmem:$0xE710] =	vst v63  }
0x20: {  	_ =	swait.ge [sflag:s18], $0x10  }
0x21: {  	[sflag:s18] =	ssyncset.done $0x0  }
0x22: {  	s1 =	simm.s32 $0x0;
	s0 =	simm.s32 $0x40;
	[sflag:s18] =	ssyncadd.s32 $0xFFFFFFF0  }
.LBB2_4:
0x23: {  	p0 =	sne.s32 s0, $0x1FC0;
	[tilespmem:s1+$0x6700] =	vst v1;
	s1 =	smov.u32 s0;
	s0 =	sadd.s32 $0x40, s0  }
.Ltmp1:
0x24: {  	(pc) =	sbr.rel @p0 .LBB2_4-.Ltmp1, $2  }
0x25: {  	_ =	sdelay $0x2  }
0x26: {  	s1 =	sshra.s32 s1, $0x2  }
0x27: {  	[tilespmem:s1+$0x6700] =	vst v1;
	s29 =	simm.s32 $0x0;
	s0 =	rddreg [dreg:$0x5]  }
0x28: {  	v2 =	vld [tilespmem:$0x9700];
	[tilespmem:s29], [sflag:$0x2] =	stream.linear.gather [hbm4b:s0+s29], $0x2780, $0x38  }
0x29: {  	_ =	swait.ge [sflag:s18], $0x2780  }
0x2a: {  	[sflag:s18] =	ssyncset.done $0x0  }
0x2b: {  	s31 =	simm.s32 $0x2780;
	[sflag:s18] =	ssyncadd.s32 $0xFFFFD880  }
0x2c: {  	[tilespmem:s31], [sflag:$0x2] =	stream.linear.gather [hbm4b:s12+s29], $0x2780, $0x38;
	[tilespmem:$0xE710] =	vst v63  }
0x2d: {  	_ =	swait.ge [sflag:s18], $0x2780  }
0x2e: {  	[sflag:s18] =	ssyncset.done $0x0  }
0x2f: {  	[sflag:s18] =	ssyncadd.s32 $0xFFFFD880  }
0x30: {  	[bflag:$0x0] =	sbarrier.arrive $0xFFFF  }
.LBB2_6:
0x31: {  	s31 =	sshll.u32 s29, $0x7  }
0x32: {  	[tilespmem:s22], [sflag:$0x1] =	stream.indirect.gather [hbm4b:s6+s21], $0x10, s31, s21, $0xb8;
	[tilespmem:$0xE710] =	vst v63  }
0x33: {  	s30 =	sadd.s32 $0x2780, s31  }
0x34: {  	[tilespmem:s23], [sflag:$0x1] =	stream.indirect.gather [hbm4b:s7+s21], $0x10, s30, s21, $0xb8;
	[tilespmem:$0xE710] =	vst v63  }
0x35: {  	_ =	swait.ge [sflag:s24], $0x800  }
0x36: {  	[sflag:s24] =	ssyncset.done $0x0  }
0x37: {  	[sflag:s24] =	ssyncadd.s32 $0xFFFFF800  }
0x38: {  	_ =	swait.ge [sflag:s24], $0x800  }
0x39: {  	[sflag:s24] =	ssyncset.done $0x0  }
0x3a: {  	s2 =	simm.s32 $0x0;
	[sflag:s24] =	ssyncadd.s32 $0xFFFFF800  }
0x3b: {  	v3 =	vld [tilespmem:s2+$0x4F00]  }
0x3c: {  	v4 =	vld [tilespmem:s2+$0x5700];
	_ =	sdelay $0x1  }
0x3d: {  	s1 =	simm.s32 $0x10  }
0x3e: {  	v5 =	vld [tilespmem:s1+$0x4F00]  }
0x3f: {  	v6 =	vld [tilespmem:s1+$0x5700]  }
0x40: {  	v3 =	vadd.f32 v4, v3;
	_ =	sdelay $0x1  }
0x41: {  	v7 =	vmul.f32 $2.000000030e-01, v3;
	_ =	sdelay $0x1  }
0x42: {  	v5 =	vadd.f32 v6, v5;
	v3 =	vmax.f32 v3, v7  }
0x43: {  	s0 =	simm.s32 $0x20;
	v3 =	vsub.f32 v3, v2  }
0x44: {  	v4 =	vld [tilespmem:s0+$0x4F00];
	v8 =	vmul.f32 $2.000000030e-01, v5  }
0x45: {  	v6 =	vld [tilespmem:s0+$0x5700];
	v3 =	vmul.f32 $1.442695020e+00, v3  }
0x46: {  	v5 =	vmax.f32 v5, v8  }
0x47: {  	v5 =	vsub.f32 v5, v2;
	(erf) = vpow2.f32 v3;
	_ =	sdelay $0x1  }
0x48: {  	s19 =	simm.s32 $0x30;
	v5 =	vmul.f32 $1.442695020e+00, v5  }
0x49: {  	v6 =	vadd.f32 v6, v4;
	v4 =	vld [tilespmem:s19+$0x5700]  }
0x4a: {  	v3 =	vld [tilespmem:s19+$0x4F00];
	(erf) = vpow2.f32 v5  }
0x4b: {  	v7 =	vmul.f32 $2.000000030e-01, v6;
	_ =	sdelay $0x1  }
0x4c: {  	s20 =	simm.s32 $0x100;
	v5 =	vmax.f32 v6, v7  }
.LBB2_7:
0x4d: {  	s11 =	sshra.s32 s20, $0x2;
	v5 =	vsub.f32 v5, v2;
	p0 =	sne.s32 s20, $0x1FC0  }
.Ltmp2:
0x4e: {  	s20 =	sadd.s32 $0x40, s20;
	v6 =	vadd.f32 v4, v3;
	v3 =	vld [tilespmem:s11+$0x4F00];
	v7 =	vpop (erf);
	(pc) =	sbr.rel @p0 .LBB2_7-.Ltmp2, $4  }
0x4f: {  	v4 =	vld [tilespmem:s11+$0x5700];
	v5 =	vmul.f32 $1.442695020e+00, v5;
	[tilespmem:s2+$0x5F00] =	vst v7;
	s2 =	smov.u32 s1;
	s1 =	smov.u32 s0;
	s0 =	smov.u32 s19  }
0x50: {  	s19 =	smov.u32 s11;
	v7 =	vmul.f32 $2.000000030e-01, v6  }
0x51: {  	(erf) = vpow2.f32 v5  }
0x52: {  	v5 =	vmax.f32 v6, v7  }
0x53: {  	_ = 	snop  }
0x54: {  	v3 =	vadd.f32 v4, v3;
	_ =	sdelay $0x1  }
0x55: {  	v4 =	vmul.f32 $2.000000030e-01, v3;
	_ =	sdelay $0x1  }
0x56: {  	v5 =	vsub.f32 v5, v2;
	v3 =	vmax.f32 v3, v4  }
0x57: {  	v3 =	vsub.f32 v3, v2  }
0x58: {  	v62 =	vmul.f32 $1.442695020e+00, v5  }
0x59: {  	v3 =	vmul.f32 $1.442695020e+00, v3  }
0x5a: {  	(erf) = vpow2.f32 v62  }
0x5b: {  	(erf) = vpow2.f32 v3;
	_ =	sdelay $0x5  }
0x5c: {  	v3 =	vpop (erf)  }
0x5d: {  	v63 =	vpop (erf);
	[tilespmem:s2+$0x5F00] =	vst v3  }
0x5e: {  	s11 =	sadd.s32 s13, s31;
	[tilespmem:s1+$0x5F00] =	vst v63;
	v3 =	vpop (erf)  }
0x5f: {  	s20 =	sshll.u32 s11, $0x1;
	[tilespmem:s0+$0x5F00] =	vst v3;
	v3 =	vpop (erf)  }
0x60: {  	s0 =	sadd.s32 s8, s20;
	[tilespmem:s19+$0x5F00] =	vst v3  }
0x61: {  	[hbm4b:s0+s5] =	stream.linear.scatter [tilespmem:s25], [sflag:$0x2], $0x800, $0x38;
	[tilespmem:$0xE710] =	vst v63  }
0x62: {  	_ =	swait.ge [sflag:s18], $0x800  }
0x63: {  	[sflag:s18] =	ssyncset.done $0x0  }
0x64: {  	[sflag:s18] =	ssyncadd.s32 $0xFFFFF800  }
0x65: {  	[spmem:s3] =	stream.indirect.scatter.add.f32 [tilespmem:s25], [sflag:$0x2], $0x10, s31, s21, $0xb8;
	[tilespmem:$0xE710] =	vst v63  }
0x66: {  	s29 =	sadd.s32 $0x1, s29;
	_ =	swait.ge [sflag:s18], $0x800  }
0x67: {  	p0 =	sne.s32 s29, $0x4F;
	[sflag:s18] =	ssyncset.done $0x0  }
.Ltmp3:
0x68: {  	[sflag:s18] =	ssyncadd.s32 $0xFFFFF800;
	(pc) =	sbr.rel @p0 .LBB2_6-.Ltmp3, $4  }
0x69: {  	[spmem:s4] =	stream.indirect.scatter.add.f32 [tilespmem:s26], [sflag:$0x2], $0x10, s30, s21, $0xb8;
	[tilespmem:$0xE710] =	vst v63  }
0x6a: {  	_ =	swait.ge [sflag:s18], $0x800  }
0x6b: {  	[sflag:s18] =	ssyncset.done $0x0  }
0x6c: {  	[sflag:s18] =	ssyncadd.s32 $0xFFFFF800  }
0x6d: {  	s0 =	stileid.u32  }
0x6e: {  	s0 =	sshll.u32 s0, $0x6  }
0x6f: {  	[bflag:$0x0] =	sbarrier.arrive $0xFFFF;
	s1 =	sshrl.u32 s9, $0x3;
	s0 =	sor.u32 $0x1C02, s0  }
0x70: {  	[hbm:s14], [sflag:s0] =	dma.local [spmem:s1], $0x500  }
0x71: {  	s28 =	sadd.s32 $0x1, s28;
	_ =	swait.ge [sflag:s18], $0x500  }
0x72: {  	p0 =	sne.s32 s28, s16;
	[sflag:s18] =	ssyncset.done $0x0  }
.Ltmp4:
0x73: {  	s31 =	sshrl.u32 s10, $0x3;
	[sflag:s18] =	ssyncadd.s32 $0xFFFFFB00;
	(pc) =	sbr.rel @p0 .LBB2_1-.Ltmp4, $4  }
0x74: {  	[hbm:s15], [sflag:s0] =	dma.local [spmem:s31], $0x500  }
0x75: {  	_ =	swait.ge [sflag:s18], $0x500  }
0x76: {  	[sflag:s18] =	ssyncset.done $0x0  }
0x77: {  	[sflag:s18] =	ssyncadd.s32 $0xFFFFFB00  }
0x78: {  	_ =	sfence.sel $0x180000  }
0x79: {  	[bflag:$0x0] =	sbarrier.arrive $0xFFFF  }
0x7a: {  	_ =	strace $0x90000047  }
0x7b: {  	s0 =	stileid.u32;
	[bflag:$0x2] =	sbarrier.arrive $0xFFFF  }
0x7c: {  	p0 =	sne.s32 s0, $0x0;
	s0 =	rddreg [dreg:$0x4]  }
0x7d: {  	s0 =	sadd.s32 @!p0 $0x100000, s0  }
0x7e: {  	[sflag:s0] =	ssyncadd.tile.s32 @!p0 $0x1;
	_ =	shalt  }
.Lfunc_end2:
_tile_overlayer_lowered:
.L_overlay_start_2:
0x7f: {  	(tag) =	ssettag $0x2  }
0x80: {  	s0 =	rddreg [dreg:$0x0];
	s2 =	stileid.u32  }
0x81: {  	s1 =	rddreg [dreg:$0x1];
	p0 =	sne.s32 s2, $0x0  }
0x82: {  	s3 =	rddreg [dreg:$0x2];
	[bflag:$0x3] =	sbarrier.arrive $0xFFFF;
	s2 =	simm.s32 @!p0 $0x1C02  }
0x83: {  	[timem:s3], [sflag:s2] =	dma.local @!p0 [hbm:s0], s1  }
0x84: {  	s0 =	simm.s32 @!p0 $0x2  }
0x85: {  	_ =	swait.ge @!p0 [sflag:s0], s1  }
0x86: {  	s1 =	ssub.s32 @!p0 $0x0, s1;
	[sflag:s0] =	ssyncset.done @!p0 $0x0  }
0x87: {  	[sflag:s0] =	ssyncadd.s32 @!p0 s1  }
0x88: {  	[bflag:$0x3] =	sbarrier.arrive $0xFFFF  }
0x89: {  	_ =	shalt  }

// kernel: kernel.16.cloned.1.call-start
scs
__scs_entry_jumppad:
0x0: {  	(pc) =	sbr.rel $0x88, $3  }
0x1: {  	(tag) =	ssettag $0x0;
	lr =	simm.s32 $0x1  }
0x2: {  	[smem:$0x3F9A] =	sst lr;
	_ =	strace $0xD0000000  }
0x3: {  	_ = 	snop  }
0x4: {  	_ = 	snop  }
0x5: {  	_ = 	snop  }
0x6: {  	_ = 	snop  }
0x7: {  	_ = 	snop  }
__scs_overlays_trampoline_lowered:
0x8: {  	[smem:$0x3FA9] =	sst s0  }
0x9: {  	[smem:$0x3FAA] =	sst s1  }
0xa: {  	[smem:$0x3FAB] =	sst s2  }
0xb: {  	[smem:$0x3FAC] =	sst s3  }
0xc: {  	[smem:$0x3FAD] =	sst s4  }
0xd: {  	[smem:$0x3FAE] =	sst s5  }
0xe: {  	[smem:$0x3FAF] =	sst s6  }
0xf: {  	[smem:$0x3FB0] =	sst s7  }
0x10: {  	[smem:$0x3FB1] =	sst s8  }
0x11: {  	[smem:$0x3FB2] =	sst s9;
	s0 =	simm.s32 @!p0 $0x0  }
0x12: {  	s1 =	sld [smem:$0x3F98];
	s0 =	simm.s32 @p0 $0x1  }
0x13: {  	[smem:$0x3FB3] =	sst s0;
	s0 =	simm.s32 @!p1 $0x0  }
0x14: {  	s2 =	sld [smem:$0x3F97];
	s0 =	simm.s32 @p1 $0x1  }
0x15: {  	[smem:$0x3FB4] =	sst s0;
	s0 =	simm.s32 @!p2 $0x0  }
0x16: {  	s3 =	sld [smem:$0x3FDB];
	s0 =	simm.s32 @p2 $0x1  }
0x17: {  	s4 =	simm.s32 $0x1BF5;
	[smem:$0x3FB6] =	sst s0  }
0x18: {  	s0 =	sld [smem:$0x3F99];
	_ =	swait.ge [sflag:s4], $0x0  }
0x19: {  	s7 =	sld [smem:$0x3F9A]  }
0x1a: {  	s8 =	sadd.s32 $0xFFFFE003, lr  }
0x1b: {  	s9 =	sadd.s32 $0xFFFFFEF7, lr;
	s5 =	simm.s32 $0xFFFFFFFF;
	p2 =	slt.u32 s8, $0xFFFFF086  }
0x1c: {  	p1 =	slt.u32 s9, $0xF7A;
	s5 =	simm.s32 @!p2 $0x0  }
0x1d: {  	s5 =	simm.s32 @p1 $0x1;
	p0 =	seq.s32 s7, s2  }
0x1e: {  	s7 =	smul.u32 @!p0 $0xF7A, s2;
	p2 =	seq.s32 @!p0 s5, $0x0  }
0x1f: {  	s9 =	smul.u32 $0xF7A, s1;
	s8 =	simm.s32 @!p0 $0x1BF5;
	p2 =	por !p2, p0  }
0x20: {  	[sflag:s8] =	ssyncset.s32 @!p0 $0xFFFFF086;
	s6 =	sadd.s32 @!p0 s3, s7;
	s7 =	simm.s32 @!p0 $0x108  }
0x21: {  	s3 =	sadd.s32 s3, s9;
	s6 =	sadd.s32 @!p0 $0x88, s6;
	s7 =	simm.s32 @p2 $0x1082  }
0x22: {  	[simem:s7], [sflag:s8] =	dma.local @!p0 [hbm:s6], $0xF7A  }
0x23: {  	s9 =	sor.u32 $0xD0000000, s2;
	s6 =	simm.s32 $0x108;
	_ =	swait.ge @!p0 [sflag:s8], $0x0  }
0x24: {  	s3 =	sadd.s32 $0x88, s3;
	s6 =	simm.s32 @!p1 $0x1082;
	[sflag:s4] =	ssyncset.s32 $0xFFFFF086  }
0x25: {  	[simem:s6], [sflag:s4] =	dma.local [hbm:s3], $0xF7A  }
0x26: {  	[smem:$0x3F9A] =	sst s1;
	(tag) =	ssettag s2;
	_ =	strace s9  }
0x27: {  	s1 =	sld [smem:$0x3FAA]  }
0x28: {  	s2 =	sld [smem:$0x3FAB]  }
0x29: {  	s4 =	sld [smem:$0x3FAD]  }
0x2a: {  	p0 =	seq.s32 s5, $0x0;
	s5 =	sld [smem:$0x3FAE]  }
0x2b: {  	s6 =	sld [smem:$0x3FAF]  }
0x2c: {  	s7 =	sld [smem:$0x3FB0]  }
0x2d: {  	s3 =	simm.s32 $0x108;
	s8 =	sld [smem:$0x3FB1]  }
0x2e: {  	s3 =	simm.s32 @!p0 $0x1082;
	s9 =	sld [smem:$0x3FB2]  }
0x2f: {  	lr =	sadd.s32 s0, s3;
	s0 =	sld [smem:$0x3FA9]  }
0x30: {  	s3 =	sld [smem:$0x3FAC]  }
0x31: {  	[smem:$0x3FB5] =	sst s10  }
0x32: {  	s10 =	sld [smem:$0x3FB3];
	_ =	sdelay $0x3  }
0x33: {  	p0 =	seq.s32 s10, $0x1;
	s10 =	sld [smem:$0x3FB5];
	_ =	sdelay $0x3  }
0x34: {  	[smem:$0x3FB5] =	sst s10  }
0x35: {  	s10 =	sld [smem:$0x3FB4];
	_ =	sdelay $0x3  }
0x36: {  	p1 =	seq.s32 s10, $0x1;
	s10 =	sld [smem:$0x3FB5];
	_ =	sdelay $0x3  }
0x37: {  	[smem:$0x3FB5] =	sst s10  }
0x38: {  	s10 =	sld [smem:$0x3FB6]  }
0x39: {  	_ = 	snop;
	(pc) =	sbr.ind lr, $3  }
0x3a: {  	_ = 	snop  }
0x3b: {  	_ = 	snop  }
0x3c: {  	p2 =	seq.s32 s10, $0x1;
	s10 =	sld [smem:$0x3FB5]  }
0x3d: {  	_ =	shalt  }
0x3e: {  	_ =	shalt  }
0x3f: {  	_ =	shalt  }
0x40: {  	_ =	shalt  }
0x41: {  	_ =	shalt  }
0x42: {  	_ =	shalt  }
0x43: {  	_ =	shalt  }
0x44: {  	_ =	shalt  }
0x45: {  	_ =	shalt  }
0x46: {  	_ =	shalt  }
0x47: {  	_ =	shalt  }
0x48: {  	_ =	shalt  }
0x49: {  	_ =	shalt  }
0x4a: {  	_ =	shalt  }
0x4b: {  	_ =	shalt  }
0x4c: {  	_ =	shalt  }
0x4d: {  	_ =	shalt  }
0x4e: {  	_ =	shalt  }
0x4f: {  	_ =	shalt  }
0x50: {  	_ =	shalt  }
0x51: {  	_ =	shalt  }
0x52: {  	_ =	shalt  }
0x53: {  	_ =	shalt  }
0x54: {  	_ =	shalt  }
0x55: {  	_ =	shalt  }
0x56: {  	_ =	shalt  }
0x57: {  	_ =	shalt  }
0x58: {  	_ =	shalt  }
0x59: {  	_ =	shalt  }
0x5a: {  	_ =	shalt  }
0x5b: {  	_ =	shalt  }
0x5c: {  	_ =	shalt  }
0x5d: {  	_ =	shalt  }
0x5e: {  	_ =	shalt  }
0x5f: {  	_ =	shalt  }
0x60: {  	_ =	shalt  }
0x61: {  	_ =	shalt  }
0x62: {  	_ =	shalt  }
0x63: {  	_ =	shalt  }
0x64: {  	_ =	shalt  }
0x65: {  	_ =	shalt  }
0x66: {  	_ =	shalt  }
0x67: {  	_ =	shalt  }
0x68: {  	_ =	shalt  }
0x69: {  	_ =	shalt  }
0x6a: {  	_ =	shalt  }
0x6b: {  	_ =	shalt  }
0x6c: {  	_ =	shalt  }
0x6d: {  	_ =	shalt  }
0x6e: {  	_ =	shalt  }
0x6f: {  	_ =	shalt  }
0x70: {  	_ =	shalt  }
0x71: {  	_ =	shalt  }
0x72: {  	_ =	shalt  }
0x73: {  	_ =	shalt  }
0x74: {  	_ =	shalt  }
0x75: {  	_ =	shalt  }
0x76: {  	_ =	shalt  }
0x77: {  	_ =	shalt  }
0x78: {  	_ =	shalt  }
0x79: {  	_ =	shalt  }
0x7a: {  	_ =	shalt  }
0x7b: {  	_ =	shalt  }
0x7c: {  	_ =	shalt  }
0x7d: {  	_ =	shalt  }
0x7e: {  	_ =	shalt  }
0x7f: {  	_ =	shalt  }
0x80: {  	_ =	shalt  }
0x81: {  	_ =	shalt  }
0x82: {  	_ =	shalt  }
0x83: {  	_ =	shalt  }
0x84: {  	_ =	shalt  }
0x85: {  	_ =	shalt  }
0x86: {  	_ =	shalt  }
0x87: {  	_ =	shalt  }
.Lfunc_end0:
.L_simem_size_0:
called_computation.1_lowered:
.L_overlay_start_0:
0x88: {  	s2 =	sld [smem:$0x3FD9]  }
0x89: {  	s3 =	sld [smem:$0x3FFE];
	_ =	sdelay $0x1  }
0x8a: {  	s1 =	srdreg.scid  }
0x8b: {  	s0 =	sand.u32 $0x1, s1  }
0x8c: {  	s16 =	sshll.u32 s0, $0xA;
	s2 =	sadd.s32 s3, s2  }
0x8d: {  	s2 =	sadd.s32 s2, s16  }
0x8e: {  	[smem:$0x3FC1] =	sst s2  }
0x8f: {  	_ = 	snop  }
0x90: {  	(tm) =	ssettm $0x1  }
0x91: {  	s17 =	sld [smem:$0x3FFB];
	_ =	sdelay $0x3  }
0x92: {  	_ =	strace s17  }
0x93: {  	s2 =	sld [smem:$0x3FFC];
	_ =	sdelay $0x3  }
0x94: {  	_ =	strace s2  }
0x95: {  	s2 =	sld [smem:$0x3FFD];
	_ =	sdelay $0x3  }
0x96: {  	_ =	strace s2  }
0x97: {  	_ =	strace $0x8FFFFFFF  }
0x98: {  	s18 =	sld [smem:$0x3FDB];
	_ =	sdelay $0x1  }
0x99: {  	s19 =	simm.s32 $_scs_section_size  }
0x9a: {  	s4 =	simm.s32 $_size__tile_overlayer_lowered;
	s5 =	simm.s32 $_tile_overlayer_lowered  }
0x9b: {  	s22 =	simm.s32 $0x1BFF;
	s21 =	sshll.u32 s5, $0x1;
	s2 =	sadd.s32 s19, s18  }
0x9c: {  	s6 =	simm.s32 $0x0;
	s20 =	sshll.u32 s4, $0x1;
	s4 =	sadd.s32 s21, s2  }
0x9d: {  	[timem:s6], [sflag:s22] =	dma.local [hbm:s4], s20  }
0x9e: {  	_ =	swait.ge [sflag:s22], s20  }
0x9f: {  	s3 =	ssub.s32 $0x0, s20;
	[sflag:s22] =	ssyncset.done $0x0  }
0xa0: {  	[sflag:s22] =	ssyncadd.s32 s3;
	_ =	sdelay $0x1  }
0xa1: {  	s23 =	simm.s32 $0x1B8B  }
0xa2: {  	_ =	swait.ge [sflag:s23], $0x1  }
0xa3: {  	[sflag:s23] =	ssyncset.done $0x0  }
0xa4: {  	s25 =	simm.s32 $0x1B8E;
	s24 =	sld [smem:$0x3FFE];
	[sflag:s23] =	ssyncadd.s32 $0xFFFFFFFF  }
0xa5: {  	s26 =	simm.s32 $execute0_lowered;
	[smem:$0x3FD2] =	sst s25  }
0xa6: {  	s4 =	sshll.u32 s26, $0x1;
	_ =	strace $0x80000049;
	[dreg:$0x1] =	wrdreg $0xFFFFFFFF  }
0xa7: {  	s28 =	simm.s32 $_size_execute0_lowered;
	s2 =	sadd.s32 s2, s4;
	[dreg:$0x0] =	wrdreg $0x0  }
0xa8: {  	s4 =	sshll.u32 s28, $0x1;
	[dreg:$0x2] =	wrdreg s2  }
0xa9: {  	[dreg:$0x3] =	wrdreg s4  }
0xaa: {  	[dreg:$0x4] =	wrdreg $0xC0  }
0xab: {  	_ =	task [dreg:s6], $0x5FFFF  }
0xac: {  	[dreg:$0x1] =	wrdreg $0xFFFFFFFF  }
0xad: {  	[dreg:$0x0] =	wrdreg $0x60  }
0xae: {  	[dreg:$0x2] =	wrdreg s24  }
0xaf: {  	[dreg:$0x3] =	wrdreg $0xA7000  }
0xb0: {  	[dreg:$0x4] =	wrdreg $0x9  }
0xb1: {  	_ =	task.clear_ibuf [dreg:s6], $0x5FFFF;
	_ =	strace $0x90000049  }
0xb2: {  	s29 =	simm.s32 $0x9;
	_ =	strace $0x8000004B  }
0xb3: {  	_ =	swait.ge [sflag:s29], $0x1  }
0xb4: {  	[sflag:s29] =	ssyncadd.s32 $0xFFFFFFFF  }
0xb5: {  	_ =	strace $0x9000004B  }
0xb6: {  	_ =	sfence  }
0xb7: {  	s30 =	sld [smem:$0x0];
	_ =	sdelay $0x2  }
0xb8: {  	s31 =	sshll.u32 s1, $0xD;
	s1 =	sshrl.u32 s1, $0x2  }
0xb9: {  	s3 =	sand.u32 $0x4000, s31;
	s1 =	sadd.s32 s1, s30  }
0xba: {  	s0 =	sor.u32 s3, s0;
	s1 =	sshll.u32 s1, $0x11  }
0xbb: {  	s0 =	sor.u32 s1, s0  }
0xbc: {  	s0 =	sadd.s32 $0x8F2B, s0  }
0xbd: {  	[sflag:s0] =	ssyncadd.remote.s32 $0x1  }
0xbe: {  	_ =	sfence.sel $0xFFFF  }
0xbf: {  	[dreg:$0x0] =	wrdreg $0xFFFFFFFF;
	(pc) =	sbr.abs _section_cstart, $3  }
0xc0: {  	[dreg:$0x1] =	wrdreg $0xFFFFFFFF  }
0xc1: {  	_ =	task.clear_ibuf [dreg:s6], $0x2FFFF;
	_ =	strace $0x9FFFFFFF  }
0xc2: {  	(tm) =	ssettm $0x7FFFFFFF  }
0xc3: {  	_ =	shalt  }
tec
execute0_lowered:
.L_overlay_start_1:
0x0: {  	(tag) =	ssettag $0x1  }
0x1: {  	s0 =	srdreg.scid;
	s7 =	rddreg [dreg:$0x0]  }
0x2: {  	s2 =	rddreg [dreg:$0x1];
	s17 =	simm.s32 $0x6700;
	s18 =	simm.s32 $0x3  }
0x3: {  	s19 =	simm.s32 $0x2780;
	s20 =	simm.s32 $0x80;
	s21 =	simm.s32 $0x4F00  }
0x4: {  	s22 =	simm.s32 $0x5700;
	s1 =	sand.u32 $0x1, s0;
	s0 =	stileid.u32  }
0x5: {  	s23 =	simm.s32 $0x1;
	s24 =	simm.s32 $0x2;
	s8 =	smul.u32 $0x14000, s0  }
0x6: {  	s5 =	sadd.s32 $0x3EA00, s7;
	s6 =	sadd.s32 $0x16A00, s7;
	s9 =	smul.u32 $0x140000, s1  }
0x7: {  	s3 =	sshll.u32 s1, $0x4;
	s10 =	smul.u32 $0x50000, s0;
	s1 =	ssub.s32 $0x2, s1  }
0x8: {  	s14 =	sor.u32 s0, s3;
	s3 =	simm.s32 $0x0;
	s11 =	sshrl.u32 s1, $0x1  }
0x9: {  	s4 =	smul.u32 $0x4F0, s14;
	[smem:$0x7FF] =	sst s3;
	s9 =	sadd.s32 s8, s9  }
0xa: {  	s10 =	sshrl.u32 s10, $0x2;
	s1 =	ssub.s32 s1, s11;
	s14 =	smul.u32 $0x2780, s14  }
0xb: {  	_ =	strace $0x8000004A;
	s9 =	sshrl.u32 s9, $0x3;
	s31 =	sadd.s32 s10, s2  }
0xc: {  	s16 =	smax.u32 s1, $0x1;
	s13 =	sadd.s32 s4, s7;
	s4 =	sadd.s32 $0x5CA00, s7  }
0xd: {  	s15 =	sadd.s32 s9, s7;
	s7 =	sadd.s32 s8, s2;
	s8 =	sadd.s32 $0x4000, s31  }
0xe: {  	s9 =	sadd.s32 $0x8000, s31;
	s10 =	sadd.s32 $0xC000, s31;
	s11 =	sadd.s32 $0x10000, s31  }
0xf: {  	v0 =	vimm.f32 $0.0e+00;
	s12 =	sadd.s32 $0xCC00, s13;
	s13 =	sadd.s32 $0x2E00, s13;
	s15 =	sadd.s32 $0xFAA00, s15  }
.LBB2_1:
0x10: {  	s25 =	simm.s32 $0x0;
	s26 =	simm.s32 $0x200  }
.LBB2_2:
0x11: {  	p0 =	sne.s32 s26, $0xFE00;
	[tilespmem:s25+$0x6770] =	vst v0  }
0x12: {  	[tilespmem:s25+$0x6700] =	vst v0  }
0x13: {  	[tilespmem:s25+$0x6710] =	vst v0  }
.Ltmp0:
0x14: {  	[tilespmem:s25+$0x6720] =	vst v0;
	(pc) =	sbr.rel @p0 .LBB2_2-.Ltmp0, $4  }
0x15: {  	[tilespmem:s25+$0x6730] =	vst v0  }
0x16: {  	[tilespmem:s25+$0x6740] =	vst v0  }
0x17: {  	[tilespmem:s25+$0x6750] =	vst v0  }
0x18: {  	[tilespmem:s25+$0x6760] =	vst v0;
	s25 =	sshra.s32 s26, $0x2;
	s26 =	sadd.s32 $0x200, s26  }
0x19: {  	[tilespmem:s25+$0x6770] =	vst v0  }
0x1a: {  	[tilespmem:s25+$0x6700] =	vst v0  }
0x1b: {  	[tilespmem:s25+$0x6710] =	vst v0  }
0x1c: {  	[tilespmem:s25+$0x6720] =	vst v0  }
0x1d: {  	[tilespmem:s25+$0x6730] =	vst v0  }
0x1e: {  	[tilespmem:s25+$0x6740] =	vst v0  }
0x1f: {  	[tilespmem:s25+$0x6750] =	vst v0  }
0x20: {  	[tilespmem:s25+$0x6760] =	vst v0  }
0x21: {  	[spmem:s7] =	stream.linear.scatter [tilespmem:s17], [sflag:$0x3], $0x4000, $0x38;
	[tilespmem:$0x1E700] =	vst v63  }
0x22: {  	_ =	swait.ge [sflag:s18], $0x4000  }
0x23: {  	[sflag:s18] =	ssyncset.done $0x0  }
0x24: {  	[sflag:s18] =	ssyncadd.s32 $0xFFFFC000  }
0x25: {  	[spmem:s8] =	stream.linear.scatter [tilespmem:s17], [sflag:$0x3], $0x4000, $0x38;
	[tilespmem:$0x1E700] =	vst v63  }
0x26: {  	_ =	swait.ge [sflag:s18], $0x4000  }
0x27: {  	[sflag:s18] =	ssyncset.done $0x0  }
0x28: {  	[sflag:s18] =	ssyncadd.s32 $0xFFFFC000  }
0x29: {  	[spmem:s9] =	stream.linear.scatter [tilespmem:s17], [sflag:$0x3], $0x4000, $0x38;
	[tilespmem:$0x1E700] =	vst v63  }
0x2a: {  	_ =	swait.ge [sflag:s18], $0x4000  }
0x2b: {  	[sflag:s18] =	ssyncset.done $0x0  }
0x2c: {  	[sflag:s18] =	ssyncadd.s32 $0xFFFFC000  }
0x2d: {  	[spmem:s10] =	stream.linear.scatter [tilespmem:s17], [sflag:$0x3], $0x4000, $0x38;
	[tilespmem:$0x1E700] =	vst v63  }
0x2e: {  	_ =	swait.ge [sflag:s18], $0x4000  }
0x2f: {  	[sflag:s18] =	ssyncset.done $0x0  }
0x30: {  	[sflag:s18] =	ssyncadd.s32 $0xFFFFC000  }
0x31: {  	[spmem:s11] =	stream.linear.scatter [tilespmem:s17], [sflag:$0x3], $0x4000, $0x38;
	[tilespmem:$0x1E700] =	vst v63  }
0x32: {  	_ =	swait.ge [sflag:s18], $0x4000  }
0x33: {  	[sflag:s18] =	ssyncset.done $0x0  }
0x34: {  	[sflag:s18] =	ssyncadd.s32 $0xFFFFC000  }
0x35: {  	s25 =	simm.s32 $0x0;
	[bflag:$0x0] =	sbarrier.arrive $0xFFFF  }
0x36: {  	[tilespmem:s25], [sflag:$0x3] =	stream.linear.gather [hbm4b:s12+s25], $0x2780, $0x38;
	[tilespmem:$0x1E700] =	vst v63  }
0x37: {  	_ =	swait.ge [sflag:s18], $0x2780  }
0x38: {  	[sflag:s18] =	ssyncset.done $0x0  }
0x39: {  	[sflag:s18] =	ssyncadd.s32 $0xFFFFD880  }
0x3a: {  	[tilespmem:s19], [sflag:$0x3] =	stream.linear.gather [hbm4b:s13+s25], $0x2780, $0x38;
	[tilespmem:$0x1E700] =	vst v63  }
0x3b: {  	_ =	swait.ge [sflag:s18], $0x2780  }
0x3c: {  	[sflag:s18] =	ssyncset.done $0x0  }
0x3d: {  	s26 =	simm.s32 $0x0;
	[sflag:s18] =	ssyncadd.s32 $0xFFFFD880  }
.LBB2_4:
0x3e: {  	s28 =	sshll.u32 s26, $0x7  }
0x3f: {  	[tilespmem:s17], [sflag:$0x1] =	stream.indirect.gather [hbm4b:s6+s20], $0x80, s28, s20, $0xb8;
	[tilespmem:$0x1E700] =	vst v63  }
0x40: {  	s1 =	sadd.s32 s14, s28  }
0x41: {  	s1 =	sshll.u32 s1, $0x1  }
0x42: {  	[tilespmem:s21], [sflag:$0x1] =	stream.indirect.gather [hbm4b:s5+s20], $0x10, s28, s20, $0xb8;
	[tilespmem:$0x1E700] =	vst v63  }
0x43: {  	s1 =	sadd.s32 s4, s1  }
0x44: {  	[tilespmem:s22], [sflag:$0x2] =	stream.linear.gather [hbm4b:s1+s25], $0x800, $0x38;
	[tilespmem:$0x1E700] =	vst v63  }
0x45: {  	_ =	swait.ge [sflag:s23], $0x4000  }
0x46: {  	[sflag:s23] =	ssyncset.done $0x0  }
0x47: {  	[sflag:s23] =	ssyncadd.s32 $0xFFFFC000  }
0x48: {  	_ =	swait.ge [sflag:s24], $0x800  }
0x49: {  	[sflag:s24] =	ssyncset.done $0x0  }
0x4a: {  	[sflag:s24] =	ssyncadd.s32 $0xFFFFF800  }
0x4b: {  	_ =	swait.ge [sflag:s23], $0x800  }
0x4c: {  	[sflag:s23] =	ssyncset.done $0x0  }
0x4d: {  	s29 =	simm.s32 $0x0;
	[sflag:s23] =	ssyncadd.s32 $0xFFFFF800  }
0x4e: {  	v1 =	vld [tilespmem:s29+$0x5700]  }
0x4f: {  	s30 =	simm.s32 $0x40;
	v2 =	vld [tilespmem:s29+$0x4F00]  }
.LBB2_5:
0x50: {  	_ = 	snop  }
0x51: {  	p0 =	sne.s32 s30, $0x1FC0  }
.Ltmp1:
0x52: {  	_ = 	snop;
	(pc) =	sbr.rel @p0 .LBB2_5-.Ltmp1, $4  }
0x53: {  	_ = 	snop  }
0x54: {  	s1 =	sshra.s32 s30, $0x2;
	v3 =	vmul.f32 v2, v1  }
0x55: {  	v1 =	vld [tilespmem:s1+$0x5700]  }
0x56: {  	s30 =	sadd.s32 $0x40, s30;
	v2 =	vld [tilespmem:s1+$0x4F00];
	[tilespmem:s29+$0x5F00] =	vst v3;
	s29 =	smov.u32 s1  }
0x57: {  	_ =	sdelay $0x3  }
0x58: {  	v1 =	vmul.f32 v2, v1;
	_ =	sdelay $0x1  }
0x59: {  	[tilespmem:s29+$0x5F00] =	vst v1;
	s29 =	simm.s32 $0x6740  }
0x5a: {  	s1 =	simm.s32 $0x0;
	s31 =	simm.s32 $0x40;
	s30 =	simm.s32 $0x6740;
	v1 =	vld [tilespmem:s29+$0xFFFFFFF0]  }
.LBB2_7:
0x5b: {  	p0 =	sne.s32 s31, $0x1FC0;
	v2 =	vld [tilespmem:s1+$0x5F00]  }
0x5c: {  	v3 =	vld [tilespmem:s29+$0xFFFFFFD0]  }
0x5d: {  	v4 =	vld [tilespmem:s29+$0xFFFFFFC0]  }
0x5e: {  	v5 =	vld [tilespmem:s29+$0xFFFFFFE0]  }
0x5f: {  	v6 =	vld [tilespmem:s29+$0x30]  }
0x60: {  	v7 =	vbroadcast v2, $0x0;
	v8 =	vbroadcast v2, $0x1;
	v9 =	vld [tilespmem:s29+$0x10]  }
0x61: {  	v10 =	vbroadcast v2, $0x2;
	v11 =	vbroadcast v2, $0x3;
	v12 =	vld [tilespmem:s29+$0x0]  }
0x62: {  	v4 =	vmul.f32 v7, v4;
	v3 =	vmul.f32 v3, v8;
	v7 =	vld [tilespmem:s29+$0x20]  }
0x63: {  	v1 =	vmul.f32 v1, v11;
	v5 =	vmul.f32 v5, v10  }
0x64: {  	v8 =	vbroadcast v2, $0x5;
	[tilespmem:s29+$0xFFFFFFC0] =	vst v4;
	v4 =	vbroadcast v2, $0x4  }
0x65: {  	[tilespmem:s29+$0xFFFFFFD0] =	vst v3;
	v3 =	vbroadcast v2, $0x6;
	v2 =	vbroadcast v2, $0x7  }
0x66: {  	[tilespmem:s29+$0xFFFFFFE0] =	vst v5;
	v4 =	vmul.f32 v12, v4;
	v5 =	vmul.f32 v9, v8  }
.Ltmp2:
0x67: {  	[tilespmem:s29+$0xFFFFFFF0] =	vst v1;
	v1 =	vmul.f32 v7, v3;
	v2 =	vmul.f32 v6, v2;
	(pc) =	sbr.rel @p0 .LBB2_7-.Ltmp2, $4  }
0x68: {  	[tilespmem:s29+$0x0] =	vst v4  }
0x69: {  	[tilespmem:s29+$0x10] =	vst v5  }
0x6a: {  	s29 =	sadd.s32 $0x80, s29;
	[tilespmem:s30+$0x20] =	vst v1  }
0x6b: {  	s1 =	sshra.s32 s31, $0x2;
	s31 =	sadd.s32 $0x40, s31;
	v1 =	vld [tilespmem:s29+$0xFFFFFFF0];
	[tilespmem:s30+$0x30] =	vst v2;
	s30 =	smov.u32 s29  }
0x6c: {  	v2 =	vld [tilespmem:s1+$0x5F00];
	_ =	sdelay $0x1  }
0x6d: {  	v3 =	vld [tilespmem:s29+$0xFFFFFFC0]  }
0x6e: {  	v4 =	vld [tilespmem:s29+$0xFFFFFFD0]  }
0x6f: {  	v5 =	vld [tilespmem:s29+$0xFFFFFFE0]  }
0x70: {  	v6 =	vbroadcast v2, $0x0  }
0x71: {  	v9 =	vld [tilespmem:s29+$0x10];
	v7 =	vbroadcast v2, $0x1  }
0x72: {  	v8 =	vld [tilespmem:s29+$0x0];
	v10 =	vbroadcast v2, $0x2;
	v3 =	vmul.f32 v6, v3  }
0x73: {  	v60 =	vld [tilespmem:s29+$0x20];
	v59 =	vbroadcast v2, $0x3;
	v4 =	vmul.f32 v4, v7  }
0x74: {  	v11 =	vld [tilespmem:s29+$0x30];
	v61 =	vbroadcast v2, $0x5;
	v5 =	vmul.f32 v5, v10;
	[tilespmem:s29+$0xFFFFFFC0] =	vst v3  }
0x75: {  	v1 =	vmul.f32 v1, v59;
	v3 =	vbroadcast v2, $0x4;
	[tilespmem:s29+$0xFFFFFFD0] =	vst v4  }
0x76: {  	v62 =	vbroadcast v2, $0x6;
	v63 =	vmul.f32 v9, v61;
	[tilespmem:s29+$0xFFFFFFE0] =	vst v5  }
0x77: {  	v2 =	vbroadcast v2, $0x7;
	[tilespmem:s29+$0xFFFFFFF0] =	vst v1;
	v3 =	vmul.f32 v8, v3  }
0x78: {  	v1 =	vmul.f32 v60, v62;
	[tilespmem:s29+$0x10] =	vst v63  }
0x79: {  	s26 =	sadd.s32 $0x1, s26;
	v2 =	vmul.f32 v11, v2;
	[tilespmem:s29+$0x0] =	vst v3  }
0x7a: {  	p0 =	sne.s32 s26, $0x4F;
	[tilespmem:s30+$0x20] =	vst v1  }
.Ltmp3:
0x7b: {  	s31 =	sadd.s32 $0x2780, s28;
	[tilespmem:s30+$0x30] =	vst v2;
	(pc) =	sbr.rel @p0 .LBB2_4-.Ltmp3, $4  }
0x7c: {  	[spmem:s2] =	stream.indirect.scatter.add.f32 [tilespmem:s17], [sflag:$0x3], $0x80, s31, s20, $0xb8;
	[tilespmem:$0x1E700] =	vst v63  }
0x7d: {  	_ =	swait.ge [sflag:s18], $0x4000  }
0x7e: {  	[sflag:s18] =	ssyncset.done $0x0  }
0x7f: {  	[sflag:s18] =	ssyncadd.s32 $0xFFFFC000  }
0x80: {  	s3 =	sadd.s32 $0x1, s3  }
0x81: {  	s1 =	sshll.u32 s0, $0x6;
	[bflag:$0x0] =	sbarrier.arrive $0xFFFF;
	p0 =	sne.s32 s3, s16  }
.Ltmp4:
0x82: {  	s25 =	sshrl.u32 s7, $0x3;
	s1 =	sor.u32 $0x1C03, s1;
	(pc) =	sbr.rel @p0 .LBB2_1-.Ltmp4, $4  }
0x83: {  	[hbm:s15], [sflag:s1] =	dma.local [spmem:s25], $0x2800  }
0x84: {  	_ =	swait.ge [sflag:s18], $0x2800  }
0x85: {  	[sflag:s18] =	ssyncset.done $0x0  }
0x86: {  	[sflag:s18] =	ssyncadd.s32 $0xFFFFD800  }
0x87: {  	_ =	sfence.sel $0x180000  }
0x88: {  	[bflag:$0x0] =	sbarrier.arrive $0xFFFF  }
0x89: {  	_ =	strace $0x9000004A  }
0x8a: {  	[bflag:$0x2] =	sbarrier.arrive $0xFFFF  }
0x8b: {  	p0 =	sne.s32 s0, $0x0;
	s0 =	rddreg [dreg:$0x2]  }
0x8c: {  	s0 =	sadd.s32 @!p0 $0x100000, s0  }
0x8d: {  	[sflag:s0] =	ssyncadd.tile.s32 @!p0 $0x1;
	_ =	shalt  }
.Lfunc_end2:
_tile_overlayer_lowered:
.L_overlay_start_2:
0x8e: {  	(tag) =	ssettag $0x2  }
0x8f: {  	s0 =	rddreg [dreg:$0x0];
	s2 =	stileid.u32  }
0x90: {  	s1 =	rddreg [dreg:$0x1];
	p0 =	sne.s32 s2, $0x0  }
0x91: {  	s3 =	rddreg [dreg:$0x2];
	[bflag:$0x3] =	sbarrier.arrive $0xFFFF;
	s2 =	simm.s32 @!p0 $0x1C03  }
0x92: {  	[timem:s3], [sflag:s2] =	dma.local @!p0 [hbm:s0], s1  }
0x93: {  	s0 =	simm.s32 @!p0 $0x3  }
0x94: {  	_ =	swait.ge @!p0 [sflag:s0], s1  }
0x95: {  	s1 =	ssub.s32 @!p0 $0x0, s1;
	[sflag:s0] =	ssyncset.done @!p0 $0x0  }
0x96: {  	[sflag:s0] =	ssyncadd.s32 @!p0 s1  }
0x97: {  	[bflag:$0x3] =	sbarrier.arrive $0xFFFF  }
0x98: {  	_ =	shalt  }

// kernel: kernel.19.cloned.1.call-start
scs
__scs_entry_jumppad:
0x0: {  	(pc) =	sbr.rel $0x88, $3  }
0x1: {  	(tag) =	ssettag $0x0;
	lr =	simm.s32 $0x1  }
0x2: {  	[smem:$0x3F9A] =	sst lr;
	_ =	strace $0xD0000000  }
0x3: {  	_ = 	snop  }
0x4: {  	_ = 	snop  }
0x5: {  	_ = 	snop  }
0x6: {  	_ = 	snop  }
0x7: {  	_ = 	snop  }
__scs_overlays_trampoline_lowered:
0x8: {  	[smem:$0x3FA9] =	sst s0  }
0x9: {  	[smem:$0x3FAA] =	sst s1  }
0xa: {  	[smem:$0x3FAB] =	sst s2  }
0xb: {  	[smem:$0x3FAC] =	sst s3  }
0xc: {  	[smem:$0x3FAD] =	sst s4  }
0xd: {  	[smem:$0x3FAE] =	sst s5  }
0xe: {  	[smem:$0x3FAF] =	sst s6  }
0xf: {  	[smem:$0x3FB0] =	sst s7  }
0x10: {  	[smem:$0x3FB1] =	sst s8  }
0x11: {  	[smem:$0x3FB2] =	sst s9;
	s0 =	simm.s32 @!p0 $0x0  }
0x12: {  	s1 =	sld [smem:$0x3F98];
	s0 =	simm.s32 @p0 $0x1  }
0x13: {  	[smem:$0x3FB3] =	sst s0;
	s0 =	simm.s32 @!p1 $0x0  }
0x14: {  	s2 =	sld [smem:$0x3F97];
	s0 =	simm.s32 @p1 $0x1  }
0x15: {  	[smem:$0x3FB4] =	sst s0;
	s0 =	simm.s32 @!p2 $0x0  }
0x16: {  	s3 =	sld [smem:$0x3FDB];
	s0 =	simm.s32 @p2 $0x1  }
0x17: {  	s4 =	simm.s32 $0x1BF5;
	[smem:$0x3FB6] =	sst s0  }
0x18: {  	s0 =	sld [smem:$0x3F99];
	_ =	swait.ge [sflag:s4], $0x0  }
0x19: {  	s7 =	sld [smem:$0x3F9A]  }
0x1a: {  	s8 =	sadd.s32 $0xFFFFE003, lr  }
0x1b: {  	s9 =	sadd.s32 $0xFFFFFEF7, lr;
	s5 =	simm.s32 $0xFFFFFFFF;
	p2 =	slt.u32 s8, $0xFFFFF086  }
0x1c: {  	p1 =	slt.u32 s9, $0xF7A;
	s5 =	simm.s32 @!p2 $0x0  }
0x1d: {  	s5 =	simm.s32 @p1 $0x1;
	p0 =	seq.s32 s7, s2  }
0x1e: {  	s7 =	smul.u32 @!p0 $0xF7A, s2;
	p2 =	seq.s32 @!p0 s5, $0x0  }
0x1f: {  	s9 =	smul.u32 $0xF7A, s1;
	s8 =	simm.s32 @!p0 $0x1BF5;
	p2 =	por !p2, p0  }
0x20: {  	[sflag:s8] =	ssyncset.s32 @!p0 $0xFFFFF086;
	s6 =	sadd.s32 @!p0 s3, s7;
	s7 =	simm.s32 @!p0 $0x108  }
0x21: {  	s3 =	sadd.s32 s3, s9;
	s6 =	sadd.s32 @!p0 $0x88, s6;
	s7 =	simm.s32 @p2 $0x1082  }
0x22: {  	[simem:s7], [sflag:s8] =	dma.local @!p0 [hbm:s6], $0xF7A  }
0x23: {  	s9 =	sor.u32 $0xD0000000, s2;
	s6 =	simm.s32 $0x108;
	_ =	swait.ge @!p0 [sflag:s8], $0x0  }
0x24: {  	s3 =	sadd.s32 $0x88, s3;
	s6 =	simm.s32 @!p1 $0x1082;
	[sflag:s4] =	ssyncset.s32 $0xFFFFF086  }
0x25: {  	[simem:s6], [sflag:s4] =	dma.local [hbm:s3], $0xF7A  }
0x26: {  	[smem:$0x3F9A] =	sst s1;
	(tag) =	ssettag s2;
	_ =	strace s9  }
0x27: {  	s1 =	sld [smem:$0x3FAA]  }
0x28: {  	s2 =	sld [smem:$0x3FAB]  }
0x29: {  	s4 =	sld [smem:$0x3FAD]  }
0x2a: {  	p0 =	seq.s32 s5, $0x0;
	s5 =	sld [smem:$0x3FAE]  }
0x2b: {  	s6 =	sld [smem:$0x3FAF]  }
0x2c: {  	s7 =	sld [smem:$0x3FB0]  }
0x2d: {  	s3 =	simm.s32 $0x108;
	s8 =	sld [smem:$0x3FB1]  }
0x2e: {  	s3 =	simm.s32 @!p0 $0x1082;
	s9 =	sld [smem:$0x3FB2]  }
0x2f: {  	lr =	sadd.s32 s0, s3;
	s0 =	sld [smem:$0x3FA9]  }
0x30: {  	s3 =	sld [smem:$0x3FAC]  }
0x31: {  	[smem:$0x3FB5] =	sst s10  }
0x32: {  	s10 =	sld [smem:$0x3FB3];
	_ =	sdelay $0x3  }
0x33: {  	p0 =	seq.s32 s10, $0x1;
	s10 =	sld [smem:$0x3FB5];
	_ =	sdelay $0x3  }
0x34: {  	[smem:$0x3FB5] =	sst s10  }
0x35: {  	s10 =	sld [smem:$0x3FB4];
	_ =	sdelay $0x3  }
0x36: {  	p1 =	seq.s32 s10, $0x1;
	s10 =	sld [smem:$0x3FB5];
	_ =	sdelay $0x3  }
0x37: {  	[smem:$0x3FB5] =	sst s10  }
0x38: {  	s10 =	sld [smem:$0x3FB6]  }
0x39: {  	_ = 	snop;
	(pc) =	sbr.ind lr, $3  }
0x3a: {  	_ = 	snop  }
0x3b: {  	_ = 	snop  }
0x3c: {  	p2 =	seq.s32 s10, $0x1;
	s10 =	sld [smem:$0x3FB5]  }
0x3d: {  	_ =	shalt  }
0x3e: {  	_ =	shalt  }
0x3f: {  	_ =	shalt  }
0x40: {  	_ =	shalt  }
0x41: {  	_ =	shalt  }
0x42: {  	_ =	shalt  }
0x43: {  	_ =	shalt  }
0x44: {  	_ =	shalt  }
0x45: {  	_ =	shalt  }
0x46: {  	_ =	shalt  }
0x47: {  	_ =	shalt  }
0x48: {  	_ =	shalt  }
0x49: {  	_ =	shalt  }
0x4a: {  	_ =	shalt  }
0x4b: {  	_ =	shalt  }
0x4c: {  	_ =	shalt  }
0x4d: {  	_ =	shalt  }
0x4e: {  	_ =	shalt  }
0x4f: {  	_ =	shalt  }
0x50: {  	_ =	shalt  }
0x51: {  	_ =	shalt  }
0x52: {  	_ =	shalt  }
0x53: {  	_ =	shalt  }
0x54: {  	_ =	shalt  }
0x55: {  	_ =	shalt  }
0x56: {  	_ =	shalt  }
0x57: {  	_ =	shalt  }
0x58: {  	_ =	shalt  }
0x59: {  	_ =	shalt  }
0x5a: {  	_ =	shalt  }
0x5b: {  	_ =	shalt  }
0x5c: {  	_ =	shalt  }
0x5d: {  	_ =	shalt  }
0x5e: {  	_ =	shalt  }
0x5f: {  	_ =	shalt  }
0x60: {  	_ =	shalt  }
0x61: {  	_ =	shalt  }
0x62: {  	_ =	shalt  }
0x63: {  	_ =	shalt  }
0x64: {  	_ =	shalt  }
0x65: {  	_ =	shalt  }
0x66: {  	_ =	shalt  }
0x67: {  	_ =	shalt  }
0x68: {  	_ =	shalt  }
0x69: {  	_ =	shalt  }
0x6a: {  	_ =	shalt  }
0x6b: {  	_ =	shalt  }
0x6c: {  	_ =	shalt  }
0x6d: {  	_ =	shalt  }
0x6e: {  	_ =	shalt  }
0x6f: {  	_ =	shalt  }
0x70: {  	_ =	shalt  }
0x71: {  	_ =	shalt  }
0x72: {  	_ =	shalt  }
0x73: {  	_ =	shalt  }
0x74: {  	_ =	shalt  }
0x75: {  	_ =	shalt  }
0x76: {  	_ =	shalt  }
0x77: {  	_ =	shalt  }
0x78: {  	_ =	shalt  }
0x79: {  	_ =	shalt  }
0x7a: {  	_ =	shalt  }
0x7b: {  	_ =	shalt  }
0x7c: {  	_ =	shalt  }
0x7d: {  	_ =	shalt  }
0x7e: {  	_ =	shalt  }
0x7f: {  	_ =	shalt  }
0x80: {  	_ =	shalt  }
0x81: {  	_ =	shalt  }
0x82: {  	_ =	shalt  }
0x83: {  	_ =	shalt  }
0x84: {  	_ =	shalt  }
0x85: {  	_ =	shalt  }
0x86: {  	_ =	shalt  }
0x87: {  	_ =	shalt  }
.Lfunc_end0:
.L_simem_size_0:
called_computation.2_lowered:
.L_overlay_start_0:
0x88: {  	s2 =	sld [smem:$0x3FD9]  }
0x89: {  	s3 =	sld [smem:$0x3FFE];
	_ =	sdelay $0x1  }
0x8a: {  	s1 =	srdreg.scid  }
0x8b: {  	s0 =	sand.u32 $0x1, s1  }
0x8c: {  	s16 =	sshll.u32 s0, $0xA;
	s2 =	sadd.s32 s3, s2  }
0x8d: {  	s2 =	sadd.s32 s2, s16  }
0x8e: {  	[smem:$0x3FC1] =	sst s2  }
0x8f: {  	_ = 	snop  }
0x90: {  	(tm) =	ssettm $0x1  }
0x91: {  	s17 =	sld [smem:$0x3FFB];
	_ =	sdelay $0x3  }
0x92: {  	_ =	strace s17  }
0x93: {  	s2 =	sld [smem:$0x3FFC];
	_ =	sdelay $0x3  }
0x94: {  	_ =	strace s2  }
0x95: {  	s2 =	sld [smem:$0x3FFD];
	_ =	sdelay $0x3  }
0x96: {  	_ =	strace s2  }
0x97: {  	_ =	strace $0x8FFFFFFF  }
0x98: {  	s18 =	sld [smem:$0x3FDB];
	_ =	sdelay $0x1  }
0x99: {  	s19 =	simm.s32 $_scs_section_size  }
0x9a: {  	s4 =	simm.s32 $_size__tile_overlayer_lowered;
	s5 =	simm.s32 $_tile_overlayer_lowered  }
0x9b: {  	s22 =	simm.s32 $0x1BFF;
	s21 =	sshll.u32 s5, $0x1;
	s2 =	sadd.s32 s19, s18  }
0x9c: {  	s6 =	simm.s32 $0x0;
	s20 =	sshll.u32 s4, $0x1;
	s4 =	sadd.s32 s21, s2  }
0x9d: {  	[timem:s6], [sflag:s22] =	dma.local [hbm:s4], s20  }
0x9e: {  	_ =	swait.ge [sflag:s22], s20  }
0x9f: {  	s3 =	ssub.s32 $0x0, s20;
	[sflag:s22] =	ssyncset.done $0x0  }
0xa0: {  	[sflag:s22] =	ssyncadd.s32 s3;
	_ =	sdelay $0x1  }
0xa1: {  	s23 =	simm.s32 $0x1B8B  }
0xa2: {  	_ =	swait.ge [sflag:s23], $0x1  }
0xa3: {  	[sflag:s23] =	ssyncset.done $0x0  }
0xa4: {  	s25 =	simm.s32 $0x1B8E;
	s24 =	sld [smem:$0x3FFE];
	[sflag:s23] =	ssyncadd.s32 $0xFFFFFFFF  }
0xa5: {  	s26 =	simm.s32 $execute0_lowered;
	[smem:$0x3FD2] =	sst s25  }
0xa6: {  	s4 =	sshll.u32 s26, $0x1;
	_ =	strace $0x8000004C;
	[dreg:$0x1] =	wrdreg $0xFFFFFFFF  }
0xa7: {  	s28 =	simm.s32 $_size_execute0_lowered;
	s2 =	sadd.s32 s2, s4;
	[dreg:$0x0] =	wrdreg $0x0  }
0xa8: {  	s4 =	sshll.u32 s28, $0x1;
	[dreg:$0x2] =	wrdreg s2  }
0xa9: {  	[dreg:$0x3] =	wrdreg s4  }
0xaa: {  	[dreg:$0x4] =	wrdreg $0xC0  }
0xab: {  	_ =	task [dreg:s6], $0x5FFFF  }
0xac: {  	[dreg:$0x1] =	wrdreg $0xFFFFFFFF  }
0xad: {  	[dreg:$0x0] =	wrdreg $0x60  }
0xae: {  	[dreg:$0x2] =	wrdreg s24  }
0xaf: {  	[dreg:$0x3] =	wrdreg $0x97000  }
0xb0: {  	[dreg:$0x4] =	wrdreg $0x9  }
0xb1: {  	_ =	task.clear_ibuf [dreg:s6], $0x5FFFF;
	_ =	strace $0x9000004C  }
0xb2: {  	s29 =	simm.s32 $0x9;
	_ =	strace $0x8000004E  }
0xb3: {  	_ =	swait.ge [sflag:s29], $0x1  }
0xb4: {  	[sflag:s29] =	ssyncadd.s32 $0xFFFFFFFF  }
0xb5: {  	_ =	strace $0x9000004E  }
0xb6: {  	_ =	sfence  }
0xb7: {  	s30 =	sld [smem:$0x0];
	_ =	sdelay $0x2  }
0xb8: {  	s31 =	sshll.u32 s1, $0xD;
	s1 =	sshrl.u32 s1, $0x2  }
0xb9: {  	s3 =	sand.u32 $0x4000, s31;
	s1 =	sadd.s32 s1, s30  }
0xba: {  	s0 =	sor.u32 s3, s0;
	s1 =	sshll.u32 s1, $0x11  }
0xbb: {  	s0 =	sor.u32 s1, s0  }
0xbc: {  	s0 =	sadd.s32 $0x8F2B, s0  }
0xbd: {  	[sflag:s0] =	ssyncadd.remote.s32 $0x1  }
0xbe: {  	_ =	sfence.sel $0xFFFF  }
0xbf: {  	[dreg:$0x0] =	wrdreg $0xFFFFFFFF;
	(pc) =	sbr.abs _section_cstart, $3  }
0xc0: {  	[dreg:$0x1] =	wrdreg $0xFFFFFFFF  }
0xc1: {  	_ =	task.clear_ibuf [dreg:s6], $0x2FFFF;
	_ =	strace $0x9FFFFFFF  }
0xc2: {  	(tm) =	ssettm $0x7FFFFFFF  }
0xc3: {  	_ =	shalt  }
tec
execute0_lowered:
.L_overlay_start_1:
0x0: {  	(tag) =	ssettag $0x1  }
0x1: {  	s7 =	rddreg [dreg:$0x0]  }
0x2: {  	s0 =	srdreg.scid;
	s2 =	rddreg [dreg:$0x1];
	s3 =	simm.s32 $0x0  }
0x3: {  	s16 =	simm.s32 $0x5700;
	s17 =	simm.s32 $0x3;
	s18 =	simm.s32 $0x2780  }
0x4: {  	s19 =	simm.s32 $0x80;
	s6 =	sand.u32 $0x1, s0;
	s0 =	stileid.u32  }
0x5: {  	s20 =	simm.s32 $0x4F00;
	s21 =	simm.s32 $0x1;
	s8 =	smul.u32 $0x14000, s0  }
0x6: {  	s22 =	simm.s32 $0x2;
	[smem:$0x7FF] =	sst s3;
	s9 =	smul.u32 $0x140000, s6  }
0x7: {  	s5 =	sadd.s32 $0x16A00, s7;
	s1 =	sshll.u32 s6, $0x4;
	s10 =	smul.u32 $0x50000, s0  }
0x8: {  	s6 =	ssub.s32 $0x2, s6;
	s13 =	sor.u32 s0, s1;
	s1 =	rddreg [dreg:$0x2]  }
0x9: {  	_ =	strace $0x8000004D;
	s31 =	sshrl.u32 s6, $0x1;
	s4 =	smul.u32 $0x4F0, s13  }
0xa: {  	s9 =	sadd.s32 s8, s9;
	s10 =	sshrl.u32 s10, $0x2;
	s15 =	ssub.s32 s6, s31  }
0xb: {  	s6 =	sadd.s32 s8, s2;
	s13 =	smul.u32 $0x2780, s13;
	s9 =	sshrl.u32 s9, $0x3  }
0xc: {  	s10 =	sadd.s32 s10, s2;
	s15 =	smax.u32 s15, $0x1;
	s12 =	sadd.s32 s4, s7  }
0xd: {  	s4 =	sadd.s32 $0x5CA00, s7;
	s14 =	sadd.s32 s9, s7;
	s7 =	sadd.s32 $0x4000, s10  }
0xe: {  	s8 =	sadd.s32 $0x8000, s10;
	s9 =	sadd.s32 $0xC000, s10;
	s10 =	sadd.s32 $0x10000, s10  }
0xf: {  	v0 =	vimm.f32 $0.0e+00;
	s11 =	sadd.s32 $0x2E00, s12;
	s12 =	sadd.s32 $0xCC00, s12;
	s14 =	sadd.s32 $0xFAA00, s14  }
.LBB2_1:
0x10: {  	s23 =	simm.s32 $0x0;
	s24 =	simm.s32 $0x200  }
.LBB2_2:
0x11: {  	p0 =	sne.s32 s24, $0xFE00;
	[tilespmem:s23+$0x5770] =	vst v0  }
0x12: {  	[tilespmem:s23+$0x5700] =	vst v0  }
0x13: {  	[tilespmem:s23+$0x5710] =	vst v0  }
.Ltmp0:
0x14: {  	[tilespmem:s23+$0x5720] =	vst v0;
	(pc) =	sbr.rel @p0 .LBB2_2-.Ltmp0, $4  }
0x15: {  	[tilespmem:s23+$0x5730] =	vst v0  }
0x16: {  	[tilespmem:s23+$0x5740] =	vst v0  }
0x17: {  	[tilespmem:s23+$0x5750] =	vst v0  }
0x18: {  	[tilespmem:s23+$0x5760] =	vst v0;
	s23 =	sshra.s32 s24, $0x2;
	s24 =	sadd.s32 $0x200, s24  }
0x19: {  	[tilespmem:s23+$0x5770] =	vst v0  }
0x1a: {  	[tilespmem:s23+$0x5700] =	vst v0  }
0x1b: {  	[tilespmem:s23+$0x5710] =	vst v0  }
0x1c: {  	[tilespmem:s23+$0x5720] =	vst v0  }
0x1d: {  	[tilespmem:s23+$0x5730] =	vst v0  }
0x1e: {  	[tilespmem:s23+$0x5740] =	vst v0  }
0x1f: {  	[tilespmem:s23+$0x5750] =	vst v0  }
0x20: {  	[tilespmem:s23+$0x5760] =	vst v0  }
0x21: {  	[spmem:s6] =	stream.linear.scatter [tilespmem:s16], [sflag:$0x3], $0x4000, $0x38;
	[tilespmem:$0x1D700] =	vst v63  }
0x22: {  	_ =	swait.ge [sflag:s17], $0x4000  }
0x23: {  	[sflag:s17] =	ssyncset.done $0x0  }
0x24: {  	[sflag:s17] =	ssyncadd.s32 $0xFFFFC000  }
0x25: {  	[spmem:s7] =	stream.linear.scatter [tilespmem:s16], [sflag:$0x3], $0x4000, $0x38;
	[tilespmem:$0x1D700] =	vst v63  }
0x26: {  	_ =	swait.ge [sflag:s17], $0x4000  }
0x27: {  	[sflag:s17] =	ssyncset.done $0x0  }
0x28: {  	[sflag:s17] =	ssyncadd.s32 $0xFFFFC000  }
0x29: {  	[spmem:s8] =	stream.linear.scatter [tilespmem:s16], [sflag:$0x3], $0x4000, $0x38;
	[tilespmem:$0x1D700] =	vst v63  }
0x2a: {  	_ =	swait.ge [sflag:s17], $0x4000  }
0x2b: {  	[sflag:s17] =	ssyncset.done $0x0  }
0x2c: {  	[sflag:s17] =	ssyncadd.s32 $0xFFFFC000  }
0x2d: {  	[spmem:s9] =	stream.linear.scatter [tilespmem:s16], [sflag:$0x3], $0x4000, $0x38;
	[tilespmem:$0x1D700] =	vst v63  }
0x2e: {  	_ =	swait.ge [sflag:s17], $0x4000  }
0x2f: {  	[sflag:s17] =	ssyncset.done $0x0  }
0x30: {  	[sflag:s17] =	ssyncadd.s32 $0xFFFFC000  }
0x31: {  	[spmem:s10] =	stream.linear.scatter [tilespmem:s16], [sflag:$0x3], $0x4000, $0x38;
	[tilespmem:$0x1D700] =	vst v63  }
0x32: {  	_ =	swait.ge [sflag:s17], $0x4000  }
0x33: {  	[sflag:s17] =	ssyncset.done $0x0  }
0x34: {  	[sflag:s17] =	ssyncadd.s32 $0xFFFFC000  }
0x35: {  	s23 =	simm.s32 $0x0;
	[bflag:$0x0] =	sbarrier.arrive $0xFFFF  }
0x36: {  	[tilespmem:s23], [sflag:$0x3] =	stream.linear.gather [hbm4b:s11+s23], $0x2780, $0x38;
	[tilespmem:$0x1D700] =	vst v63  }
0x37: {  	_ =	swait.ge [sflag:s17], $0x2780  }
0x38: {  	[sflag:s17] =	ssyncset.done $0x0  }
0x39: {  	[sflag:s17] =	ssyncadd.s32 $0xFFFFD880  }
0x3a: {  	[tilespmem:s18], [sflag:$0x3] =	stream.linear.gather [hbm4b:s12+s23], $0x2780, $0x38;
	[tilespmem:$0x1D700] =	vst v63  }
0x3b: {  	_ =	swait.ge [sflag:s17], $0x2780  }
0x3c: {  	[sflag:s17] =	ssyncset.done $0x0  }
0x3d: {  	s24 =	simm.s32 $0x0;
	[sflag:s17] =	ssyncadd.s32 $0xFFFFD880  }
.LBB2_4:
0x3e: {  	s25 =	sshll.u32 s24, $0x7  }
0x3f: {  	[tilespmem:s16], [sflag:$0x1] =	stream.indirect.gather [hbm4b:s5+s19], $0x80, s25, s19, $0xb8;
	[tilespmem:$0x1D700] =	vst v63  }
0x40: {  	s26 =	sadd.s32 s13, s25  }
0x41: {  	s26 =	sshll.u32 s26, $0x1  }
0x42: {  	s26 =	sadd.s32 s4, s26  }
0x43: {  	[tilespmem:s20], [sflag:$0x2] =	stream.linear.gather [hbm4b:s26+s23], $0x800, $0x38;
	[tilespmem:$0x1D700] =	vst v63  }
0x44: {  	_ =	swait.ge [sflag:s21], $0x4000  }
0x45: {  	[sflag:s21] =	ssyncset.done $0x0  }
0x46: {  	[sflag:s21] =	ssyncadd.s32 $0xFFFFC000  }
0x47: {  	_ =	swait.ge [sflag:s22], $0x800  }
0x48: {  	[sflag:s22] =	ssyncset.done $0x0  }
0x49: {  	s26 =	simm.s32 $0x5740;
	[sflag:s22] =	ssyncadd.s32 $0xFFFFF800  }
0x4a: {  	s30 =	simm.s32 $0x0;
	s29 =	simm.s32 $0x40;
	s28 =	simm.s32 $0x5740;
	v1 =	vld [tilespmem:s26+$0xFFFFFFF0]  }
.LBB2_5:
0x4b: {  	p0 =	sne.s32 s29, $0x1FC0;
	v2 =	vld [tilespmem:s30+$0x4F00]  }
0x4c: {  	v3 =	vld [tilespmem:s26+$0xFFFFFFD0]  }
0x4d: {  	v4 =	vld [tilespmem:s26+$0xFFFFFFC0]  }
0x4e: {  	v5 =	vld [tilespmem:s26+$0xFFFFFFE0]  }
0x4f: {  	v6 =	vld [tilespmem:s26+$0x30]  }
0x50: {  	v7 =	vbroadcast v2, $0x0;
	v8 =	vbroadcast v2, $0x1;
	v9 =	vld [tilespmem:s26+$0x10]  }
0x51: {  	v10 =	vbroadcast v2, $0x2;
	v11 =	vbroadcast v2, $0x3;
	v12 =	vld [tilespmem:s26+$0x0]  }
0x52: {  	v4 =	vmul.f32 v7, v4;
	v3 =	vmul.f32 v3, v8;
	v7 =	vld [tilespmem:s26+$0x20]  }
0x53: {  	v1 =	vmul.f32 v1, v11;
	v5 =	vmul.f32 v5, v10  }
0x54: {  	v8 =	vbroadcast v2, $0x5;
	[tilespmem:s26+$0xFFFFFFC0] =	vst v4;
	v4 =	vbroadcast v2, $0x4  }
0x55: {  	[tilespmem:s26+$0xFFFFFFD0] =	vst v3;
	v3 =	vbroadcast v2, $0x6;
	v2 =	vbroadcast v2, $0x7  }
0x56: {  	[tilespmem:s26+$0xFFFFFFE0] =	vst v5;
	v4 =	vmul.f32 v12, v4;
	v5 =	vmul.f32 v9, v8  }
.Ltmp1:
0x57: {  	[tilespmem:s26+$0xFFFFFFF0] =	vst v1;
	v1 =	vmul.f32 v7, v3;
	v2 =	vmul.f32 v6, v2;
	(pc) =	sbr.rel @p0 .LBB2_5-.Ltmp1, $4  }
0x58: {  	[tilespmem:s26+$0x0] =	vst v4  }
0x59: {  	[tilespmem:s26+$0x10] =	vst v5  }
0x5a: {  	s26 =	sadd.s32 $0x80, s26;
	[tilespmem:s28+$0x20] =	vst v1  }
0x5b: {  	s30 =	sshra.s32 s29, $0x2;
	s29 =	sadd.s32 $0x40, s29;
	v1 =	vld [tilespmem:s26+$0xFFFFFFF0];
	[tilespmem:s28+$0x30] =	vst v2;
	s28 =	smov.u32 s26  }
0x5c: {  	v2 =	vld [tilespmem:s30+$0x4F00];
	_ =	sdelay $0x1  }
0x5d: {  	v3 =	vld [tilespmem:s26+$0xFFFFFFC0]  }
0x5e: {  	v4 =	vld [tilespmem:s26+$0xFFFFFFD0]  }
0x5f: {  	v5 =	vld [tilespmem:s26+$0xFFFFFFE0]  }
0x60: {  	v6 =	vbroadcast v2, $0x0  }
0x61: {  	v9 =	vld [tilespmem:s26+$0x10];
	v7 =	vbroadcast v2, $0x1  }
0x62: {  	v8 =	vld [tilespmem:s26+$0x0];
	v10 =	vbroadcast v2, $0x2;
	v3 =	vmul.f32 v6, v3  }
0x63: {  	v60 =	vld [tilespmem:s26+$0x20];
	v59 =	vbroadcast v2, $0x3;
	v4 =	vmul.f32 v4, v7  }
0x64: {  	v11 =	vld [tilespmem:s26+$0x30];
	v61 =	vbroadcast v2, $0x5;
	v5 =	vmul.f32 v5, v10;
	[tilespmem:s26+$0xFFFFFFC0] =	vst v3  }
0x65: {  	v1 =	vmul.f32 v1, v59;
	v3 =	vbroadcast v2, $0x4;
	[tilespmem:s26+$0xFFFFFFD0] =	vst v4  }
0x66: {  	v62 =	vbroadcast v2, $0x6;
	v63 =	vmul.f32 v9, v61;
	[tilespmem:s26+$0xFFFFFFE0] =	vst v5  }
0x67: {  	v2 =	vbroadcast v2, $0x7;
	[tilespmem:s26+$0xFFFFFFF0] =	vst v1;
	v3 =	vmul.f32 v8, v3  }
0x68: {  	v1 =	vmul.f32 v60, v62;
	[tilespmem:s26+$0x10] =	vst v63  }
0x69: {  	s24 =	sadd.s32 $0x1, s24;
	v2 =	vmul.f32 v11, v2;
	[tilespmem:s26+$0x0] =	vst v3  }
0x6a: {  	p0 =	sne.s32 s24, $0x4F;
	[tilespmem:s28+$0x20] =	vst v1  }
.Ltmp2:
0x6b: {  	s25 =	sadd.s32 $0x2780, s25;
	[tilespmem:s28+$0x30] =	vst v2;
	(pc) =	sbr.rel @p0 .LBB2_4-.Ltmp2, $4  }
0x6c: {  	[spmem:s2] =	stream.indirect.scatter.add.f32 [tilespmem:s16], [sflag:$0x3], $0x80, s25, s19, $0xb8;
	[tilespmem:$0x1D700] =	vst v63  }
0x6d: {  	_ =	swait.ge [sflag:s17], $0x4000  }
0x6e: {  	[sflag:s17] =	ssyncset.done $0x0  }
0x6f: {  	[sflag:s17] =	ssyncadd.s32 $0xFFFFC000  }
0x70: {  	s3 =	sadd.s32 $0x1, s3  }
0x71: {  	s23 =	sshll.u32 s0, $0x6;
	[bflag:$0x0] =	sbarrier.arrive $0xFFFF;
	p0 =	sne.s32 s3, s15  }
.Ltmp3:
0x72: {  	s24 =	sshrl.u32 s6, $0x3;
	s23 =	sor.u32 $0x1C03, s23;
	(pc) =	sbr.rel @p0 .LBB2_1-.Ltmp3, $4  }
0x73: {  	[hbm:s14], [sflag:s23] =	dma.local [spmem:s24], $0x2800  }
0x74: {  	_ =	swait.ge [sflag:s17], $0x2800  }
0x75: {  	[sflag:s17] =	ssyncset.done $0x0  }
0x76: {  	[sflag:s17] =	ssyncadd.s32 $0xFFFFD800  }
0x77: {  	_ =	sfence.sel $0x180000  }
0x78: {  	[bflag:$0x0] =	sbarrier.arrive $0xFFFF  }
0x79: {  	p0 =	sne.s32 s0, $0x0;
	_ =	strace $0x9000004D  }
0x7a: {  	s0 =	sadd.s32 @!p0 $0x100000, s1;
	[bflag:$0x2] =	sbarrier.arrive $0xFFFF  }
0x7b: {  	[sflag:s0] =	ssyncadd.tile.s32 @!p0 $0x1;
	_ =	shalt  }
.Lfunc_end2:
_tile_overlayer_lowered:
.L_overlay_start_2:
0x7c: {  	(tag) =	ssettag $0x2  }
0x7d: {  	s0 =	rddreg [dreg:$0x0];
	s2 =	stileid.u32  }
0x7e: {  	s1 =	rddreg [dreg:$0x1];
	p0 =	sne.s32 s2, $0x0  }
0x7f: {  	s3 =	rddreg [dreg:$0x2];
	[bflag:$0x3] =	sbarrier.arrive $0xFFFF;
	s2 =	simm.s32 @!p0 $0x1C03  }
0x80: {  	[timem:s3], [sflag:s2] =	dma.local @!p0 [hbm:s0], s1  }
0x81: {  	s0 =	simm.s32 @!p0 $0x3  }
0x82: {  	_ =	swait.ge @!p0 [sflag:s0], s1  }
0x83: {  	s1 =	ssub.s32 @!p0 $0x0, s1;
	[sflag:s0] =	ssyncset.done @!p0 $0x0  }
0x84: {  	[sflag:s0] =	ssyncadd.s32 @!p0 s1  }
0x85: {  	[bflag:$0x3] =	sbarrier.arrive $0xFFFF  }
0x86: {  	_ =	shalt  }

// kernel: kernel.22.cloned.1.call-start
scs
__scs_entry_jumppad:
0x0: {  	(pc) =	sbr.rel $0x88, $3  }
0x1: {  	(tag) =	ssettag $0x0;
	lr =	simm.s32 $0x1  }
0x2: {  	[smem:$0x3F9A] =	sst lr;
	_ =	strace $0xD0000000  }
0x3: {  	_ = 	snop  }
0x4: {  	_ = 	snop  }
0x5: {  	_ = 	snop  }
0x6: {  	_ = 	snop  }
0x7: {  	_ = 	snop  }
__scs_overlays_trampoline_lowered:
0x8: {  	[smem:$0x3FA9] =	sst s0  }
0x9: {  	[smem:$0x3FAA] =	sst s1  }
0xa: {  	[smem:$0x3FAB] =	sst s2  }
0xb: {  	[smem:$0x3FAC] =	sst s3  }
0xc: {  	[smem:$0x3FAD] =	sst s4  }
0xd: {  	[smem:$0x3FAE] =	sst s5  }
0xe: {  	[smem:$0x3FAF] =	sst s6  }
0xf: {  	[smem:$0x3FB0] =	sst s7  }
0x10: {  	[smem:$0x3FB1] =	sst s8  }
0x11: {  	[smem:$0x3FB2] =	sst s9;
	s0 =	simm.s32 @!p0 $0x0  }
0x12: {  	s1 =	sld [smem:$0x3F98];
	s0 =	simm.s32 @p0 $0x1  }
0x13: {  	[smem:$0x3FB3] =	sst s0;
	s0 =	simm.s32 @!p1 $0x0  }
0x14: {  	s2 =	sld [smem:$0x3F97];
	s0 =	simm.s32 @p1 $0x1  }
0x15: {  	[smem:$0x3FB4] =	sst s0;
	s0 =	simm.s32 @!p2 $0x0  }
0x16: {  	s3 =	sld [smem:$0x3FDB];
	s0 =	simm.s32 @p2 $0x1  }
0x17: {  	s4 =	simm.s32 $0x1BF5;
	[smem:$0x3FB6] =	sst s0  }
0x18: {  	s0 =	sld [smem:$0x3F99];
	_ =	swait.ge [sflag:s4], $0x0  }
0x19: {  	s7 =	sld [smem:$0x3F9A]  }
0x1a: {  	s8 =	sadd.s32 $0xFFFFE003, lr  }
0x1b: {  	s9 =	sadd.s32 $0xFFFFFEF7, lr;
	s5 =	simm.s32 $0xFFFFFFFF;
	p2 =	slt.u32 s8, $0xFFFFF086  }
0x1c: {  	p1 =	slt.u32 s9, $0xF7A;
	s5 =	simm.s32 @!p2 $0x0  }
0x1d: {  	s5 =	simm.s32 @p1 $0x1;
	p0 =	seq.s32 s7, s2  }
0x1e: {  	s7 =	smul.u32 @!p0 $0xF7A, s2;
	p2 =	seq.s32 @!p0 s5, $0x0  }
0x1f: {  	s9 =	smul.u32 $0xF7A, s1;
	s8 =	simm.s32 @!p0 $0x1BF5;
	p2 =	por !p2, p0  }
0x20: {  	[sflag:s8] =	ssyncset.s32 @!p0 $0xFFFFF086;
	s6 =	sadd.s32 @!p0 s3, s7;
	s7 =	simm.s32 @!p0 $0x108  }
0x21: {  	s3 =	sadd.s32 s3, s9;
	s6 =	sadd.s32 @!p0 $0x88, s6;
	s7 =	simm.s32 @p2 $0x1082  }
0x22: {  	[simem:s7], [sflag:s8] =	dma.local @!p0 [hbm:s6], $0xF7A  }
0x23: {  	s9 =	sor.u32 $0xD0000000, s2;
	s6 =	simm.s32 $0x108;
	_ =	swait.ge @!p0 [sflag:s8], $0x0  }
0x24: {  	s3 =	sadd.s32 $0x88, s3;
	s6 =	simm.s32 @!p1 $0x1082;
	[sflag:s4] =	ssyncset.s32 $0xFFFFF086  }
0x25: {  	[simem:s6], [sflag:s4] =	dma.local [hbm:s3], $0xF7A  }
0x26: {  	[smem:$0x3F9A] =	sst s1;
	(tag) =	ssettag s2;
	_ =	strace s9  }
0x27: {  	s1 =	sld [smem:$0x3FAA]  }
0x28: {  	s2 =	sld [smem:$0x3FAB]  }
0x29: {  	s4 =	sld [smem:$0x3FAD]  }
0x2a: {  	p0 =	seq.s32 s5, $0x0;
	s5 =	sld [smem:$0x3FAE]  }
0x2b: {  	s6 =	sld [smem:$0x3FAF]  }
0x2c: {  	s7 =	sld [smem:$0x3FB0]  }
0x2d: {  	s3 =	simm.s32 $0x108;
	s8 =	sld [smem:$0x3FB1]  }
0x2e: {  	s3 =	simm.s32 @!p0 $0x1082;
	s9 =	sld [smem:$0x3FB2]  }
0x2f: {  	lr =	sadd.s32 s0, s3;
	s0 =	sld [smem:$0x3FA9]  }
0x30: {  	s3 =	sld [smem:$0x3FAC]  }
0x31: {  	[smem:$0x3FB5] =	sst s10  }
0x32: {  	s10 =	sld [smem:$0x3FB3];
	_ =	sdelay $0x3  }
0x33: {  	p0 =	seq.s32 s10, $0x1;
	s10 =	sld [smem:$0x3FB5];
	_ =	sdelay $0x3  }
0x34: {  	[smem:$0x3FB5] =	sst s10  }
0x35: {  	s10 =	sld [smem:$0x3FB4];
	_ =	sdelay $0x3  }
0x36: {  	p1 =	seq.s32 s10, $0x1;
	s10 =	sld [smem:$0x3FB5];
	_ =	sdelay $0x3  }
0x37: {  	[smem:$0x3FB5] =	sst s10  }
0x38: {  	s10 =	sld [smem:$0x3FB6]  }
0x39: {  	_ = 	snop;
	(pc) =	sbr.ind lr, $3  }
0x3a: {  	_ = 	snop  }
0x3b: {  	_ = 	snop  }
0x3c: {  	p2 =	seq.s32 s10, $0x1;
	s10 =	sld [smem:$0x3FB5]  }
0x3d: {  	_ =	shalt  }
0x3e: {  	_ =	shalt  }
0x3f: {  	_ =	shalt  }
0x40: {  	_ =	shalt  }
0x41: {  	_ =	shalt  }
0x42: {  	_ =	shalt  }
0x43: {  	_ =	shalt  }
0x44: {  	_ =	shalt  }
0x45: {  	_ =	shalt  }
0x46: {  	_ =	shalt  }
0x47: {  	_ =	shalt  }
0x48: {  	_ =	shalt  }
0x49: {  	_ =	shalt  }
0x4a: {  	_ =	shalt  }
0x4b: {  	_ =	shalt  }
0x4c: {  	_ =	shalt  }
0x4d: {  	_ =	shalt  }
0x4e: {  	_ =	shalt  }
0x4f: {  	_ =	shalt  }
0x50: {  	_ =	shalt  }
0x51: {  	_ =	shalt  }
0x52: {  	_ =	shalt  }
0x53: {  	_ =	shalt  }
0x54: {  	_ =	shalt  }
0x55: {  	_ =	shalt  }
0x56: {  	_ =	shalt  }
0x57: {  	_ =	shalt  }
0x58: {  	_ =	shalt  }
0x59: {  	_ =	shalt  }
0x5a: {  	_ =	shalt  }
0x5b: {  	_ =	shalt  }
0x5c: {  	_ =	shalt  }
0x5d: {  	_ =	shalt  }
0x5e: {  	_ =	shalt  }
0x5f: {  	_ =	shalt  }
0x60: {  	_ =	shalt  }
0x61: {  	_ =	shalt  }
0x62: {  	_ =	shalt  }
0x63: {  	_ =	shalt  }
0x64: {  	_ =	shalt  }
0x65: {  	_ =	shalt  }
0x66: {  	_ =	shalt  }
0x67: {  	_ =	shalt  }
0x68: {  	_ =	shalt  }
0x69: {  	_ =	shalt  }
0x6a: {  	_ =	shalt  }
0x6b: {  	_ =	shalt  }
0x6c: {  	_ =	shalt  }
0x6d: {  	_ =	shalt  }
0x6e: {  	_ =	shalt  }
0x6f: {  	_ =	shalt  }
0x70: {  	_ =	shalt  }
0x71: {  	_ =	shalt  }
0x72: {  	_ =	shalt  }
0x73: {  	_ =	shalt  }
0x74: {  	_ =	shalt  }
0x75: {  	_ =	shalt  }
0x76: {  	_ =	shalt  }
0x77: {  	_ =	shalt  }
0x78: {  	_ =	shalt  }
0x79: {  	_ =	shalt  }
0x7a: {  	_ =	shalt  }
0x7b: {  	_ =	shalt  }
0x7c: {  	_ =	shalt  }
0x7d: {  	_ =	shalt  }
0x7e: {  	_ =	shalt  }
0x7f: {  	_ =	shalt  }
0x80: {  	_ =	shalt  }
0x81: {  	_ =	shalt  }
0x82: {  	_ =	shalt  }
0x83: {  	_ =	shalt  }
0x84: {  	_ =	shalt  }
0x85: {  	_ =	shalt  }
0x86: {  	_ =	shalt  }
0x87: {  	_ =	shalt  }
.Lfunc_end0:
.L_simem_size_0:
called_computation.3_lowered:
.L_overlay_start_0:
0x88: {  	s2 =	sld [smem:$0x3FD9]  }
0x89: {  	s3 =	sld [smem:$0x3FFE];
	_ =	sdelay $0x1  }
0x8a: {  	s1 =	srdreg.scid  }
0x8b: {  	s0 =	sand.u32 $0x1, s1  }
0x8c: {  	s16 =	sshll.u32 s0, $0xA;
	s2 =	sadd.s32 s3, s2  }
0x8d: {  	s2 =	sadd.s32 s2, s16  }
0x8e: {  	[smem:$0x3FC1] =	sst s2  }
0x8f: {  	_ = 	snop  }
0x90: {  	(tm) =	ssettm $0x1  }
0x91: {  	s17 =	sld [smem:$0x3FFB];
	_ =	sdelay $0x3  }
0x92: {  	_ =	strace s17  }
0x93: {  	s2 =	sld [smem:$0x3FFC];
	_ =	sdelay $0x3  }
0x94: {  	_ =	strace s2  }
0x95: {  	s2 =	sld [smem:$0x3FFD];
	_ =	sdelay $0x3  }
0x96: {  	_ =	strace s2  }
0x97: {  	_ =	strace $0x8FFFFFFF  }
0x98: {  	s18 =	sld [smem:$0x3FDB];
	_ =	sdelay $0x1  }
0x99: {  	s19 =	simm.s32 $_scs_section_size  }
0x9a: {  	s4 =	simm.s32 $_size__tile_overlayer_lowered;
	s5 =	simm.s32 $_tile_overlayer_lowered  }
0x9b: {  	s22 =	simm.s32 $0x1BFF;
	s21 =	sshll.u32 s5, $0x1;
	s2 =	sadd.s32 s19, s18  }
0x9c: {  	s6 =	simm.s32 $0x0;
	s20 =	sshll.u32 s4, $0x1;
	s4 =	sadd.s32 s21, s2  }
0x9d: {  	[timem:s6], [sflag:s22] =	dma.local [hbm:s4], s20  }
0x9e: {  	_ =	swait.ge [sflag:s22], s20  }
0x9f: {  	s3 =	ssub.s32 $0x0, s20;
	[sflag:s22] =	ssyncset.done $0x0  }
0xa0: {  	[sflag:s22] =	ssyncadd.s32 s3;
	_ =	sdelay $0x1  }
0xa1: {  	s23 =	simm.s32 $0x1B8B  }
0xa2: {  	_ =	swait.ge [sflag:s23], $0x1  }
0xa3: {  	[sflag:s23] =	ssyncset.done $0x0  }
0xa4: {  	s25 =	simm.s32 $0x1B8E;
	s24 =	sld [smem:$0x3FFE];
	[sflag:s23] =	ssyncadd.s32 $0xFFFFFFFF  }
0xa5: {  	s26 =	simm.s32 $execute0_lowered;
	[smem:$0x3FD2] =	sst s25  }
0xa6: {  	s4 =	sshll.u32 s26, $0x1;
	_ =	strace $0x8000004F;
	[dreg:$0x1] =	wrdreg $0xFFFFFFFF  }
0xa7: {  	s28 =	simm.s32 $_size_execute0_lowered;
	s2 =	sadd.s32 s2, s4;
	[dreg:$0x0] =	wrdreg $0x0  }
0xa8: {  	s4 =	sshll.u32 s28, $0x1;
	[dreg:$0x2] =	wrdreg s2  }
0xa9: {  	[dreg:$0x3] =	wrdreg s4  }
0xaa: {  	[dreg:$0x4] =	wrdreg $0xC0  }
0xab: {  	_ =	task [dreg:s6], $0x5FFFF  }
0xac: {  	[dreg:$0x1] =	wrdreg $0xFFFFFFFF  }
0xad: {  	[dreg:$0x0] =	wrdreg $0x60  }
0xae: {  	[dreg:$0x2] =	wrdreg s24  }
0xaf: {  	[dreg:$0x3] =	wrdreg $0x7F000  }
0xb0: {  	[dreg:$0x4] =	wrdreg $0x9  }
0xb1: {  	_ =	task.clear_ibuf [dreg:s6], $0x5FFFF;
	_ =	strace $0x9000004F  }
0xb2: {  	s29 =	simm.s32 $0x9;
	_ =	strace $0x80000051  }
0xb3: {  	_ =	swait.ge [sflag:s29], $0x1  }
0xb4: {  	[sflag:s29] =	ssyncadd.s32 $0xFFFFFFFF  }
0xb5: {  	_ =	strace $0x90000051  }
0xb6: {  	_ =	sfence  }
0xb7: {  	s30 =	sld [smem:$0x0];
	_ =	sdelay $0x2  }
0xb8: {  	s31 =	sshll.u32 s1, $0xD;
	s1 =	sshrl.u32 s1, $0x2  }
0xb9: {  	s3 =	sand.u32 $0x4000, s31;
	s1 =	sadd.s32 s1, s30  }
0xba: {  	s0 =	sor.u32 s3, s0;
	s1 =	sshll.u32 s1, $0x11  }
0xbb: {  	s0 =	sor.u32 s1, s0  }
0xbc: {  	s0 =	sadd.s32 $0x8F2B, s0  }
0xbd: {  	[sflag:s0] =	ssyncadd.remote.s32 $0x1  }
0xbe: {  	_ =	sfence.sel $0xFFFF  }
0xbf: {  	[dreg:$0x0] =	wrdreg $0xFFFFFFFF;
	(pc) =	sbr.abs _section_cstart, $3  }
0xc0: {  	[dreg:$0x1] =	wrdreg $0xFFFFFFFF  }
0xc1: {  	_ =	task.clear_ibuf [dreg:s6], $0x2FFFF;
	_ =	strace $0x9FFFFFFF  }
0xc2: {  	(tm) =	ssettm $0x7FFFFFFF  }
0xc3: {  	_ =	shalt  }
tec
execute0_lowered:
.L_overlay_start_1:
0x0: {  	(tag) =	ssettag $0x1  }
0x1: {  	s5 =	rddreg [dreg:$0x0]  }
0x2: {  	s0 =	srdreg.scid;
	s2 =	rddreg [dreg:$0x1]  }
0x3: {  	s1 =	stileid.u32;
	s3 =	simm.s32 $0x0;
	s12 =	simm.s32 $0x2780  }
0x4: {  	s13 =	simm.s32 $0x80;
	s14 =	simm.s32 $0x4F00;
	s15 =	simm.s32 $0x1  }
0x5: {  	s4 =	sand.u32 $0x1, s0;
	s0 =	rddreg [dreg:$0x2];
	s7 =	smul.u32 $0x2800, s1  }
0x6: {  	[smem:$0x7FF] =	sst s3;
	s16 =	sshll.u32 s1, $0x6;
	s6 =	sshll.u32 s4, $0x4  }
0x7: {  	s8 =	smul.u32 $0x28000, s4;
	_ =	strace $0x80000050;
	s6 =	sor.u32 s1, s6  }
0x8: {  	s30 =	ssub.s32 $0x2, s4;
	s4 =	sadd.s32 $0x16A00, s5;
	s6 =	smul.u32 $0x4F0, s6  }
0x9: {  	s16 =	sor.u32 $0x1C02, s16;
	s31 =	sshrl.u32 s30, $0x1;
	s8 =	sadd.s32 s7, s8  }
0xa: {  	s11 =	ssub.s32 s30, s31;
	s29 =	sshrl.u32 s8, $0x3;
	s9 =	sadd.s32 s6, s5  }
0xb: {  	s10 =	sadd.s32 s29, s5;
	s5 =	sadd.s32 s7, s2;
	s6 =	sadd.s32 $0xCC00, s9  }
0xc: {  	s7 =	sadd.s32 $0x2E00, s9;
	s8 =	sadd.s32 $0x1BA00, s10;
	s9 =	smax.u32 s11, $0x1  }
0xd: {  	v0 =	vimm.f32 $0.0e+00;
	s10 =	simm.s32 $0x5700;
	s11 =	simm.s32 $0x2;
	s17 =	sshrl.u32 s5, $0x3  }
.LBB2_1:
0xe: {  	s18 =	simm.s32 $0x40;
	s19 =	simm.s32 $0x0  }
.LBB2_2:
0xf: {  	p0 =	sne.s32 s18, $0x9FC0;
	[tilespmem:s19+$0x5700] =	vst v0;
	s19 =	smov.u32 s18;
	s18 =	sadd.s32 $0x40, s18  }
.Ltmp0:
0x10: {  	(pc) =	sbr.rel @p0 .LBB2_2-.Ltmp0, $2  }
0x11: {  	_ =	sdelay $0x2  }
0x12: {  	s19 =	sshra.s32 s19, $0x2  }
0x13: {  	[tilespmem:s19+$0x5700] =	vst v0  }
0x14: {  	[spmem:s5] =	stream.linear.scatter [tilespmem:s10], [sflag:$0x2], $0x2800, $0x38;
	[tilespmem:$0xA700] =	vst v63  }
0x15: {  	_ =	swait.ge [sflag:s11], $0x2800  }
0x16: {  	[sflag:s11] =	ssyncset.done $0x0  }
0x17: {  	[sflag:s11] =	ssyncadd.s32 $0xFFFFD800  }
0x18: {  	s18 =	simm.s32 $0x0;
	[bflag:$0x0] =	sbarrier.arrive $0xFFFF  }
0x19: {  	[tilespmem:s18], [sflag:$0x2] =	stream.linear.gather [hbm4b:s6+s18], $0x2780, $0x38;
	[tilespmem:$0xA700] =	vst v63  }
0x1a: {  	_ =	swait.ge [sflag:s11], $0x2780  }
0x1b: {  	[sflag:s11] =	ssyncset.done $0x0  }
0x1c: {  	[sflag:s11] =	ssyncadd.s32 $0xFFFFD880  }
0x1d: {  	[tilespmem:s12], [sflag:$0x2] =	stream.linear.gather [hbm4b:s7+s18], $0x2780, $0x38;
	[tilespmem:$0xA700] =	vst v63  }
0x1e: {  	_ =	swait.ge [sflag:s11], $0x2780  }
0x1f: {  	[sflag:s11] =	ssyncset.done $0x0  }
0x20: {  	s30 =	simm.s32 $0x0;
	[sflag:s11] =	ssyncadd.s32 $0xFFFFD880  }
0x21: {  	[tilespmem:s14], [sflag:$0x1] =	stream.indirect.gather [hbm4b:s4+s13], $0x10, s30, s13, $0xb8;
	[tilespmem:$0xA700] =	vst v63  }
0x22: {  	_ =	swait.ge [sflag:s15], $0x800  }
0x23: {  	[sflag:s15] =	ssyncset.done $0x0  }
0x24: {  	s31 =	simm.s32 $0x2780;
	[sflag:s15] =	ssyncadd.s32 $0xFFFFF800  }
0x25: {  	[spmem:s2] =	stream.indirect.scatter.add.f32 [tilespmem:s14], [sflag:$0x2], $0x10, s31, s13, $0xb8;
	[tilespmem:$0xA700] =	vst v63  }
0x26: {  	_ =	swait.ge [sflag:s11], $0x800  }
0x27: {  	s19 =	simm.s32 $0x400;
	s18 =	simm.s32 $0x200;
	[sflag:s11] =	ssyncset.done $0x0  }
.LBB2_4:
0x28: {  	s20 =	sshra.s32 s18, $0x2  }
0x29: {  	[sflag:s11] =	ssyncadd.s32 $0xFFFFF800;
	s18 =	smov.u32 s19;
	s21 =	sadd.s32 $0x200, s19  }
0x2a: {  	[tilespmem:s14], [sflag:$0x1] =	stream.indirect.gather [hbm4b:s4+s13], $0x10, s20, s13, $0xb8;
	[tilespmem:$0xA700] =	vst v63  }
0x2b: {  	p0 =	sne.s32 s19, $0x9C00;
	_ =	swait.ge [sflag:s15], $0x800  }
.Ltmp1:
0x2c: {  	[sflag:s15] =	ssyncset.done $0x0;
	(pc) =	sbr.rel @p0 .LBB2_4-.Ltmp1, $4  }
0x2d: {  	s19 =	sadd.s32 $0x2780, s20;
	[sflag:s15] =	ssyncadd.s32 $0xFFFFF800  }
0x2e: {  	[spmem:s2] =	stream.indirect.scatter.add.f32 [tilespmem:s14], [sflag:$0x2], $0x10, s19, s13, $0xb8;
	[tilespmem:$0xA700] =	vst v63  }
0x2f: {  	_ =	swait.ge [sflag:s11], $0x800  }
0x30: {  	s19 =	smov.u32 s21;
	[sflag:s11] =	ssyncset.done $0x0  }
0x31: {  	s18 =	sshra.s32 s18, $0x2;
	[sflag:s11] =	ssyncadd.s32 $0xFFFFF800  }
0x32: {  	[tilespmem:s14], [sflag:$0x1] =	stream.indirect.gather [hbm4b:s4+s13], $0x10, s18, s13, $0xb8;
	[tilespmem:$0xA700] =	vst v63  }
0x33: {  	_ =	swait.ge [sflag:s15], $0x800  }
0x34: {  	[sflag:s15] =	ssyncset.done $0x0  }
0x35: {  	s18 =	sadd.s32 $0x2780, s18;
	[sflag:s15] =	ssyncadd.s32 $0xFFFFF800  }
0x36: {  	[spmem:s2] =	stream.indirect.scatter.add.f32 [tilespmem:s14], [sflag:$0x2], $0x10, s18, s13, $0xb8;
	[tilespmem:$0xA700] =	vst v63  }
0x37: {  	_ =	swait.ge [sflag:s11], $0x800  }
0x38: {  	s3 =	sadd.s32 $0x1, s3;
	[sflag:s11] =	ssyncset.done $0x0  }
0x39: {  	p0 =	sne.s32 s3, s9;
	[sflag:s11] =	ssyncadd.s32 $0xFFFFF800  }
.Ltmp2:
0x3a: {  	[bflag:$0x0] =	sbarrier.arrive $0xFFFF;
	(pc) =	sbr.rel @p0 .LBB2_1-.Ltmp2, $4  }
0x3b: {  	[hbm:s8], [sflag:s16] =	dma.local [spmem:s17], $0x500  }
0x3c: {  	_ =	swait.ge [sflag:s11], $0x500  }
0x3d: {  	[sflag:s11] =	ssyncset.done $0x0  }
0x3e: {  	[sflag:s11] =	ssyncadd.s32 $0xFFFFFB00  }
0x3f: {  	_ =	sfence.sel $0x180000  }
0x40: {  	[bflag:$0x0] =	sbarrier.arrive $0xFFFF  }
0x41: {  	p0 =	sne.s32 s1, $0x0;
	_ =	strace $0x90000050  }
0x42: {  	s0 =	sadd.s32 @!p0 $0x100000, s0;
	[bflag:$0x2] =	sbarrier.arrive $0xFFFF  }
0x43: {  	[sflag:s0] =	ssyncadd.tile.s32 @!p0 $0x1;
	_ =	shalt  }
.Lfunc_end2:
_tile_overlayer_lowered:
.L_overlay_start_2:
0x44: {  	(tag) =	ssettag $0x2  }
0x45: {  	s0 =	rddreg [dreg:$0x0];
	s2 =	stileid.u32  }
0x46: {  	s1 =	rddreg [dreg:$0x1];
	p0 =	sne.s32 s2, $0x0  }
0x47: {  	s3 =	rddreg [dreg:$0x2];
	[bflag:$0x3] =	sbarrier.arrive $0xFFFF;
	s2 =	simm.s32 @!p0 $0x1C02  }
0x48: {  	[timem:s3], [sflag:s2] =	dma.local @!p0 [hbm:s0], s1  }
0x49: {  	s0 =	simm.s32 @!p0 $0x2  }
0x4a: {  	_ =	swait.ge @!p0 [sflag:s0], s1  }
0x4b: {  	s1 =	ssub.s32 @!p0 $0x0, s1;
	[sflag:s0] =	ssyncset.done @!p0 $0x0  }
0x4c: {  	[sflag:s0] =	ssyncadd.s32 @!p0 s1  }
0x4d: {  	[bflag:$0x3] =	sbarrier.arrive $0xFFFF  }
0x4e: {  	_ =	shalt  }

// kernel: kernel.25.cloned.1.call-start
scs
__scs_entry_jumppad:
0x0: {  	(pc) =	sbr.rel $0x88, $3  }
0x1: {  	(tag) =	ssettag $0x0;
	lr =	simm.s32 $0x1  }
0x2: {  	[smem:$0x3F9A] =	sst lr;
	_ =	strace $0xD0000000  }
0x3: {  	_ = 	snop  }
0x4: {  	_ = 	snop  }
0x5: {  	_ = 	snop  }
0x6: {  	_ = 	snop  }
0x7: {  	_ = 	snop  }
__scs_overlays_trampoline_lowered:
0x8: {  	[smem:$0x3FA9] =	sst s0  }
0x9: {  	[smem:$0x3FAA] =	sst s1  }
0xa: {  	[smem:$0x3FAB] =	sst s2  }
0xb: {  	[smem:$0x3FAC] =	sst s3  }
0xc: {  	[smem:$0x3FAD] =	sst s4  }
0xd: {  	[smem:$0x3FAE] =	sst s5  }
0xe: {  	[smem:$0x3FAF] =	sst s6  }
0xf: {  	[smem:$0x3FB0] =	sst s7  }
0x10: {  	[smem:$0x3FB1] =	sst s8  }
0x11: {  	[smem:$0x3FB2] =	sst s9;
	s0 =	simm.s32 @!p0 $0x0  }
0x12: {  	s1 =	sld [smem:$0x3F98];
	s0 =	simm.s32 @p0 $0x1  }
0x13: {  	[smem:$0x3FB3] =	sst s0;
	s0 =	simm.s32 @!p1 $0x0  }
0x14: {  	s2 =	sld [smem:$0x3F97];
	s0 =	simm.s32 @p1 $0x1  }
0x15: {  	[smem:$0x3FB4] =	sst s0;
	s0 =	simm.s32 @!p2 $0x0  }
0x16: {  	s3 =	sld [smem:$0x3FDB];
	s0 =	simm.s32 @p2 $0x1  }
0x17: {  	s4 =	simm.s32 $0x1BF5;
	[smem:$0x3FB6] =	sst s0  }
0x18: {  	s0 =	sld [smem:$0x3F99];
	_ =	swait.ge [sflag:s4], $0x0  }
0x19: {  	s7 =	sld [smem:$0x3F9A]  }
0x1a: {  	s8 =	sadd.s32 $0xFFFFE003, lr  }
0x1b: {  	s9 =	sadd.s32 $0xFFFFFEF7, lr;
	s5 =	simm.s32 $0xFFFFFFFF;
	p2 =	slt.u32 s8, $0xFFFFF086  }
0x1c: {  	p1 =	slt.u32 s9, $0xF7A;
	s5 =	simm.s32 @!p2 $0x0  }
0x1d: {  	s5 =	simm.s32 @p1 $0x1;
	p0 =	seq.s32 s7, s2  }
0x1e: {  	s7 =	smul.u32 @!p0 $0xF7A, s2;
	p2 =	seq.s32 @!p0 s5, $0x0  }
0x1f: {  	s9 =	smul.u32 $0xF7A, s1;
	s8 =	simm.s32 @!p0 $0x1BF5;
	p2 =	por !p2, p0  }
0x20: {  	[sflag:s8] =	ssyncset.s32 @!p0 $0xFFFFF086;
	s6 =	sadd.s32 @!p0 s3, s7;
	s7 =	simm.s32 @!p0 $0x108  }
0x21: {  	s3 =	sadd.s32 s3, s9;
	s6 =	sadd.s32 @!p0 $0x88, s6;
	s7 =	simm.s32 @p2 $0x1082  }
0x22: {  	[simem:s7], [sflag:s8] =	dma.local @!p0 [hbm:s6], $0xF7A  }
0x23: {  	s9 =	sor.u32 $0xD0000000, s2;
	s6 =	simm.s32 $0x108;
	_ =	swait.ge @!p0 [sflag:s8], $0x0  }
0x24: {  	s3 =	sadd.s32 $0x88, s3;
	s6 =	simm.s32 @!p1 $0x1082;
	[sflag:s4] =	ssyncset.s32 $0xFFFFF086  }
0x25: {  	[simem:s6], [sflag:s4] =	dma.local [hbm:s3], $0xF7A  }
0x26: {  	[smem:$0x3F9A] =	sst s1;
	(tag) =	ssettag s2;
	_ =	strace s9  }
0x27: {  	s1 =	sld [smem:$0x3FAA]  }
0x28: {  	s2 =	sld [smem:$0x3FAB]  }
0x29: {  	s4 =	sld [smem:$0x3FAD]  }
0x2a: {  	p0 =	seq.s32 s5, $0x0;
	s5 =	sld [smem:$0x3FAE]  }
0x2b: {  	s6 =	sld [smem:$0x3FAF]  }
0x2c: {  	s7 =	sld [smem:$0x3FB0]  }
0x2d: {  	s3 =	simm.s32 $0x108;
	s8 =	sld [smem:$0x3FB1]  }
0x2e: {  	s3 =	simm.s32 @!p0 $0x1082;
	s9 =	sld [smem:$0x3FB2]  }
0x2f: {  	lr =	sadd.s32 s0, s3;
	s0 =	sld [smem:$0x3FA9]  }
0x30: {  	s3 =	sld [smem:$0x3FAC]  }
0x31: {  	[smem:$0x3FB5] =	sst s10  }
0x32: {  	s10 =	sld [smem:$0x3FB3];
	_ =	sdelay $0x3  }
0x33: {  	p0 =	seq.s32 s10, $0x1;
	s10 =	sld [smem:$0x3FB5];
	_ =	sdelay $0x3  }
0x34: {  	[smem:$0x3FB5] =	sst s10  }
0x35: {  	s10 =	sld [smem:$0x3FB4];
	_ =	sdelay $0x3  }
0x36: {  	p1 =	seq.s32 s10, $0x1;
	s10 =	sld [smem:$0x3FB5];
	_ =	sdelay $0x3  }
0x37: {  	[smem:$0x3FB5] =	sst s10  }
0x38: {  	s10 =	sld [smem:$0x3FB6]  }
0x39: {  	_ = 	snop;
	(pc) =	sbr.ind lr, $3  }
0x3a: {  	_ = 	snop  }
0x3b: {  	_ = 	snop  }
0x3c: {  	p2 =	seq.s32 s10, $0x1;
	s10 =	sld [smem:$0x3FB5]  }
0x3d: {  	_ =	shalt  }
0x3e: {  	_ =	shalt  }
0x3f: {  	_ =	shalt  }
0x40: {  	_ =	shalt  }
0x41: {  	_ =	shalt  }
0x42: {  	_ =	shalt  }
0x43: {  	_ =	shalt  }
0x44: {  	_ =	shalt  }
0x45: {  	_ =	shalt  }
0x46: {  	_ =	shalt  }
0x47: {  	_ =	shalt  }
0x48: {  	_ =	shalt  }
0x49: {  	_ =	shalt  }
0x4a: {  	_ =	shalt  }
0x4b: {  	_ =	shalt  }
0x4c: {  	_ =	shalt  }
0x4d: {  	_ =	shalt  }
0x4e: {  	_ =	shalt  }
0x4f: {  	_ =	shalt  }
0x50: {  	_ =	shalt  }
0x51: {  	_ =	shalt  }
0x52: {  	_ =	shalt  }
0x53: {  	_ =	shalt  }
0x54: {  	_ =	shalt  }
0x55: {  	_ =	shalt  }
0x56: {  	_ =	shalt  }
0x57: {  	_ =	shalt  }
0x58: {  	_ =	shalt  }
0x59: {  	_ =	shalt  }
0x5a: {  	_ =	shalt  }
0x5b: {  	_ =	shalt  }
0x5c: {  	_ =	shalt  }
0x5d: {  	_ =	shalt  }
0x5e: {  	_ =	shalt  }
0x5f: {  	_ =	shalt  }
0x60: {  	_ =	shalt  }
0x61: {  	_ =	shalt  }
0x62: {  	_ =	shalt  }
0x63: {  	_ =	shalt  }
0x64: {  	_ =	shalt  }
0x65: {  	_ =	shalt  }
0x66: {  	_ =	shalt  }
0x67: {  	_ =	shalt  }
0x68: {  	_ =	shalt  }
0x69: {  	_ =	shalt  }
0x6a: {  	_ =	shalt  }
0x6b: {  	_ =	shalt  }
0x6c: {  	_ =	shalt  }
0x6d: {  	_ =	shalt  }
0x6e: {  	_ =	shalt  }
0x6f: {  	_ =	shalt  }
0x70: {  	_ =	shalt  }
0x71: {  	_ =	shalt  }
0x72: {  	_ =	shalt  }
0x73: {  	_ =	shalt  }
0x74: {  	_ =	shalt  }
0x75: {  	_ =	shalt  }
0x76: {  	_ =	shalt  }
0x77: {  	_ =	shalt  }
0x78: {  	_ =	shalt  }
0x79: {  	_ =	shalt  }
0x7a: {  	_ =	shalt  }
0x7b: {  	_ =	shalt  }
0x7c: {  	_ =	shalt  }
0x7d: {  	_ =	shalt  }
0x7e: {  	_ =	shalt  }
0x7f: {  	_ =	shalt  }
0x80: {  	_ =	shalt  }
0x81: {  	_ =	shalt  }
0x82: {  	_ =	shalt  }
0x83: {  	_ =	shalt  }
0x84: {  	_ =	shalt  }
0x85: {  	_ =	shalt  }
0x86: {  	_ =	shalt  }
0x87: {  	_ =	shalt  }
.Lfunc_end0:
.L_simem_size_0:
called_computation.4_lowered:
.L_overlay_start_0:
0x88: {  	s2 =	sld [smem:$0x3FD9]  }
0x89: {  	s3 =	sld [smem:$0x3FFE];
	_ =	sdelay $0x1  }
0x8a: {  	s1 =	srdreg.scid  }
0x8b: {  	s0 =	sand.u32 $0x1, s1  }
0x8c: {  	s16 =	sshll.u32 s0, $0xA;
	s2 =	sadd.s32 s3, s2  }
0x8d: {  	s2 =	sadd.s32 s2, s16  }
0x8e: {  	[smem:$0x3FC1] =	sst s2  }
0x8f: {  	_ = 	snop  }
0x90: {  	(tm) =	ssettm $0x1  }
0x91: {  	s17 =	sld [smem:$0x3FFB];
	_ =	sdelay $0x3  }
0x92: {  	_ =	strace s17  }
0x93: {  	s2 =	sld [smem:$0x3FFC];
	_ =	sdelay $0x3  }
0x94: {  	_ =	strace s2  }
0x95: {  	s2 =	sld [smem:$0x3FFD];
	_ =	sdelay $0x3  }
0x96: {  	_ =	strace s2  }
0x97: {  	_ =	strace $0x8FFFFFFF  }
0x98: {  	s18 =	sld [smem:$0x3FDB];
	_ =	sdelay $0x1  }
0x99: {  	s19 =	simm.s32 $_scs_section_size  }
0x9a: {  	s4 =	simm.s32 $_size__tile_overlayer_lowered;
	s5 =	simm.s32 $_tile_overlayer_lowered  }
0x9b: {  	s22 =	simm.s32 $0x1BFF;
	s21 =	sshll.u32 s5, $0x1;
	s2 =	sadd.s32 s19, s18  }
0x9c: {  	s6 =	simm.s32 $0x0;
	s20 =	sshll.u32 s4, $0x1;
	s4 =	sadd.s32 s21, s2  }
0x9d: {  	[timem:s6], [sflag:s22] =	dma.local [hbm:s4], s20  }
0x9e: {  	_ =	swait.ge [sflag:s22], s20  }
0x9f: {  	s3 =	ssub.s32 $0x0, s20;
	[sflag:s22] =	ssyncset.done $0x0  }
0xa0: {  	[sflag:s22] =	ssyncadd.s32 s3;
	_ =	sdelay $0x1  }
0xa1: {  	s23 =	simm.s32 $0x1B8B  }
0xa2: {  	_ =	swait.ge [sflag:s23], $0x1  }
0xa3: {  	[sflag:s23] =	ssyncset.done $0x0  }
0xa4: {  	s25 =	simm.s32 $0x1B8E;
	s24 =	sld [smem:$0x3FFE];
	[sflag:s23] =	ssyncadd.s32 $0xFFFFFFFF  }
0xa5: {  	s26 =	simm.s32 $execute0_lowered;
	[smem:$0x3FD2] =	sst s25  }
0xa6: {  	s4 =	sshll.u32 s26, $0x1;
	_ =	strace $0x80000052;
	[dreg:$0x1] =	wrdreg $0xFFFFFFFF  }
0xa7: {  	s28 =	simm.s32 $_size_execute0_lowered;
	s2 =	sadd.s32 s2, s4;
	[dreg:$0x0] =	wrdreg $0x0  }
0xa8: {  	s4 =	sshll.u32 s28, $0x1;
	[dreg:$0x2] =	wrdreg s2  }
0xa9: {  	[dreg:$0x3] =	wrdreg s4  }
0xaa: {  	[dreg:$0x4] =	wrdreg $0xC0  }
0xab: {  	_ =	task [dreg:s6], $0x5FFFF  }
0xac: {  	[dreg:$0x1] =	wrdreg $0xFFFFFFFF  }
0xad: {  	[dreg:$0x0] =	wrdreg $0x60  }
0xae: {  	[dreg:$0x2] =	wrdreg s24  }
0xaf: {  	[dreg:$0x3] =	wrdreg $0x7F000  }
0xb0: {  	[dreg:$0x4] =	wrdreg $0x9  }
0xb1: {  	_ =	task.clear_ibuf [dreg:s6], $0x5FFFF;
	_ =	strace $0x90000052  }
0xb2: {  	s29 =	simm.s32 $0x9;
	_ =	strace $0x80000054  }
0xb3: {  	_ =	swait.ge [sflag:s29], $0x1  }
0xb4: {  	[sflag:s29] =	ssyncadd.s32 $0xFFFFFFFF  }
0xb5: {  	_ =	strace $0x90000054  }
0xb6: {  	_ =	sfence  }
0xb7: {  	s30 =	sld [smem:$0x0];
	_ =	sdelay $0x2  }
0xb8: {  	s31 =	sshll.u32 s1, $0xD;
	s1 =	sshrl.u32 s1, $0x2  }
0xb9: {  	s3 =	sand.u32 $0x4000, s31;
	s1 =	sadd.s32 s1, s30  }
0xba: {  	s0 =	sor.u32 s3, s0;
	s1 =	sshll.u32 s1, $0x11  }
0xbb: {  	s0 =	sor.u32 s1, s0  }
0xbc: {  	s0 =	sadd.s32 $0x8F2B, s0  }
0xbd: {  	[sflag:s0] =	ssyncadd.remote.s32 $0x1  }
0xbe: {  	_ =	sfence.sel $0xFFFF  }
0xbf: {  	[dreg:$0x0] =	wrdreg $0xFFFFFFFF;
	(pc) =	sbr.abs _section_cstart, $3  }
0xc0: {  	[dreg:$0x1] =	wrdreg $0xFFFFFFFF  }
0xc1: {  	_ =	task.clear_ibuf [dreg:s6], $0x2FFFF;
	_ =	strace $0x9FFFFFFF  }
0xc2: {  	(tm) =	ssettm $0x7FFFFFFF  }
0xc3: {  	_ =	shalt  }
tec
execute0_lowered:
.L_overlay_start_1:
0x0: {  	(tag) =	ssettag $0x1  }
0x1: {  	s5 =	rddreg [dreg:$0x0]  }
0x2: {  	s0 =	srdreg.scid;
	s2 =	rddreg [dreg:$0x1]  }
0x3: {  	s1 =	stileid.u32;
	s3 =	simm.s32 $0x0;
	s12 =	simm.s32 $0x2780  }
0x4: {  	s13 =	simm.s32 $0x80;
	s14 =	simm.s32 $0x4F00;
	s15 =	simm.s32 $0x1  }
0x5: {  	s4 =	sand.u32 $0x1, s0;
	s0 =	rddreg [dreg:$0x2];
	s7 =	smul.u32 $0x2800, s1  }
0x6: {  	[smem:$0x7FF] =	sst s3;
	s16 =	sshll.u32 s1, $0x6;
	s6 =	sshll.u32 s4, $0x4  }
0x7: {  	s8 =	smul.u32 $0x28000, s4;
	_ =	strace $0x80000053;
	s6 =	sor.u32 s1, s6  }
0x8: {  	s30 =	ssub.s32 $0x2, s4;
	s4 =	sadd.s32 $0x16A00, s5;
	s6 =	smul.u32 $0x4F0, s6  }
0x9: {  	s16 =	sor.u32 $0x1C02, s16;
	s31 =	sshrl.u32 s30, $0x1;
	s8 =	sadd.s32 s7, s8  }
0xa: {  	s11 =	ssub.s32 s30, s31;
	s29 =	sshrl.u32 s8, $0x3;
	s9 =	sadd.s32 s6, s5  }
0xb: {  	s10 =	sadd.s32 s29, s5;
	s5 =	sadd.s32 s7, s2;
	s6 =	sadd.s32 $0x2E00, s9  }
0xc: {  	s7 =	sadd.s32 $0xCC00, s9;
	s8 =	sadd.s32 $0x1BA00, s10;
	s9 =	smax.u32 s11, $0x1  }
0xd: {  	v0 =	vimm.f32 $0.0e+00;
	s10 =	simm.s32 $0x5700;
	s11 =	simm.s32 $0x2;
	s17 =	sshrl.u32 s5, $0x3  }
.LBB2_1:
0xe: {  	s18 =	simm.s32 $0x40;
	s19 =	simm.s32 $0x0  }
.LBB2_2:
0xf: {  	p0 =	sne.s32 s18, $0x9FC0;
	[tilespmem:s19+$0x5700] =	vst v0;
	s19 =	smov.u32 s18;
	s18 =	sadd.s32 $0x40, s18  }
.Ltmp0:
0x10: {  	(pc) =	sbr.rel @p0 .LBB2_2-.Ltmp0, $2  }
0x11: {  	_ =	sdelay $0x2  }
0x12: {  	s19 =	sshra.s32 s19, $0x2  }
0x13: {  	[tilespmem:s19+$0x5700] =	vst v0  }
0x14: {  	[spmem:s5] =	stream.linear.scatter [tilespmem:s10], [sflag:$0x2], $0x2800, $0x38;
	[tilespmem:$0xA700] =	vst v63  }
0x15: {  	_ =	swait.ge [sflag:s11], $0x2800  }
0x16: {  	[sflag:s11] =	ssyncset.done $0x0  }
0x17: {  	[sflag:s11] =	ssyncadd.s32 $0xFFFFD800  }
0x18: {  	s18 =	simm.s32 $0x0;
	[bflag:$0x0] =	sbarrier.arrive $0xFFFF  }
0x19: {  	[tilespmem:s18], [sflag:$0x2] =	stream.linear.gather [hbm4b:s6+s18], $0x2780, $0x38;
	[tilespmem:$0xA700] =	vst v63  }
0x1a: {  	_ =	swait.ge [sflag:s11], $0x2780  }
0x1b: {  	[sflag:s11] =	ssyncset.done $0x0  }
0x1c: {  	[sflag:s11] =	ssyncadd.s32 $0xFFFFD880  }
0x1d: {  	[tilespmem:s12], [sflag:$0x2] =	stream.linear.gather [hbm4b:s7+s18], $0x2780, $0x38;
	[tilespmem:$0xA700] =	vst v63  }
0x1e: {  	_ =	swait.ge [sflag:s11], $0x2780  }
0x1f: {  	[sflag:s11] =	ssyncset.done $0x0  }
0x20: {  	s30 =	simm.s32 $0x0;
	[sflag:s11] =	ssyncadd.s32 $0xFFFFD880  }
0x21: {  	[tilespmem:s14], [sflag:$0x1] =	stream.indirect.gather [hbm4b:s4+s13], $0x10, s30, s13, $0xb8;
	[tilespmem:$0xA700] =	vst v63  }
0x22: {  	_ =	swait.ge [sflag:s15], $0x800  }
0x23: {  	[sflag:s15] =	ssyncset.done $0x0  }
0x24: {  	s31 =	simm.s32 $0x2780;
	[sflag:s15] =	ssyncadd.s32 $0xFFFFF800  }
0x25: {  	[spmem:s2] =	stream.indirect.scatter.add.f32 [tilespmem:s14], [sflag:$0x2], $0x10, s31, s13, $0xb8;
	[tilespmem:$0xA700] =	vst v63  }
0x26: {  	_ =	swait.ge [sflag:s11], $0x800  }
0x27: {  	s19 =	simm.s32 $0x400;
	s18 =	simm.s32 $0x200;
	[sflag:s11] =	ssyncset.done $0x0  }
.LBB2_4:
0x28: {  	s20 =	sshra.s32 s18, $0x2  }
0x29: {  	[sflag:s11] =	ssyncadd.s32 $0xFFFFF800;
	s18 =	smov.u32 s19;
	s21 =	sadd.s32 $0x200, s19  }
0x2a: {  	[tilespmem:s14], [sflag:$0x1] =	stream.indirect.gather [hbm4b:s4+s13], $0x10, s20, s13, $0xb8;
	[tilespmem:$0xA700] =	vst v63  }
0x2b: {  	p0 =	sne.s32 s19, $0x9C00;
	_ =	swait.ge [sflag:s15], $0x800  }
.Ltmp1:
0x2c: {  	[sflag:s15] =	ssyncset.done $0x0;
	(pc) =	sbr.rel @p0 .LBB2_4-.Ltmp1, $4  }
0x2d: {  	s19 =	sadd.s32 $0x2780, s20;
	[sflag:s15] =	ssyncadd.s32 $0xFFFFF800  }
0x2e: {  	[spmem:s2] =	stream.indirect.scatter.add.f32 [tilespmem:s14], [sflag:$0x2], $0x10, s19, s13, $0xb8;
	[tilespmem:$0xA700] =	vst v63  }
0x2f: {  	_ =	swait.ge [sflag:s11], $0x800  }
0x30: {  	s19 =	smov.u32 s21;
	[sflag:s11] =	ssyncset.done $0x0  }
0x31: {  	s18 =	sshra.s32 s18, $0x2;
	[sflag:s11] =	ssyncadd.s32 $0xFFFFF800  }
0x32: {  	[tilespmem:s14], [sflag:$0x1] =	stream.indirect.gather [hbm4b:s4+s13], $0x10, s18, s13, $0xb8;
	[tilespmem:$0xA700] =	vst v63  }
0x33: {  	_ =	swait.ge [sflag:s15], $0x800  }
0x34: {  	[sflag:s15] =	ssyncset.done $0x0  }
0x35: {  	s18 =	sadd.s32 $0x2780, s18;
	[sflag:s15] =	ssyncadd.s32 $0xFFFFF800  }
0x36: {  	[spmem:s2] =	stream.indirect.scatter.add.f32 [tilespmem:s14], [sflag:$0x2], $0x10, s18, s13, $0xb8;
	[tilespmem:$0xA700] =	vst v63  }
0x37: {  	_ =	swait.ge [sflag:s11], $0x800  }
0x38: {  	s3 =	sadd.s32 $0x1, s3;
	[sflag:s11] =	ssyncset.done $0x0  }
0x39: {  	p0 =	sne.s32 s3, s9;
	[sflag:s11] =	ssyncadd.s32 $0xFFFFF800  }
.Ltmp2:
0x3a: {  	[bflag:$0x0] =	sbarrier.arrive $0xFFFF;
	(pc) =	sbr.rel @p0 .LBB2_1-.Ltmp2, $4  }
0x3b: {  	[hbm:s8], [sflag:s16] =	dma.local [spmem:s17], $0x500  }
0x3c: {  	_ =	swait.ge [sflag:s11], $0x500  }
0x3d: {  	[sflag:s11] =	ssyncset.done $0x0  }
0x3e: {  	[sflag:s11] =	ssyncadd.s32 $0xFFFFFB00  }
0x3f: {  	_ =	sfence.sel $0x180000  }
0x40: {  	[bflag:$0x0] =	sbarrier.arrive $0xFFFF  }
0x41: {  	p0 =	sne.s32 s1, $0x0;
	_ =	strace $0x90000053  }
0x42: {  	s0 =	sadd.s32 @!p0 $0x100000, s0;
	[bflag:$0x2] =	sbarrier.arrive $0xFFFF  }
0x43: {  	[sflag:s0] =	ssyncadd.tile.s32 @!p0 $0x1;
	_ =	shalt  }
.Lfunc_end2:
_tile_overlayer_lowered:
.L_overlay_start_2:
0x44: {  	(tag) =	ssettag $0x2  }
0x45: {  	s0 =	rddreg [dreg:$0x0];
	s2 =	stileid.u32  }
0x46: {  	s1 =	rddreg [dreg:$0x1];
	p0 =	sne.s32 s2, $0x0  }
0x47: {  	s3 =	rddreg [dreg:$0x2];
	[bflag:$0x3] =	sbarrier.arrive $0xFFFF;
	s2 =	simm.s32 @!p0 $0x1C02  }
0x48: {  	[timem:s3], [sflag:s2] =	dma.local @!p0 [hbm:s0], s1  }
0x49: {  	s0 =	simm.s32 @!p0 $0x2  }
0x4a: {  	_ =	swait.ge @!p0 [sflag:s0], s1  }
0x4b: {  	s1 =	ssub.s32 @!p0 $0x0, s1;
	[sflag:s0] =	ssyncset.done @!p0 $0x0  }
0x4c: {  	[sflag:s0] =	ssyncadd.s32 @!p0 s1  }
0x4d: {  	[bflag:$0x3] =	sbarrier.arrive $0xFFFF  }
0x4e: {  	_ =	shalt  }

</sc_bundles>
